<compile_context>
chip_gen: v7x
topology: tpu7x:2x2x1
jax: 0.10.2.dev20260603
libtpu: 0.0.44.dev20260713+nightly
codegen_flags: <defaults>
</compile_context>

<pallas_src>
import functools

import jax
import jax.numpy as jnp
from jax import lax
from jax.experimental import pallas as pl
from jax.experimental.pallas import tpu as pltpu
from jax.experimental.pallas import tpu_sc as plsc

NN = 10000
EE = 320000
NG = 16
NWORK = 32
EPT = EE // NWORK
CH = 80
NCH = EPT // CH
EPTC = EE // 16
SLABC = 160
NSLABC = EPTC // SLABC
SUBC = SLABC // CH
ZCH = 200
NZCH = NN // ZCH
WC = 128
BN = 1000
BE = 1000

_mesh = plsc.VectorSubcoreMesh(core_axis_name="c", subcore_axis_name="s")


def _sc_gather(W):

    @functools.partial(
        pl.kernel,
        mesh=_mesh,
        out_type=(
            jax.ShapeDtypeStruct((EE, W), jnp.float32),
            jax.ShapeDtypeStruct((EE, W), jnp.float32),
        ),
        scratch_types=[
            pltpu.VMEM((CH,), jnp.int32),
            pltpu.VMEM((CH,), jnp.int32),
            pltpu.VMEM((CH, W), jnp.float32),
            pltpu.VMEM((CH, W), jnp.float32),
            pltpu.SemaphoreType.DMA,
            pltpu.SemaphoreType.DMA,
        ],
    )
    def k(tl_hbm, tr_hbm, src_hbm, dst_hbm, xls_hbm, xrd_hbm,
          sidx, didx, bufa, bufb, sema, semb):
        c = lax.axis_index("c")
        s = lax.axis_index("s")
        wid = c * 16 + s
        base = wid * EPT

        def body(j, carry):
            eb = base + j * CH
            pltpu.sync_copy(src_hbm.at[pl.ds(eb, CH)], sidx)
            pltpu.sync_copy(dst_hbm.at[pl.ds(eb, CH)], didx)
            cpa = pltpu.async_copy(tl_hbm.at[sidx], bufa, sema)
            cpb = pltpu.async_copy(tr_hbm.at[didx], bufb, semb)
            cpa.wait()
            cpb.wait()
            pltpu.sync_copy(bufa, xls_hbm.at[pl.ds(eb, CH)])
            pltpu.sync_copy(bufb, xrd_hbm.at[pl.ds(eb, CH)])
            return carry

        lax.fori_loop(0, NCH, body, 0)

    return k


def _sc_scatter():

    @functools.partial(
        pl.kernel,
        mesh=_mesh,
        out_type=jax.ShapeDtypeStruct((2, NN, WC), jnp.float32),
        scratch_types=[
            pltpu.VMEM((CH,), jnp.int32),
            pltpu.VMEM((SLABC, WC), jnp.float32),
            pltpu.VMEM((ZCH, WC), jnp.float32),
            pltpu.VMEM_SHARED((NN, WC), jnp.float32),
        ],
    )
    def k(s_hbm, dst_hbm, z_hbm, a_hbm, didx, slab, zbuf, acc_sh):
        c = lax.axis_index("c")
        s = lax.axis_index("s")
        base_e = s * EPTC

        pltpu.sync_copy(z_hbm, zbuf)
        for jj in range((NZCH + 15) // 16):
            j = s + jj * 16

            @pl.when(j < NZCH)
            def _():
                pltpu.sync_copy(zbuf, acc_sh.at[pl.ds(j * ZCH, ZCH)])

        plsc.subcore_barrier()

        def body(sl, carry):
            eb = base_e + sl * SLABC
            pltpu.sync_copy(s_hbm.at[c, pl.ds(eb, SLABC)], slab)
            for i in range(SUBC):
                pltpu.sync_copy(dst_hbm.at[pl.ds(eb + i * CH, CH)], didx)
                pltpu.sync_copy(slab.at[pl.ds(i * CH, CH)],
                                acc_sh.at[didx], add=True)
            return carry

        lax.fori_loop(0, NSLABC, body, 0)
        plsc.subcore_barrier()

        for jj in range((NZCH + 15) // 16):
            j = s + jj * 16

            @pl.when(j < NZCH)
            def _():
                pltpu.sync_copy(acc_sh.at[pl.ds(j * ZCH, ZCH)], zbuf)
                pltpu.sync_copy(zbuf, a_hbm.at[c, pl.ds(j * ZCH, ZCH)])

    return k


def _leaky(v, ns):
    return jnp.where(v >= 0, v, ns * v)


def _tc_node_mm(x_ref, wl_ref, bl_ref, wr_ref, br_ref, xl_ref, xr_ref):
    xv = x_ref[...]
    xl_ref[...] = jnp.dot(xv, wl_ref[...],
                          preferred_element_type=jnp.float32, precision=lax.Precision.HIGHEST) + bl_ref[...]
    xr_ref[...] = jnp.dot(xv, wr_ref[...],
                          preferred_element_type=jnp.float32, precision=lax.Precision.HIGHEST) + br_ref[...]


def _node_mm(x, Wl, bl, Wr, br, Din, Dout):
    grid = NN // BN
    return pl.pallas_call(
        _tc_node_mm,
        grid=(grid,),
        in_specs=[
            pl.BlockSpec((BN, Din), lambda i: (i, 0)),
            pl.BlockSpec((Din, Dout), lambda i: (0, 0)),
            pl.BlockSpec((1, Dout), lambda i: (0, 0)),
            pl.BlockSpec((Din, Dout), lambda i: (0, 0)),
            pl.BlockSpec((1, Dout), lambda i: (0, 0)),
        ],
        out_specs=[
            pl.BlockSpec((BN, Dout), lambda i: (i, 0)),
            pl.BlockSpec((BN, Dout), lambda i: (i, 0)),
        ],
        out_shape=(
            jax.ShapeDtypeStruct((NN, Dout), jnp.float32),
            jax.ShapeDtypeStruct((NN, Dout), jnp.float32),
        ),
    )(x, Wl, bl.reshape(1, Dout), Wr, br.reshape(1, Dout))


def _edge_s(xls, xrd, ea, We, attf, H, W, WIN):

    def body(xls_ref, xrd_ref, ea_ref, we_ref, att_ref, s_ref):
        e = jnp.dot(ea_ref[...], we_ref[...], preferred_element_type=jnp.float32, precision=lax.Precision.HIGHEST)
        xls_v = xls_ref[...][:, :W]
        m = _leaky(xls_v + xrd_ref[...][:, :W] + e, 0.2)
        t = m * att_ref[...]
        parts = []
        exs = []
        for h in range(H):
            lh = jnp.sum(t[:, h * 64:(h + 1) * 64], axis=1, keepdims=True)
            exh = jnp.exp(lh)
            exs.append(exh)
            parts.append(xls_v[:, h * 64:(h + 1) * 64] * exh)
        pad = jnp.zeros((BE, 2 * WC - W - H), jnp.float32)
        full = jnp.concatenate(parts + exs + [pad], axis=1)
        s_ref[...] = jnp.stack([full[:, :WC], full[:, WC:]], axis=0)

    grid = EE // BE
    return pl.pallas_call(
        body,
        grid=(grid,),
        in_specs=[
            pl.BlockSpec((BE, WIN), lambda i: (i, 0)),
            pl.BlockSpec((BE, WIN), lambda i: (i, 0)),
            pl.BlockSpec((BE, 16), lambda i: (i, 0)),
            pl.BlockSpec((16, W), lambda i: (0, 0)),
            pl.BlockSpec((1, W), lambda i: (0, 0)),
        ],
        out_specs=pl.BlockSpec((2, BE, WC), lambda i: (0, i, 0)),
        out_shape=jax.ShapeDtypeStruct((2, EE, WC), jnp.float32),
    )(xls, xrd, ea, We, attf)


def _finalize_mm(A, b, Wl, bl, Wr, br, H, W, Dout):

    def body(a_ref, b_ref, wl_ref, bl_ref, wr_ref, br_ref, xl_ref, xr_ref):
        a = a_ref[...]
        af = jnp.concatenate([a[0], a[1]], axis=1)
        num = af[:, :W]
        den = af[:, W:W + H]
        denb = jnp.repeat(den, 64, axis=1)
        h = _leaky(num / (denb + 1e-16) + b_ref[...], 0.01)
        xl_ref[...] = jnp.dot(h, wl_ref[...],
                              preferred_element_type=jnp.float32, precision=lax.Precision.HIGHEST) + bl_ref[...]
        xr_ref[...] = jnp.dot(h, wr_ref[...],
                              preferred_element_type=jnp.float32, precision=lax.Precision.HIGHEST) + br_ref[...]

    grid = NN // BN
    return pl.pallas_call(
        body,
        grid=(grid,),
        in_specs=[
            pl.BlockSpec((2, BN, WC), lambda i: (0, i, 0)),
            pl.BlockSpec((1, W), lambda i: (0, 0)),
            pl.BlockSpec((W, Dout), lambda i: (0, 0)),
            pl.BlockSpec((1, Dout), lambda i: (0, 0)),
            pl.BlockSpec((W, Dout), lambda i: (0, 0)),
            pl.BlockSpec((1, Dout), lambda i: (0, 0)),
        ],
        out_specs=[
            pl.BlockSpec((BN, Dout), lambda i: (i, 0)),
            pl.BlockSpec((BN, Dout), lambda i: (i, 0)),
        ],
        out_shape=(
            jax.ShapeDtypeStruct((NN, Dout), jnp.float32),
            jax.ShapeDtypeStruct((NN, Dout), jnp.float32),
        ),
    )(A, b.reshape(1, W), Wl, bl.reshape(1, Dout), Wr, br.reshape(1, Dout))


def _finalize_head(A, b2, db3, ws):
    H, W = 3, 192

    def body(a_ref, b_ref, db_ref, fw1, fb1, fw2, fb2, fw3, fb3, fw4, fb4,
             fw5, fb5, fw6, fb6, out_ref, acc):
        i = pl.program_id(0)

        @pl.when(i == 0)
        def _():
            acc[...] = jnp.zeros((NG, W), jnp.float32)

        a = a_ref[...]
        af = jnp.concatenate([a[0], a[1]], axis=1)
        num = af[:, :W]
        den = af[:, W:W + H]
        denb = jnp.repeat(den, 64, axis=1)
        h = _leaky(num / (denb + 1e-16) + b_ref[...], 0.01)
        g = db_ref[...][0, 0, :]
        oh = (g[:, None] == lax.broadcasted_iota(jnp.int32, (1, NG), 1)
              ).astype(jnp.float32)
        acc[...] += lax.dot_general(oh, h, (((0,), (0,)), ((), ())),
                                    preferred_element_type=jnp.float32, precision=lax.Precision.HIGHEST)

        @pl.when(i == (NN // BN) - 1)
        def _():
            p = acc[...]
            p = _leaky(jnp.dot(p, fw1[...], preferred_element_type=jnp.float32, precision=lax.Precision.HIGHEST)
                       + fb1[...], 0.01)
            p = _leaky(jnp.dot(p, fw2[...], preferred_element_type=jnp.float32, precision=lax.Precision.HIGHEST)
                       + fb2[...], 0.01)
            p = _leaky(jnp.dot(p, fw3[...], preferred_element_type=jnp.float32, precision=lax.Precision.HIGHEST)
                       + fb3[...], 0.01)
            p = _leaky(jnp.dot(p, fw4[...], preferred_element_type=jnp.float32, precision=lax.Precision.HIGHEST)
                       + fb4[...], 0.01)
            p = jnp.dot(p, fw5[...], preferred_element_type=jnp.float32, precision=lax.Precision.HIGHEST) + fb5[...]
            p = jnp.dot(p, fw6[...], preferred_element_type=jnp.float32, precision=lax.Precision.HIGHEST) + fb6[...]
            out_ref[...] = p

    grid = NN // BN
    specs = [
        pl.BlockSpec((2, BN, WC), lambda i: (0, i, 0)),
        pl.BlockSpec((1, W), lambda i: (0, 0)),
        pl.BlockSpec((1, 1, BN), lambda i: (i, 0, 0)),
    ]
    for (wa, wb) in [(192, 64), (64, 32), (32, 16), (16, 8), (8, 1), (1, 1)]:
        specs.append(pl.BlockSpec((wa, wb), lambda i: (0, 0)))
        specs.append(pl.BlockSpec((1, wb), lambda i: (0, 0)))
    args = [A, b2.reshape(1, W), db3]
    for (fw, fb) in ws:
        args.append(fw)
        args.append(fb.reshape(1, fb.shape[0]))
    return pl.pallas_call(
        body,
        grid=(grid,),
        in_specs=specs,
        out_specs=pl.BlockSpec((NG, 1), lambda i: (0, 0)),
        out_shape=jax.ShapeDtypeStruct((NG, 1), jnp.float32),
        scratch_shapes=[pltpu.VMEM((NG, W), jnp.float32)],
    )(*args)


def kernel(x, edge_index, edge_attr, data_batch, Wl1, bl1, Wr1, br1, We1,
           att1, b1, Wl2, bl2, Wr2, br2, We2, att2, b2, fW1, fb1, fW2, fb2,
           fW3, fb3, fW4, fb4, fW5, fb5, fW6, fb6):
    src1 = edge_index[0]
    dst1 = edge_index[1]
    z128 = jnp.zeros((ZCH, WC), jnp.float32)
    db3 = data_batch.reshape(NN // BN, 1, BN)
    Wl2p = jnp.pad(Wl2, ((0, 0), (0, 64)))
    Wr2p = jnp.pad(Wr2, ((0, 0), (0, 64)))
    bl2p = jnp.pad(bl2, (0, 64))
    br2p = jnp.pad(br2, (0, 64))

    xl1, xr1 = _node_mm(x, Wl1, bl1, Wr1, br1, 128, 128)
    xls1, xrd1 = _sc_gather(128)(xl1, xr1, src1, dst1)
    S1 = _edge_s(xls1, xrd1, edge_attr, We1, att1.reshape(1, 128), 2, 128, 128)
    A1 = _sc_scatter()(S1, dst1, z128)

    xl2, xr2 = _finalize_mm(A1, b1, Wl2p, bl2p, Wr2p, br2p, 2, 128, 256)

    xls2, xrd2 = _sc_gather(256)(xl2, xr2, src1, dst1)
    S2 = _edge_s(xls2, xrd2, edge_attr, We2, att2.reshape(1, 192), 3, 192, 256)
    A2 = _sc_scatter()(S2, dst1, z128)

    ws = [(fW1, fb1), (fW2, fb2), (fW3, fb3), (fW4, fb4), (fW5, fb5), (fW6, fb6)]
    return _finalize_head(A2, b2, db3, ws)

# --- scband reference (transcript-rebuilt; emitter-appended) ---
"""Pipeline reference for scband-graph-conv-attention-model-with-backbone-11106785427536 (READ-ONLY COPY).

The authoritative reference and input builder live on the scoring server;
editing this copy changes nothing except your own understanding.
"""

import jax, jax.numpy as jnp
import numpy as np

N = 10000
E = 320000
D = 128
DE = 16
G = 16

def _p(key, shape, scale=0.05):
    return jax.random.normal(key, shape, dtype=jnp.float32) * scale

def setup_inputs(seed: int = 0):
    key = jax.random.key(seed)
    ks = jax.random.split(key, 32)
    inp = {}
    inp["x"] = jax.random.normal(ks[0], (N, D), dtype=jnp.float32)
    inp["edge_index"] = jax.random.randint(ks[1], (2, E), 0, N, dtype=jnp.int32)
    inp["edge_attr"] = jax.random.normal(ks[2], (E, DE), dtype=jnp.float32)
    inp["data_batch"] = jnp.sort(jax.random.randint(ks[3], (N,), 0, G, dtype=jnp.int32))
    # conv_1: GATv2Conv(D, 64, heads=2, edge_dim=DE)
    inp["Wl1"] = _p(ks[4], (D, 128)); inp["bl1"] = jnp.zeros((128,), jnp.float32)
    inp["Wr1"] = _p(ks[5], (D, 128)); inp["br1"] = jnp.zeros((128,), jnp.float32)
    inp["We1"] = _p(ks[6], (DE, 128))
    inp["att1"] = _p(ks[7], (2, 64))
    inp["b1"] = jnp.zeros((128,), jnp.float32)
    # conv_2: GATv2Conv(128, 64, heads=3, edge_dim=DE)
    inp["Wl2"] = _p(ks[8], (128, 192)); inp["bl2"] = jnp.zeros((192,), jnp.float32)
    inp["Wr2"] = _p(ks[9], (128, 192)); inp["br2"] = jnp.zeros((192,), jnp.float32)
    inp["We2"] = _p(ks[10], (DE, 192))
    inp["att2"] = _p(ks[11], (3, 64))
    inp["b2"] = jnp.zeros((192,), jnp.float32)
    dims = [(192, 64), (64, 32), (32, 16), (16, 8), (8, 1), (1, 1)]
    for i, (a, b) in enumerate(dims):
        inp["fW%d" % (i + 1)] = _p(ks[12 + i], (a, b))
        inp["fb%d" % (i + 1)] = jnp.zeros((b,), jnp.float32)
    return inp

def _gatv2(x, src, dst, ea, Wl, bl, Wr, br, We, att, bias, H, C):
    Nn = x.shape[0]
    xl = (x @ Wl + bl).reshape(Nn, H, C)
    xr = (x @ Wr + br).reshape(Nn, H, C)
    e = (ea @ We).reshape(-1, H, C)
    m = xl[src] + xr[dst] + e
    m = jax.nn.leaky_relu(m, negative_slope=0.2)
    logits = jnp.sum(m * att[None, :, :], axis=-1)
    amax = jax.ops.segment_max(logits, dst, num_segments=Nn)
    amax = jax.lax.stop_gradient(jnp.where(jnp.isfinite(amax), amax, 0.0))
    ex = jnp.exp(logits - amax[dst])
    denom = jax.ops.segment_sum(ex, dst, num_segments=Nn)
    alpha = ex / (denom[dst] + 1e-16)
    out = jax.ops.segment_sum(alpha[:, :, None] * xl[src], dst, num_segments=Nn)
    return out.reshape(Nn, H * C) + bias

def reference(x, edge_index, edge_attr, data_batch, Wl1, bl1, Wr1, br1, We1, att1, b1, Wl2, bl2, Wr2, br2, We2, att2, b2, fW1, fb1, fW2, fb2, fW3, fb3, fW4, fb4, fW5, fb5, fW6, fb6):
    src, dst = edge_index[0], edge_index[1]
    h = _gatv2(x, src, dst, edge_attr, Wl1, bl1, Wr1, br1, We1, att1, b1, 2, 64)
    h = jax.nn.leaky_relu(h, negative_slope=0.01)
    h = _gatv2(h, src, dst, edge_attr, Wl2, bl2, Wr2, br2, We2, att2, b2, 3, 64)
    h = jax.nn.leaky_relu(h, negative_slope=0.01)
    p = jax.ops.segment_sum(h, data_batch, num_segments=G)
    p = jax.nn.leaky_relu(p @ fW1 + fb1, negative_slope=0.01)
    p = jax.nn.leaky_relu(p @ fW2 + fb2, negative_slope=0.01)
    p = jax.nn.leaky_relu(p @ fW3 + fb3, negative_slope=0.01)
    p = jax.nn.leaky_relu(p @ fW4 + fb4, negative_slope=0.01)
    p = p @ fW5 + fb5
    p = p @ fW6 + fb6
    return p

if __name__ == "__main__":
    import jax
    _d = setup_inputs()
    print(jax.jit(kernel)(*tuple(_d.values())))

</pallas_src>

<mosaic_0001>
#map = affine_map<(d0, d1) -> (0, 0, 0)>
#map1 = affine_map<(d0, d1) -> (0)>
#map2 = affine_map<(d0, d1) -> (0, 0)>
module attributes {stable_mosaic.version = 14 : i64} {
  func.func @k(%arg0: i32, %arg1: i32, %arg2: memref<2x320000x128xf32, #tpu.memory_space<hbm>>, %arg3: memref<320000xi32, #tpu.memory_space<hbm>>, %arg4: memref<200x128xf32, #tpu.memory_space<hbm>>, %arg5: memref<2x10000x128xf32, #tpu.memory_space<hbm>>, %arg6: memref<80xi32, #tpu.memory_space<vmem>>, %arg7: memref<160x128xf32, #tpu.memory_space<vmem>>, %arg8: memref<200x128xf32, #tpu.memory_space<vmem>>, %arg9: memref<10000x128xf32, #tpu.memory_space<vmem_shared>>) attributes {dimension_semantics = [#tpu.dimension_semantics<core_parallel>, #tpu.dimension_semantics<subcore_parallel>], iteration_bounds = array<i64: 2, 16>, scalar_prefetch = 0 : i64, scratch_operands = 4 : i64, tpu.core_type = #tpu.core_type<sc_vector_subcore>, window_params = [{transform_indices = #map}, {transform_indices = #map1}, {transform_indices = #map2}, {transform_indices = #map}]} {
    %mul3A = arith.constant 20000 : i32
    %mul3A_0 = arith.muli %arg1, %mul3A : i32
    "tpu.region"() ({
      %run_scoped3A = tpu.sem_alloc : memref<!tpu.dma_semaphore, #tpu.memory_space<semaphore_mem>>
      tpu.enqueue_dma source(%arg4 : memref<200x128xf32, #tpu.memory_space<hbm>>) target(%arg8 : memref<200x128xf32, #tpu.memory_space<vmem>>) target_semaphore(%run_scoped3A : memref<!tpu.dma_semaphore, #tpu.memory_space<semaphore_mem>>)
      tpu.wait_dma2 semaphore(%run_scoped3A : memref<!tpu.dma_semaphore, #tpu.memory_space<semaphore_mem>>) src(%arg4 : memref<200x128xf32, #tpu.memory_space<hbm>>) dst(%arg8 : memref<200x128xf32, #tpu.memory_space<vmem>>)
      tpu.yield
    }) : () -> ()
    %add3A = arith.constant 0 : i32
    %add3A_1 = arith.addi %arg1, %add3A : i32
    %lt3A = arith.constant 50 : i32
    %lt3A_2 = arith.cmpi slt, %add3A_1, %lt3A : i32
    %convert_element_type3A = arith.extui %lt3A_2 : i1 to i32
    %cond3A = arith.constant 0 : i32
    %cond3A_3 = arith.cmpi ne, %convert_element_type3A, %cond3A : i32
    scf.if %cond3A_3 {
      %mul3A_59 = arith.constant 200 : i32
      %mul3A_60 = arith.muli %add3A_1, %mul3A_59 : i32
      "tpu.region"() ({
        %run_scoped3A = tpu.sem_alloc : memref<!tpu.dma_semaphore, #tpu.memory_space<semaphore_mem>>
        %dma_start3A = arith.constant 0 : i32
        %dma_start3A_61 = tpu.memref_slice %arg9[%mul3A_60, %dma_start3A] : memref<10000x128xf32, #tpu.memory_space<vmem_shared>> -> memref<200x128xf32, #tpu.memory_space<vmem_shared>>
        %dma_start3A_62 = arith.constant 0 : i32
        %dma_start3A_63 = tpu.memref_slice %arg9[%mul3A_60, %dma_start3A_62] : memref<10000x128xf32, #tpu.memory_space<vmem_shared>> -> memref<200x128xf32, #tpu.memory_space<vmem_shared>>
        tpu.enqueue_dma source(%arg8 : memref<200x128xf32, #tpu.memory_space<vmem>>) target(%dma_start3A_63 : memref<200x128xf32, #tpu.memory_space<vmem_shared>>) target_semaphore(%run_scoped3A : memref<!tpu.dma_semaphore, #tpu.memory_space<semaphore_mem>>)
        %dma_wait3A = arith.constant 0 : i32
        %dma_wait3A_64 = tpu.memref_slice %arg9[%mul3A_60, %dma_wait3A] : memref<10000x128xf32, #tpu.memory_space<vmem_shared>> -> memref<200x128xf32, #tpu.memory_space<vmem_shared>>
        %dma_wait3A_65 = arith.constant 0 : i32
        %dma_wait3A_66 = tpu.memref_slice %arg9[%mul3A_60, %dma_wait3A_65] : memref<10000x128xf32, #tpu.memory_space<vmem_shared>> -> memref<200x128xf32, #tpu.memory_space<vmem_shared>>
        tpu.wait_dma2 semaphore(%run_scoped3A : memref<!tpu.dma_semaphore, #tpu.memory_space<semaphore_mem>>) src(%arg8 : memref<200x128xf32, #tpu.memory_space<vmem>>) dst(%dma_wait3A_66 : memref<200x128xf32, #tpu.memory_space<vmem_shared>>)
        tpu.yield
      }) : () -> ()
    } else {
    }
    %add3A_4 = arith.constant 16 : i32
    %add3A_5 = arith.addi %arg1, %add3A_4 : i32
    %lt3A_6 = arith.constant 50 : i32
    %lt3A_7 = arith.cmpi slt, %add3A_5, %lt3A_6 : i32
    %convert_element_type3A_8 = arith.extui %lt3A_7 : i1 to i32
    %cond3A_9 = arith.constant 0 : i32
    %cond3A_10 = arith.cmpi ne, %convert_element_type3A_8, %cond3A_9 : i32
    scf.if %cond3A_10 {
      %mul3A_59 = arith.constant 200 : i32
      %mul3A_60 = arith.muli %add3A_5, %mul3A_59 : i32
      "tpu.region"() ({
        %run_scoped3A = tpu.sem_alloc : memref<!tpu.dma_semaphore, #tpu.memory_space<semaphore_mem>>
        %dma_start3A = arith.constant 0 : i32
        %dma_start3A_61 = tpu.memref_slice %arg9[%mul3A_60, %dma_start3A] : memref<10000x128xf32, #tpu.memory_space<vmem_shared>> -> memref<200x128xf32, #tpu.memory_space<vmem_shared>>
        %dma_start3A_62 = arith.constant 0 : i32
        %dma_start3A_63 = tpu.memref_slice %arg9[%mul3A_60, %dma_start3A_62] : memref<10000x128xf32, #tpu.memory_space<vmem_shared>> -> memref<200x128xf32, #tpu.memory_space<vmem_shared>>
        tpu.enqueue_dma source(%arg8 : memref<200x128xf32, #tpu.memory_space<vmem>>) target(%dma_start3A_63 : memref<200x128xf32, #tpu.memory_space<vmem_shared>>) target_semaphore(%run_scoped3A : memref<!tpu.dma_semaphore, #tpu.memory_space<semaphore_mem>>)
        %dma_wait3A = arith.constant 0 : i32
        %dma_wait3A_64 = tpu.memref_slice %arg9[%mul3A_60, %dma_wait3A] : memref<10000x128xf32, #tpu.memory_space<vmem_shared>> -> memref<200x128xf32, #tpu.memory_space<vmem_shared>>
        %dma_wait3A_65 = arith.constant 0 : i32
        %dma_wait3A_66 = tpu.memref_slice %arg9[%mul3A_60, %dma_wait3A_65] : memref<10000x128xf32, #tpu.memory_space<vmem_shared>> -> memref<200x128xf32, #tpu.memory_space<vmem_shared>>
        tpu.wait_dma2 semaphore(%run_scoped3A : memref<!tpu.dma_semaphore, #tpu.memory_space<semaphore_mem>>) src(%arg8 : memref<200x128xf32, #tpu.memory_space<vmem>>) dst(%dma_wait3A_66 : memref<200x128xf32, #tpu.memory_space<vmem_shared>>)
        tpu.yield
      }) : () -> ()
    } else {
    }
    %add3A_11 = arith.constant 32 : i32
    %add3A_12 = arith.addi %arg1, %add3A_11 : i32
    %lt3A_13 = arith.constant 50 : i32
    %lt3A_14 = arith.cmpi slt, %add3A_12, %lt3A_13 : i32
    %convert_element_type3A_15 = arith.extui %lt3A_14 : i1 to i32
    %cond3A_16 = arith.constant 0 : i32
    %cond3A_17 = arith.cmpi ne, %convert_element_type3A_15, %cond3A_16 : i32
    scf.if %cond3A_17 {
      %mul3A_59 = arith.constant 200 : i32
      %mul3A_60 = arith.muli %add3A_12, %mul3A_59 : i32
      "tpu.region"() ({
        %run_scoped3A = tpu.sem_alloc : memref<!tpu.dma_semaphore, #tpu.memory_space<semaphore_mem>>
        %dma_start3A = arith.constant 0 : i32
        %dma_start3A_61 = tpu.memref_slice %arg9[%mul3A_60, %dma_start3A] : memref<10000x128xf32, #tpu.memory_space<vmem_shared>> -> memref<200x128xf32, #tpu.memory_space<vmem_shared>>
        %dma_start3A_62 = arith.constant 0 : i32
        %dma_start3A_63 = tpu.memref_slice %arg9[%mul3A_60, %dma_start3A_62] : memref<10000x128xf32, #tpu.memory_space<vmem_shared>> -> memref<200x128xf32, #tpu.memory_space<vmem_shared>>
        tpu.enqueue_dma source(%arg8 : memref<200x128xf32, #tpu.memory_space<vmem>>) target(%dma_start3A_63 : memref<200x128xf32, #tpu.memory_space<vmem_shared>>) target_semaphore(%run_scoped3A : memref<!tpu.dma_semaphore, #tpu.memory_space<semaphore_mem>>)
        %dma_wait3A = arith.constant 0 : i32
        %dma_wait3A_64 = tpu.memref_slice %arg9[%mul3A_60, %dma_wait3A] : memref<10000x128xf32, #tpu.memory_space<vmem_shared>> -> memref<200x128xf32, #tpu.memory_space<vmem_shared>>
        %dma_wait3A_65 = arith.constant 0 : i32
        %dma_wait3A_66 = tpu.memref_slice %arg9[%mul3A_60, %dma_wait3A_65] : memref<10000x128xf32, #tpu.memory_space<vmem_shared>> -> memref<200x128xf32, #tpu.memory_space<vmem_shared>>
        tpu.wait_dma2 semaphore(%run_scoped3A : memref<!tpu.dma_semaphore, #tpu.memory_space<semaphore_mem>>) src(%arg8 : memref<200x128xf32, #tpu.memory_space<vmem>>) dst(%dma_wait3A_66 : memref<200x128xf32, #tpu.memory_space<vmem_shared>>)
        tpu.yield
      }) : () -> ()
    } else {
    }
    %add3A_18 = arith.constant 48 : i32
    %add3A_19 = arith.addi %arg1, %add3A_18 : i32
    %lt3A_20 = arith.constant 50 : i32
    %lt3A_21 = arith.cmpi slt, %add3A_19, %lt3A_20 : i32
    %convert_element_type3A_22 = arith.extui %lt3A_21 : i1 to i32
    %cond3A_23 = arith.constant 0 : i32
    %cond3A_24 = arith.cmpi ne, %convert_element_type3A_22, %cond3A_23 : i32
    scf.if %cond3A_24 {
      %mul3A_59 = arith.constant 200 : i32
      %mul3A_60 = arith.muli %add3A_19, %mul3A_59 : i32
      "tpu.region"() ({
        %run_scoped3A = tpu.sem_alloc : memref<!tpu.dma_semaphore, #tpu.memory_space<semaphore_mem>>
        %dma_start3A = arith.constant 0 : i32
        %dma_start3A_61 = tpu.memref_slice %arg9[%mul3A_60, %dma_start3A] : memref<10000x128xf32, #tpu.memory_space<vmem_shared>> -> memref<200x128xf32, #tpu.memory_space<vmem_shared>>
        %dma_start3A_62 = arith.constant 0 : i32
        %dma_start3A_63 = tpu.memref_slice %arg9[%mul3A_60, %dma_start3A_62] : memref<10000x128xf32, #tpu.memory_space<vmem_shared>> -> memref<200x128xf32, #tpu.memory_space<vmem_shared>>
        tpu.enqueue_dma source(%arg8 : memref<200x128xf32, #tpu.memory_space<vmem>>) target(%dma_start3A_63 : memref<200x128xf32, #tpu.memory_space<vmem_shared>>) target_semaphore(%run_scoped3A : memref<!tpu.dma_semaphore, #tpu.memory_space<semaphore_mem>>)
        %dma_wait3A = arith.constant 0 : i32
        %dma_wait3A_64 = tpu.memref_slice %arg9[%mul3A_60, %dma_wait3A] : memref<10000x128xf32, #tpu.memory_space<vmem_shared>> -> memref<200x128xf32, #tpu.memory_space<vmem_shared>>
        %dma_wait3A_65 = arith.constant 0 : i32
        %dma_wait3A_66 = tpu.memref_slice %arg9[%mul3A_60, %dma_wait3A_65] : memref<10000x128xf32, #tpu.memory_space<vmem_shared>> -> memref<200x128xf32, #tpu.memory_space<vmem_shared>>
        tpu.wait_dma2 semaphore(%run_scoped3A : memref<!tpu.dma_semaphore, #tpu.memory_space<semaphore_mem>>) src(%arg8 : memref<200x128xf32, #tpu.memory_space<vmem>>) dst(%dma_wait3A_66 : memref<200x128xf32, #tpu.memory_space<vmem_shared>>)
        tpu.yield
      }) : () -> ()
    } else {
    }
    %barrier3A = arith.constant 0 : index
    tpu.barrier barrier_id(%barrier3A)
    %scan3A = arith.constant 0 : i32
    %scan3A_25 = arith.constant 0 : i32
    %scan3A_26 = arith.constant 125 : i32
    %scan3A_27 = arith.addi %scan3A_25, %scan3A_26 : i32
    %scan3A_28 = arith.constant 1 : i32
    scf.for %scan3A_59 = %scan3A_25 to %scan3A_27 step %scan3A_28  : i32 {
      %mul3A_60 = arith.constant 160 : i32
      %mul3A_61 = arith.muli %scan3A_59, %mul3A_60 : i32
      %add3A_62 = arith.addi %mul3A_0, %mul3A_61 : i32
      "tpu.region"() ({
        %run_scoped3A = tpu.sem_alloc : memref<!tpu.dma_semaphore, #tpu.memory_space<semaphore_mem>>
        %dma_start3A = arith.constant 0 : i32
        %dma_start3A_67 = tpu.memref_slice %arg2[%arg0, %add3A_62, %dma_start3A] : memref<2x320000x128xf32, #tpu.memory_space<hbm>> -> memref<1x160x128xf32, #tpu.memory_space<hbm>>
        %dma_start3A_68 = tpu.memref_squeeze %dma_start3A_67 : memref<1x160x128xf32, #tpu.memory_space<hbm>> -> memref<160x128xf32, #tpu.memory_space<hbm>>
        %dma_start3A_69 = arith.constant 0 : i32
        %dma_start3A_70 = tpu.memref_slice %arg2[%arg0, %add3A_62, %dma_start3A_69] : memref<2x320000x128xf32, #tpu.memory_space<hbm>> -> memref<1x160x128xf32, #tpu.memory_space<hbm>>
        %dma_start3A_71 = tpu.memref_squeeze %dma_start3A_70 : memref<1x160x128xf32, #tpu.memory_space<hbm>> -> memref<160x128xf32, #tpu.memory_space<hbm>>
        tpu.enqueue_dma source(%dma_start3A_71 : memref<160x128xf32, #tpu.memory_space<hbm>>) target(%arg7 : memref<160x128xf32, #tpu.memory_space<vmem>>) target_semaphore(%run_scoped3A : memref<!tpu.dma_semaphore, #tpu.memory_space<semaphore_mem>>)
        %dma_wait3A = arith.constant 0 : i32
        %dma_wait3A_72 = tpu.memref_slice %arg2[%arg0, %add3A_62, %dma_wait3A] : memref<2x320000x128xf32, #tpu.memory_space<hbm>> -> memref<1x160x128xf32, #tpu.memory_space<hbm>>
        %dma_wait3A_73 = tpu.memref_squeeze %dma_wait3A_72 : memref<1x160x128xf32, #tpu.memory_space<hbm>> -> memref<160x128xf32, #tpu.memory_space<hbm>>
        %dma_wait3A_74 = arith.constant 0 : i32
        %dma_wait3A_75 = tpu.memref_slice %arg2[%arg0, %add3A_62, %dma_wait3A_74] : memref<2x320000x128xf32, #tpu.memory_space<hbm>> -> memref<1x160x128xf32, #tpu.memory_space<hbm>>
        %dma_wait3A_76 = tpu.memref_squeeze %dma_wait3A_75 : memref<1x160x128xf32, #tpu.memory_space<hbm>> -> memref<160x128xf32, #tpu.memory_space<hbm>>
        tpu.wait_dma2 semaphore(%run_scoped3A : memref<!tpu.dma_semaphore, #tpu.memory_space<semaphore_mem>>) src(%dma_wait3A_76 : memref<160x128xf32, #tpu.memory_space<hbm>>) dst(%arg7 : memref<160x128xf32, #tpu.memory_space<vmem>>)
        tpu.yield
      }) : () -> ()
      %add3A_63 = arith.constant 0 : i32
      %add3A_64 = arith.addi %add3A_62, %add3A_63 : i32
      "tpu.region"() ({
        %run_scoped3A = tpu.sem_alloc : memref<!tpu.dma_semaphore, #tpu.memory_space<semaphore_mem>>
        %dma_start3A = tpu.memref_slice %arg3[%add3A_64] : memref<320000xi32, #tpu.memory_space<hbm>> -> memref<80xi32, #tpu.memory_space<hbm>>
        %dma_start3A_67 = tpu.memref_slice %arg3[%add3A_64] : memref<320000xi32, #tpu.memory_space<hbm>> -> memref<80xi32, #tpu.memory_space<hbm>>
        tpu.enqueue_dma source(%dma_start3A_67 : memref<80xi32, #tpu.memory_space<hbm>>) target(%arg6 : memref<80xi32, #tpu.memory_space<vmem>>) target_semaphore(%run_scoped3A : memref<!tpu.dma_semaphore, #tpu.memory_space<semaphore_mem>>)
        %dma_wait3A = tpu.memref_slice %arg3[%add3A_64] : memref<320000xi32, #tpu.memory_space<hbm>> -> memref<80xi32, #tpu.memory_space<hbm>>
        %dma_wait3A_68 = tpu.memref_slice %arg3[%add3A_64] : memref<320000xi32, #tpu.memory_space<hbm>> -> memref<80xi32, #tpu.memory_space<hbm>>
        tpu.wait_dma2 semaphore(%run_scoped3A : memref<!tpu.dma_semaphore, #tpu.memory_space<semaphore_mem>>) src(%dma_wait3A_68 : memref<80xi32, #tpu.memory_space<hbm>>) dst(%arg6 : memref<80xi32, #tpu.memory_space<vmem>>)
        tpu.yield
      }) : () -> ()
      "tpu.region"() ({
        %run_scoped3A = tpu.sem_alloc : memref<!tpu.dma_semaphore, #tpu.memory_space<semaphore_mem>>
        %dma_start3A = arith.constant 0 : i32
        %dma_start3A_67 = arith.constant 0 : i32
        %dma_start3A_68 = tpu.memref_slice %arg7[%dma_start3A, %dma_start3A_67] : memref<160x128xf32, #tpu.memory_space<vmem>> -> memref<80x128xf32, #tpu.memory_space<vmem>>
        %dma_start3A_69 = arith.constant 0 : i32
        %dma_start3A_70 = arith.constant 0 : i32
        %dma_start3A_71 = tpu.memref_slice %arg9[%dma_start3A_69, %dma_start3A_70] : memref<10000x128xf32, #tpu.memory_space<vmem_shared>> -> memref<10000x128xf32, #tpu.memory_space<vmem_shared>>
        tpu.enqueue_indirect_dma source(%dma_start3A_68 : memref<80x128xf32, #tpu.memory_space<vmem>>) target(%dma_start3A_71 : memref<10000x128xf32, #tpu.memory_space<vmem_shared>>) offsets(%arg6 : memref<80xi32, #tpu.memory_space<vmem>>) semaphore(%run_scoped3A : memref<!tpu.dma_semaphore, #tpu.memory_space<semaphore_mem>>) {add = true}
        %dma_wait3A = arith.constant 0 : i32
        %dma_wait3A_72 = arith.constant 0 : i32
        %dma_wait3A_73 = tpu.memref_slice %arg7[%dma_wait3A, %dma_wait3A_72] : memref<160x128xf32, #tpu.memory_space<vmem>> -> memref<80x128xf32, #tpu.memory_space<vmem>>
        %dma_wait3A_74 = arith.constant 0 : i32
        %dma_wait3A_75 = arith.constant 0 : i32
        %dma_wait3A_76 = tpu.memref_slice %arg9[%dma_wait3A_74, %dma_wait3A_75] : memref<10000x128xf32, #tpu.memory_space<vmem_shared>> -> memref<10000x128xf32, #tpu.memory_space<vmem_shared>>
        tpu.wait_indirect_dma semaphore(%run_scoped3A : memref<!tpu.dma_semaphore, #tpu.memory_space<semaphore_mem>>) src(%dma_wait3A_73 : memref<80x128xf32, #tpu.memory_space<vmem>>) dst(%dma_wait3A_76 : memref<10000x128xf32, #tpu.memory_space<vmem_shared>>)
        tpu.yield
      }) : () -> ()
      %add3A_65 = arith.constant 80 : i32
      %add3A_66 = arith.addi %add3A_62, %add3A_65 : i32
      "tpu.region"() ({
        %run_scoped3A = tpu.sem_alloc : memref<!tpu.dma_semaphore, #tpu.memory_space<semaphore_mem>>
        %dma_start3A = tpu.memref_slice %arg3[%add3A_66] : memref<320000xi32, #tpu.memory_space<hbm>> -> memref<80xi32, #tpu.memory_space<hbm>>
        %dma_start3A_67 = tpu.memref_slice %arg3[%add3A_66] : memref<320000xi32, #tpu.memory_space<hbm>> -> memref<80xi32, #tpu.memory_space<hbm>>
        tpu.enqueue_dma source(%dma_start3A_67 : memref<80xi32, #tpu.memory_space<hbm>>) target(%arg6 : memref<80xi32, #tpu.memory_space<vmem>>) target_semaphore(%run_scoped3A : memref<!tpu.dma_semaphore, #tpu.memory_space<semaphore_mem>>)
        %dma_wait3A = tpu.memref_slice %arg3[%add3A_66] : memref<320000xi32, #tpu.memory_space<hbm>> -> memref<80xi32, #tpu.memory_space<hbm>>
        %dma_wait3A_68 = tpu.memref_slice %arg3[%add3A_66] : memref<320000xi32, #tpu.memory_space<hbm>> -> memref<80xi32, #tpu.memory_space<hbm>>
        tpu.wait_dma2 semaphore(%run_scoped3A : memref<!tpu.dma_semaphore, #tpu.memory_space<semaphore_mem>>) src(%dma_wait3A_68 : memref<80xi32, #tpu.memory_space<hbm>>) dst(%arg6 : memref<80xi32, #tpu.memory_space<vmem>>)
        tpu.yield
      }) : () -> ()
      "tpu.region"() ({
        %run_scoped3A = tpu.sem_alloc : memref<!tpu.dma_semaphore, #tpu.memory_space<semaphore_mem>>
        %dma_start3A = arith.constant 80 : i32
        %dma_start3A_67 = arith.constant 0 : i32
        %dma_start3A_68 = tpu.memref_slice %arg7[%dma_start3A, %dma_start3A_67] : memref<160x128xf32, #tpu.memory_space<vmem>> -> memref<80x128xf32, #tpu.memory_space<vmem>>
        %dma_start3A_69 = arith.constant 0 : i32
        %dma_start3A_70 = arith.constant 0 : i32
        %dma_start3A_71 = tpu.memref_slice %arg9[%dma_start3A_69, %dma_start3A_70] : memref<10000x128xf32, #tpu.memory_space<vmem_shared>> -> memref<10000x128xf32, #tpu.memory_space<vmem_shared>>
        tpu.enqueue_indirect_dma source(%dma_start3A_68 : memref<80x128xf32, #tpu.memory_space<vmem>>) target(%dma_start3A_71 : memref<10000x128xf32, #tpu.memory_space<vmem_shared>>) offsets(%arg6 : memref<80xi32, #tpu.memory_space<vmem>>) semaphore(%run_scoped3A : memref<!tpu.dma_semaphore, #tpu.memory_space<semaphore_mem>>) {add = true}
        %dma_wait3A = arith.constant 80 : i32
        %dma_wait3A_72 = arith.constant 0 : i32
        %dma_wait3A_73 = tpu.memref_slice %arg7[%dma_wait3A, %dma_wait3A_72] : memref<160x128xf32, #tpu.memory_space<vmem>> -> memref<80x128xf32, #tpu.memory_space<vmem>>
        %dma_wait3A_74 = arith.constant 0 : i32
        %dma_wait3A_75 = arith.constant 0 : i32
        %dma_wait3A_76 = tpu.memref_slice %arg9[%dma_wait3A_74, %dma_wait3A_75] : memref<10000x128xf32, #tpu.memory_space<vmem_shared>> -> memref<10000x128xf32, #tpu.memory_space<vmem_shared>>
        tpu.wait_indirect_dma semaphore(%run_scoped3A : memref<!tpu.dma_semaphore, #tpu.memory_space<semaphore_mem>>) src(%dma_wait3A_73 : memref<80x128xf32, #tpu.memory_space<vmem>>) dst(%dma_wait3A_76 : memref<10000x128xf32, #tpu.memory_space<vmem_shared>>)
        tpu.yield
      }) : () -> ()
    }
    %scan3A_29 = arith.constant 125 : i32
    %barrier3A_30 = arith.constant 0 : index
    tpu.barrier barrier_id(%barrier3A_30)
    %add3A_31 = arith.constant 0 : i32
    %add3A_32 = arith.addi %arg1, %add3A_31 : i32
    %lt3A_33 = arith.constant 50 : i32
    %lt3A_34 = arith.cmpi slt, %add3A_32, %lt3A_33 : i32
    %convert_element_type3A_35 = arith.extui %lt3A_34 : i1 to i32
    %cond3A_36 = arith.constant 0 : i32
    %cond3A_37 = arith.cmpi ne, %convert_element_type3A_35, %cond3A_36 : i32
    scf.if %cond3A_37 {
      %mul3A_59 = arith.constant 200 : i32
      %mul3A_60 = arith.muli %add3A_32, %mul3A_59 : i32
      "tpu.region"() ({
        %run_scoped3A = tpu.sem_alloc : memref<!tpu.dma_semaphore, #tpu.memory_space<semaphore_mem>>
        %dma_start3A = arith.constant 0 : i32
        %dma_start3A_63 = tpu.memref_slice %arg9[%mul3A_60, %dma_start3A] : memref<10000x128xf32, #tpu.memory_space<vmem_shared>> -> memref<200x128xf32, #tpu.memory_space<vmem_shared>>
        %dma_start3A_64 = arith.constant 0 : i32
        %dma_start3A_65 = tpu.memref_slice %arg9[%mul3A_60, %dma_start3A_64] : memref<10000x128xf32, #tpu.memory_space<vmem_shared>> -> memref<200x128xf32, #tpu.memory_space<vmem_shared>>
        tpu.enqueue_dma source(%dma_start3A_65 : memref<200x128xf32, #tpu.memory_space<vmem_shared>>) target(%arg8 : memref<200x128xf32, #tpu.memory_space<vmem>>) target_semaphore(%run_scoped3A : memref<!tpu.dma_semaphore, #tpu.memory_space<semaphore_mem>>)
        %dma_wait3A = arith.constant 0 : i32
        %dma_wait3A_66 = tpu.memref_slice %arg9[%mul3A_60, %dma_wait3A] : memref<10000x128xf32, #tpu.memory_space<vmem_shared>> -> memref<200x128xf32, #tpu.memory_space<vmem_shared>>
        %dma_wait3A_67 = arith.constant 0 : i32
        %dma_wait3A_68 = tpu.memref_slice %arg9[%mul3A_60, %dma_wait3A_67] : memref<10000x128xf32, #tpu.memory_space<vmem_shared>> -> memref<200x128xf32, #tpu.memory_space<vmem_shared>>
        tpu.wait_dma2 semaphore(%run_scoped3A : memref<!tpu.dma_semaphore, #tpu.memory_space<semaphore_mem>>) src(%dma_wait3A_68 : memref<200x128xf32, #tpu.memory_space<vmem_shared>>) dst(%arg8 : memref<200x128xf32, #tpu.memory_space<vmem>>)
        tpu.yield
      }) : () -> ()
      %mul3A_61 = arith.constant 200 : i32
      %mul3A_62 = arith.muli %add3A_32, %mul3A_61 : i32
      "tpu.region"() ({
        %run_scoped3A = tpu.sem_alloc : memref<!tpu.dma_semaphore, #tpu.memory_space<semaphore_mem>>
        %dma_start3A = arith.constant 0 : i32
        %dma_start3A_63 = tpu.memref_slice %arg5[%arg0, %mul3A_62, %dma_start3A] : memref<2x10000x128xf32, #tpu.memory_space<hbm>> -> memref<1x200x128xf32, #tpu.memory_space<hbm>>
        %dma_start3A_64 = tpu.memref_squeeze %dma_start3A_63 : memref<1x200x128xf32, #tpu.memory_space<hbm>> -> memref<200x128xf32, #tpu.memory_space<hbm>>
        %dma_start3A_65 = arith.constant 0 : i32
        %dma_start3A_66 = tpu.memref_slice %arg5[%arg0, %mul3A_62, %dma_start3A_65] : memref<2x10000x128xf32, #tpu.memory_space<hbm>> -> memref<1x200x128xf32, #tpu.memory_space<hbm>>
        %dma_start3A_67 = tpu.memref_squeeze %dma_start3A_66 : memref<1x200x128xf32, #tpu.memory_space<hbm>> -> memref<200x128xf32, #tpu.memory_space<hbm>>
        tpu.enqueue_dma source(%arg8 : memref<200x128xf32, #tpu.memory_space<vmem>>) target(%dma_start3A_67 : memref<200x128xf32, #tpu.memory_space<hbm>>) target_semaphore(%run_scoped3A : memref<!tpu.dma_semaphore, #tpu.memory_space<semaphore_mem>>)
        %dma_wait3A = arith.constant 0 : i32
        %dma_wait3A_68 = tpu.memref_slice %arg5[%arg0, %mul3A_62, %dma_wait3A] : memref<2x10000x128xf32, #tpu.memory_space<hbm>> -> memref<1x200x128xf32, #tpu.memory_space<hbm>>
        %dma_wait3A_69 = tpu.memref_squeeze %dma_wait3A_68 : memref<1x200x128xf32, #tpu.memory_space<hbm>> -> memref<200x128xf32, #tpu.memory_space<hbm>>
        %dma_wait3A_70 = arith.constant 0 : i32
        %dma_wait3A_71 = tpu.memref_slice %arg5[%arg0, %mul3A_62, %dma_wait3A_70] : memref<2x10000x128xf32, #tpu.memory_space<hbm>> -> memref<1x200x128xf32, #tpu.memory_space<hbm>>
        %dma_wait3A_72 = tpu.memref_squeeze %dma_wait3A_71 : memref<1x200x128xf32, #tpu.memory_space<hbm>> -> memref<200x128xf32, #tpu.memory_space<hbm>>
        tpu.wait_dma2 semaphore(%run_scoped3A : memref<!tpu.dma_semaphore, #tpu.memory_space<semaphore_mem>>) src(%arg8 : memref<200x128xf32, #tpu.memory_space<vmem>>) dst(%dma_wait3A_72 : memref<200x128xf32, #tpu.memory_space<hbm>>)
        tpu.yield
      }) : () -> ()
    } else {
    }
    %add3A_38 = arith.constant 16 : i32
    %add3A_39 = arith.addi %arg1, %add3A_38 : i32
    %lt3A_40 = arith.constant 50 : i32
    %lt3A_41 = arith.cmpi slt, %add3A_39, %lt3A_40 : i32
    %convert_element_type3A_42 = arith.extui %lt3A_41 : i1 to i32
    %cond3A_43 = arith.constant 0 : i32
    %cond3A_44 = arith.cmpi ne, %convert_element_type3A_42, %cond3A_43 : i32
    scf.if %cond3A_44 {
      %mul3A_59 = arith.constant 200 : i32
      %mul3A_60 = arith.muli %add3A_39, %mul3A_59 : i32
      "tpu.region"() ({
        %run_scoped3A = tpu.sem_alloc : memref<!tpu.dma_semaphore, #tpu.memory_space<semaphore_mem>>
        %dma_start3A = arith.constant 0 : i32
        %dma_start3A_63 = tpu.memref_slice %arg9[%mul3A_60, %dma_start3A] : memref<10000x128xf32, #tpu.memory_space<vmem_shared>> -> memref<200x128xf32, #tpu.memory_space<vmem_shared>>
        %dma_start3A_64 = arith.constant 0 : i32
        %dma_start3A_65 = tpu.memref_slice %arg9[%mul3A_60, %dma_start3A_64] : memref<10000x128xf32, #tpu.memory_space<vmem_shared>> -> memref<200x128xf32, #tpu.memory_space<vmem_shared>>
        tpu.enqueue_dma source(%dma_start3A_65 : memref<200x128xf32, #tpu.memory_space<vmem_shared>>) target(%arg8 : memref<200x128xf32, #tpu.memory_space<vmem>>) target_semaphore(%run_scoped3A : memref<!tpu.dma_semaphore, #tpu.memory_space<semaphore_mem>>)
        %dma_wait3A = arith.constant 0 : i32
        %dma_wait3A_66 = tpu.memref_slice %arg9[%mul3A_60, %dma_wait3A] : memref<10000x128xf32, #tpu.memory_space<vmem_shared>> -> memref<200x128xf32, #tpu.memory_space<vmem_shared>>
        %dma_wait3A_67 = arith.constant 0 : i32
        %dma_wait3A_68 = tpu.memref_slice %arg9[%mul3A_60, %dma_wait3A_67] : memref<10000x128xf32, #tpu.memory_space<vmem_shared>> -> memref<200x128xf32, #tpu.memory_space<vmem_shared>>
        tpu.wait_dma2 semaphore(%run_scoped3A : memref<!tpu.dma_semaphore, #tpu.memory_space<semaphore_mem>>) src(%dma_wait3A_68 : memref<200x128xf32, #tpu.memory_space<vmem_shared>>) dst(%arg8 : memref<200x128xf32, #tpu.memory_space<vmem>>)
        tpu.yield
      }) : () -> ()
      %mul3A_61 = arith.constant 200 : i32
      %mul3A_62 = arith.muli %add3A_39, %mul3A_61 : i32
      "tpu.region"() ({
        %run_scoped3A = tpu.sem_alloc : memref<!tpu.dma_semaphore, #tpu.memory_space<semaphore_mem>>
        %dma_start3A = arith.constant 0 : i32
        %dma_start3A_63 = tpu.memref_slice %arg5[%arg0, %mul3A_62, %dma_start3A] : memref<2x10000x128xf32, #tpu.memory_space<hbm>> -> memref<1x200x128xf32, #tpu.memory_space<hbm>>
        %dma_start3A_64 = tpu.memref_squeeze %dma_start3A_63 : memref<1x200x128xf32, #tpu.memory_space<hbm>> -> memref<200x128xf32, #tpu.memory_space<hbm>>
        %dma_start3A_65 = arith.constant 0 : i32
        %dma_start3A_66 = tpu.memref_slice %arg5[%arg0, %mul3A_62, %dma_start3A_65] : memref<2x10000x128xf32, #tpu.memory_space<hbm>> -> memref<1x200x128xf32, #tpu.memory_space<hbm>>
        %dma_start3A_67 = tpu.memref_squeeze %dma_start3A_66 : memref<1x200x128xf32, #tpu.memory_space<hbm>> -> memref<200x128xf32, #tpu.memory_space<hbm>>
        tpu.enqueue_dma source(%arg8 : memref<200x128xf32, #tpu.memory_space<vmem>>) target(%dma_start3A_67 : memref<200x128xf32, #tpu.memory_space<hbm>>) target_semaphore(%run_scoped3A : memref<!tpu.dma_semaphore, #tpu.memory_space<semaphore_mem>>)
        %dma_wait3A = arith.constant 0 : i32
        %dma_wait3A_68 = tpu.memref_slice %arg5[%arg0, %mul3A_62, %dma_wait3A] : memref<2x10000x128xf32, #tpu.memory_space<hbm>> -> memref<1x200x128xf32, #tpu.memory_space<hbm>>
        %dma_wait3A_69 = tpu.memref_squeeze %dma_wait3A_68 : memref<1x200x128xf32, #tpu.memory_space<hbm>> -> memref<200x128xf32, #tpu.memory_space<hbm>>
        %dma_wait3A_70 = arith.constant 0 : i32
        %dma_wait3A_71 = tpu.memref_slice %arg5[%arg0, %mul3A_62, %dma_wait3A_70] : memref<2x10000x128xf32, #tpu.memory_space<hbm>> -> memref<1x200x128xf32, #tpu.memory_space<hbm>>
        %dma_wait3A_72 = tpu.memref_squeeze %dma_wait3A_71 : memref<1x200x128xf32, #tpu.memory_space<hbm>> -> memref<200x128xf32, #tpu.memory_space<hbm>>
        tpu.wait_dma2 semaphore(%run_scoped3A : memref<!tpu.dma_semaphore, #tpu.memory_space<semaphore_mem>>) src(%arg8 : memref<200x128xf32, #tpu.memory_space<vmem>>) dst(%dma_wait3A_72 : memref<200x128xf32, #tpu.memory_space<hbm>>)
        tpu.yield
      }) : () -> ()
    } else {
    }
    %add3A_45 = arith.constant 32 : i32
    %add3A_46 = arith.addi %arg1, %add3A_45 : i32
    %lt3A_47 = arith.constant 50 : i32
    %lt3A_48 = arith.cmpi slt, %add3A_46, %lt3A_47 : i32
    %convert_element_type3A_49 = arith.extui %lt3A_48 : i1 to i32
    %cond3A_50 = arith.constant 0 : i32
    %cond3A_51 = arith.cmpi ne, %convert_element_type3A_49, %cond3A_50 : i32
    scf.if %cond3A_51 {
      %mul3A_59 = arith.constant 200 : i32
      %mul3A_60 = arith.muli %add3A_46, %mul3A_59 : i32
      "tpu.region"() ({
        %run_scoped3A = tpu.sem_alloc : memref<!tpu.dma_semaphore, #tpu.memory_space<semaphore_mem>>
        %dma_start3A = arith.constant 0 : i32
        %dma_start3A_63 = tpu.memref_slice %arg9[%mul3A_60, %dma_start3A] : memref<10000x128xf32, #tpu.memory_space<vmem_shared>> -> memref<200x128xf32, #tpu.memory_space<vmem_shared>>
        %dma_start3A_64 = arith.constant 0 : i32
        %dma_start3A_65 = tpu.memref_slice %arg9[%mul3A_60, %dma_start3A_64] : memref<10000x128xf32, #tpu.memory_space<vmem_shared>> -> memref<200x128xf32, #tpu.memory_space<vmem_shared>>
        tpu.enqueue_dma source(%dma_start3A_65 : memref<200x128xf32, #tpu.memory_space<vmem_shared>>) target(%arg8 : memref<200x128xf32, #tpu.memory_space<vmem>>) target_semaphore(%run_scoped3A : memref<!tpu.dma_semaphore, #tpu.memory_space<semaphore_mem>>)
        %dma_wait3A = arith.constant 0 : i32
        %dma_wait3A_66 = tpu.memref_slice %arg9[%mul3A_60, %dma_wait3A] : memref<10000x128xf32, #tpu.memory_space<vmem_shared>> -> memref<200x128xf32, #tpu.memory_space<vmem_shared>>
        %dma_wait3A_67 = arith.constant 0 : i32
        %dma_wait3A_68 = tpu.memref_slice %arg9[%mul3A_60, %dma_wait3A_67] : memref<10000x128xf32, #tpu.memory_space<vmem_shared>> -> memref<200x128xf32, #tpu.memory_space<vmem_shared>>
        tpu.wait_dma2 semaphore(%run_scoped3A : memref<!tpu.dma_semaphore, #tpu.memory_space<semaphore_mem>>) src(%dma_wait3A_68 : memref<200x128xf32, #tpu.memory_space<vmem_shared>>) dst(%arg8 : memref<200x128xf32, #tpu.memory_space<vmem>>)
        tpu.yield
      }) : () -> ()
      %mul3A_61 = arith.constant 200 : i32
      %mul3A_62 = arith.muli %add3A_46, %mul3A_61 : i32
      "tpu.region"() ({
        %run_scoped3A = tpu.sem_alloc : memref<!tpu.dma_semaphore, #tpu.memory_space<semaphore_mem>>
        %dma_start3A = arith.constant 0 : i32
        %dma_start3A_63 = tpu.memref_slice %arg5[%arg0, %mul3A_62, %dma_start3A] : memref<2x10000x128xf32, #tpu.memory_space<hbm>> -> memref<1x200x128xf32, #tpu.memory_space<hbm>>
        %dma_start3A_64 = tpu.memref_squeeze %dma_start3A_63 : memref<1x200x128xf32, #tpu.memory_space<hbm>> -> memref<200x128xf32, #tpu.memory_space<hbm>>
        %dma_start3A_65 = arith.constant 0 : i32
        %dma_start3A_66 = tpu.memref_slice %arg5[%arg0, %mul3A_62, %dma_start3A_65] : memref<2x10000x128xf32, #tpu.memory_space<hbm>> -> memref<1x200x128xf32, #tpu.memory_space<hbm>>
        %dma_start3A_67 = tpu.memref_squeeze %dma_start3A_66 : memref<1x200x128xf32, #tpu.memory_space<hbm>> -> memref<200x128xf32, #tpu.memory_space<hbm>>
        tpu.enqueue_dma source(%arg8 : memref<200x128xf32, #tpu.memory_space<vmem>>) target(%dma_start3A_67 : memref<200x128xf32, #tpu.memory_space<hbm>>) target_semaphore(%run_scoped3A : memref<!tpu.dma_semaphore, #tpu.memory_space<semaphore_mem>>)
        %dma_wait3A = arith.constant 0 : i32
        %dma_wait3A_68 = tpu.memref_slice %arg5[%arg0, %mul3A_62, %dma_wait3A] : memref<2x10000x128xf32, #tpu.memory_space<hbm>> -> memref<1x200x128xf32, #tpu.memory_space<hbm>>
        %dma_wait3A_69 = tpu.memref_squeeze %dma_wait3A_68 : memref<1x200x128xf32, #tpu.memory_space<hbm>> -> memref<200x128xf32, #tpu.memory_space<hbm>>
        %dma_wait3A_70 = arith.constant 0 : i32
        %dma_wait3A_71 = tpu.memref_slice %arg5[%arg0, %mul3A_62, %dma_wait3A_70] : memref<2x10000x128xf32, #tpu.memory_space<hbm>> -> memref<1x200x128xf32, #tpu.memory_space<hbm>>
        %dma_wait3A_72 = tpu.memref_squeeze %dma_wait3A_71 : memref<1x200x128xf32, #tpu.memory_space<hbm>> -> memref<200x128xf32, #tpu.memory_space<hbm>>
        tpu.wait_dma2 semaphore(%run_scoped3A : memref<!tpu.dma_semaphore, #tpu.memory_space<semaphore_mem>>) src(%arg8 : memref<200x128xf32, #tpu.memory_space<vmem>>) dst(%dma_wait3A_72 : memref<200x128xf32, #tpu.memory_space<hbm>>)
        tpu.yield
      }) : () -> ()
    } else {
    }
    %add3A_52 = arith.constant 48 : i32
    %add3A_53 = arith.addi %arg1, %add3A_52 : i32
    %lt3A_54 = arith.constant 50 : i32
    %lt3A_55 = arith.cmpi slt, %add3A_53, %lt3A_54 : i32
    %convert_element_type3A_56 = arith.extui %lt3A_55 : i1 to i32
    %cond3A_57 = arith.constant 0 : i32
    %cond3A_58 = arith.cmpi ne, %convert_element_type3A_56, %cond3A_57 : i32
    scf.if %cond3A_58 {
      %mul3A_59 = arith.constant 200 : i32
      %mul3A_60 = arith.muli %add3A_53, %mul3A_59 : i32
      "tpu.region"() ({
        %run_scoped3A = tpu.sem_alloc : memref<!tpu.dma_semaphore, #tpu.memory_space<semaphore_mem>>
        %dma_start3A = arith.constant 0 : i32
        %dma_start3A_63 = tpu.memref_slice %arg9[%mul3A_60, %dma_start3A] : memref<10000x128xf32, #tpu.memory_space<vmem_shared>> -> memref<200x128xf32, #tpu.memory_space<vmem_shared>>
        %dma_start3A_64 = arith.constant 0 : i32
        %dma_start3A_65 = tpu.memref_slice %arg9[%mul3A_60, %dma_start3A_64] : memref<10000x128xf32, #tpu.memory_space<vmem_shared>> -> memref<200x128xf32, #tpu.memory_space<vmem_shared>>
        tpu.enqueue_dma source(%dma_start3A_65 : memref<200x128xf32, #tpu.memory_space<vmem_shared>>) target(%arg8 : memref<200x128xf32, #tpu.memory_space<vmem>>) target_semaphore(%run_scoped3A : memref<!tpu.dma_semaphore, #tpu.memory_space<semaphore_mem>>)
        %dma_wait3A = arith.constant 0 : i32
        %dma_wait3A_66 = tpu.memref_slice %arg9[%mul3A_60, %dma_wait3A] : memref<10000x128xf32, #tpu.memory_space<vmem_shared>> -> memref<200x128xf32, #tpu.memory_space<vmem_shared>>
        %dma_wait3A_67 = arith.constant 0 : i32
        %dma_wait3A_68 = tpu.memref_slice %arg9[%mul3A_60, %dma_wait3A_67] : memref<10000x128xf32, #tpu.memory_space<vmem_shared>> -> memref<200x128xf32, #tpu.memory_space<vmem_shared>>
        tpu.wait_dma2 semaphore(%run_scoped3A : memref<!tpu.dma_semaphore, #tpu.memory_space<semaphore_mem>>) src(%dma_wait3A_68 : memref<200x128xf32, #tpu.memory_space<vmem_shared>>) dst(%arg8 : memref<200x128xf32, #tpu.memory_space<vmem>>)
        tpu.yield
      }) : () -> ()
      %mul3A_61 = arith.constant 200 : i32
      %mul3A_62 = arith.muli %add3A_53, %mul3A_61 : i32
      "tpu.region"() ({
        %run_scoped3A = tpu.sem_alloc : memref<!tpu.dma_semaphore, #tpu.memory_space<semaphore_mem>>
        %dma_start3A = arith.constant 0 : i32
        %dma_start3A_63 = tpu.memref_slice %arg5[%arg0, %mul3A_62, %dma_start3A] : memref<2x10000x128xf32, #tpu.memory_space<hbm>> -> memref<1x200x128xf32, #tpu.memory_space<hbm>>
        %dma_start3A_64 = tpu.memref_squeeze %dma_start3A_63 : memref<1x200x128xf32, #tpu.memory_space<hbm>> -> memref<200x128xf32, #tpu.memory_space<hbm>>
        %dma_start3A_65 = arith.constant 0 : i32
        %dma_start3A_66 = tpu.memref_slice %arg5[%arg0, %mul3A_62, %dma_start3A_65] : memref<2x10000x128xf32, #tpu.memory_space<hbm>> -> memref<1x200x128xf32, #tpu.memory_space<hbm>>
        %dma_start3A_67 = tpu.memref_squeeze %dma_start3A_66 : memref<1x200x128xf32, #tpu.memory_space<hbm>> -> memref<200x128xf32, #tpu.memory_space<hbm>>
        tpu.enqueue_dma source(%arg8 : memref<200x128xf32, #tpu.memory_space<vmem>>) target(%dma_start3A_67 : memref<200x128xf32, #tpu.memory_space<hbm>>) target_semaphore(%run_scoped3A : memref<!tpu.dma_semaphore, #tpu.memory_space<semaphore_mem>>)
        %dma_wait3A = arith.constant 0 : i32
        %dma_wait3A_68 = tpu.memref_slice %arg5[%arg0, %mul3A_62, %dma_wait3A] : memref<2x10000x128xf32, #tpu.memory_space<hbm>> -> memref<1x200x128xf32, #tpu.memory_space<hbm>>
        %dma_wait3A_69 = tpu.memref_squeeze %dma_wait3A_68 : memref<1x200x128xf32, #tpu.memory_space<hbm>> -> memref<200x128xf32, #tpu.memory_space<hbm>>
        %dma_wait3A_70 = arith.constant 0 : i32
        %dma_wait3A_71 = tpu.memref_slice %arg5[%arg0, %mul3A_62, %dma_wait3A_70] : memref<2x10000x128xf32, #tpu.memory_space<hbm>> -> memref<1x200x128xf32, #tpu.memory_space<hbm>>
        %dma_wait3A_72 = tpu.memref_squeeze %dma_wait3A_71 : memref<1x200x128xf32, #tpu.memory_space<hbm>> -> memref<200x128xf32, #tpu.memory_space<hbm>>
        tpu.wait_dma2 semaphore(%run_scoped3A : memref<!tpu.dma_semaphore, #tpu.memory_space<semaphore_mem>>) src(%arg8 : memref<200x128xf32, #tpu.memory_space<vmem>>) dst(%dma_wait3A_72 : memref<200x128xf32, #tpu.memory_space<hbm>>)
        tpu.yield
      }) : () -> ()
    } else {
    }
    return
  }
}

#map = affine_map<(d0, d1) -> (0, 0)>
#map1 = affine_map<(d0, d1) -> (0)>
module attributes {stable_mosaic.version = 14 : i64} {
  func.func @k(%arg0: i32, %arg1: i32, %arg2: memref<10000x256xf32, #tpu.memory_space<hbm>>, %arg3: memref<10000x256xf32, #tpu.memory_space<hbm>>, %arg4: memref<320000xi32, #tpu.memory_space<hbm>>, %arg5: memref<320000xi32, #tpu.memory_space<hbm>>, %arg6: memref<320000x256xf32, #tpu.memory_space<hbm>>, %arg7: memref<320000x256xf32, #tpu.memory_space<hbm>>, %arg8: memref<80xi32, #tpu.memory_space<vmem>>, %arg9: memref<80xi32, #tpu.memory_space<vmem>>, %arg10: memref<80x256xf32, #tpu.memory_space<vmem>>, %arg11: memref<80x256xf32, #tpu.memory_space<vmem>>, %arg12: memref<!tpu.dma_semaphore, #tpu.memory_space<semaphore_mem>>, %arg13: memref<!tpu.dma_semaphore, #tpu.memory_space<semaphore_mem>>) attributes {dimension_semantics = [#tpu.dimension_semantics<core_parallel>, #tpu.dimension_semantics<subcore_parallel>], iteration_bounds = array<i64: 2, 16>, scalar_prefetch = 0 : i64, scratch_operands = 6 : i64, tpu.core_type = #tpu.core_type<sc_vector_subcore>, window_params = [{transform_indices = #map}, {transform_indices = #map}, {transform_indices = #map1}, {transform_indices = #map1}, {transform_indices = #map}, {transform_indices = #map}]} {
    %mul3A = arith.constant 16 : i32
    %mul3A_0 = arith.muli %arg0, %mul3A : i32
    %add3A = arith.addi %mul3A_0, %arg1 : i32
    %mul3A_1 = arith.constant 10000 : i32
    %mul3A_2 = arith.muli %add3A, %mul3A_1 : i32
    %scan3A = arith.constant 0 : i32
    %scan3A_3 = arith.constant 0 : i32
    %scan3A_4 = arith.constant 125 : i32
    %scan3A_5 = arith.addi %scan3A_3, %scan3A_4 : i32
    %scan3A_6 = arith.constant 1 : i32
    scf.for %scan3A_8 = %scan3A_3 to %scan3A_5 step %scan3A_6  : i32 {
      %mul3A_9 = arith.constant 80 : i32
      %mul3A_10 = arith.muli %scan3A_8, %mul3A_9 : i32
      %add3A_11 = arith.addi %mul3A_2, %mul3A_10 : i32
      "tpu.region"() ({
        %run_scoped3A = tpu.sem_alloc : memref<!tpu.dma_semaphore, #tpu.memory_space<semaphore_mem>>
        %dma_start3A_22 = tpu.memref_slice %arg4[%add3A_11] : memref<320000xi32, #tpu.memory_space<hbm>> -> memref<80xi32, #tpu.memory_space<hbm>>
        %dma_start3A_23 = tpu.memref_slice %arg4[%add3A_11] : memref<320000xi32, #tpu.memory_space<hbm>> -> memref<80xi32, #tpu.memory_space<hbm>>
        tpu.enqueue_dma source(%dma_start3A_23 : memref<80xi32, #tpu.memory_space<hbm>>) target(%arg8 : memref<80xi32, #tpu.memory_space<vmem>>) target_semaphore(%run_scoped3A : memref<!tpu.dma_semaphore, #tpu.memory_space<semaphore_mem>>)
        %dma_wait3A_24 = tpu.memref_slice %arg4[%add3A_11] : memref<320000xi32, #tpu.memory_space<hbm>> -> memref<80xi32, #tpu.memory_space<hbm>>
        %dma_wait3A_25 = tpu.memref_slice %arg4[%add3A_11] : memref<320000xi32, #tpu.memory_space<hbm>> -> memref<80xi32, #tpu.memory_space<hbm>>
        tpu.wait_dma2 semaphore(%run_scoped3A : memref<!tpu.dma_semaphore, #tpu.memory_space<semaphore_mem>>) src(%dma_wait3A_25 : memref<80xi32, #tpu.memory_space<hbm>>) dst(%arg8 : memref<80xi32, #tpu.memory_space<vmem>>)
        tpu.yield
      }) : () -> ()
      "tpu.region"() ({
        %run_scoped3A = tpu.sem_alloc : memref<!tpu.dma_semaphore, #tpu.memory_space<semaphore_mem>>
        %dma_start3A_22 = tpu.memref_slice %arg5[%add3A_11] : memref<320000xi32, #tpu.memory_space<hbm>> -> memref<80xi32, #tpu.memory_space<hbm>>
        %dma_start3A_23 = tpu.memref_slice %arg5[%add3A_11] : memref<320000xi32, #tpu.memory_space<hbm>> -> memref<80xi32, #tpu.memory_space<hbm>>
        tpu.enqueue_dma source(%dma_start3A_23 : memref<80xi32, #tpu.memory_space<hbm>>) target(%arg9 : memref<80xi32, #tpu.memory_space<vmem>>) target_semaphore(%run_scoped3A : memref<!tpu.dma_semaphore, #tpu.memory_space<semaphore_mem>>)
        %dma_wait3A_24 = tpu.memref_slice %arg5[%add3A_11] : memref<320000xi32, #tpu.memory_space<hbm>> -> memref<80xi32, #tpu.memory_space<hbm>>
        %dma_wait3A_25 = tpu.memref_slice %arg5[%add3A_11] : memref<320000xi32, #tpu.memory_space<hbm>> -> memref<80xi32, #tpu.memory_space<hbm>>
        tpu.wait_dma2 semaphore(%run_scoped3A : memref<!tpu.dma_semaphore, #tpu.memory_space<semaphore_mem>>) src(%dma_wait3A_25 : memref<80xi32, #tpu.memory_space<hbm>>) dst(%arg9 : memref<80xi32, #tpu.memory_space<vmem>>)
        tpu.yield
      }) : () -> ()
      %dma_start3A = arith.constant 0 : i32
      %dma_start3A_12 = arith.constant 0 : i32
      %dma_start3A_13 = tpu.memref_slice %arg2[%dma_start3A, %dma_start3A_12] : memref<10000x256xf32, #tpu.memory_space<hbm>> -> memref<10000x256xf32, #tpu.memory_space<hbm>>
      tpu.enqueue_indirect_dma source(%dma_start3A_13 : memref<10000x256xf32, #tpu.memory_space<hbm>>) target(%arg10 : memref<80x256xf32, #tpu.memory_space<vmem>>) offsets(%arg8 : memref<80xi32, #tpu.memory_space<vmem>>) semaphore(%arg12 : memref<!tpu.dma_semaphore, #tpu.memory_space<semaphore_mem>>)
      %dma_start3A_14 = arith.constant 0 : i32
      %dma_start3A_15 = arith.constant 0 : i32
      %dma_start3A_16 = tpu.memref_slice %arg3[%dma_start3A_14, %dma_start3A_15] : memref<10000x256xf32, #tpu.memory_space<hbm>> -> memref<10000x256xf32, #tpu.memory_space<hbm>>
      tpu.enqueue_indirect_dma source(%dma_start3A_16 : memref<10000x256xf32, #tpu.memory_space<hbm>>) target(%arg11 : memref<80x256xf32, #tpu.memory_space<vmem>>) offsets(%arg9 : memref<80xi32, #tpu.memory_space<vmem>>) semaphore(%arg13 : memref<!tpu.dma_semaphore, #tpu.memory_space<semaphore_mem>>)
      %dma_wait3A = arith.constant 0 : i32
      %dma_wait3A_17 = arith.constant 0 : i32
      %dma_wait3A_18 = tpu.memref_slice %arg2[%dma_wait3A, %dma_wait3A_17] : memref<10000x256xf32, #tpu.memory_space<hbm>> -> memref<10000x256xf32, #tpu.memory_space<hbm>>
      tpu.wait_indirect_dma semaphore(%arg12 : memref<!tpu.dma_semaphore, #tpu.memory_space<semaphore_mem>>) src(%dma_wait3A_18 : memref<10000x256xf32, #tpu.memory_space<hbm>>) dst(%arg10 : memref<80x256xf32, #tpu.memory_space<vmem>>)
      %dma_wait3A_19 = arith.constant 0 : i32
      %dma_wait3A_20 = arith.constant 0 : i32
      %dma_wait3A_21 = tpu.memref_slice %arg3[%dma_wait3A_19, %dma_wait3A_20] : memref<10000x256xf32, #tpu.memory_space<hbm>> -> memref<10000x256xf32, #tpu.memory_space<hbm>>
      tpu.wait_indirect_dma semaphore(%arg13 : memref<!tpu.dma_semaphore, #tpu.memory_space<semaphore_mem>>) src(%dma_wait3A_21 : memref<10000x256xf32, #tpu.memory_space<hbm>>) dst(%arg11 : memref<80x256xf32, #tpu.memory_space<vmem>>)
      "tpu.region"() ({
        %run_scoped3A = tpu.sem_alloc : memref<!tpu.dma_semaphore, #tpu.memory_space<semaphore_mem>>
        %dma_start3A_22 = arith.constant 0 : i32
        %dma_start3A_23 = tpu.memref_slice %arg6[%add3A_11, %dma_start3A_22] : memref<320000x256xf32, #tpu.memory_space<hbm>> -> memref<80x256xf32, #tpu.memory_space<hbm>>
        %dma_start3A_24 = arith.constant 0 : i32
        %dma_start3A_25 = tpu.memref_slice %arg6[%add3A_11, %dma_start3A_24] : memref<320000x256xf32, #tpu.memory_space<hbm>> -> memref<80x256xf32, #tpu.memory_space<hbm>>
        tpu.enqueue_dma source(%arg10 : memref<80x256xf32, #tpu.memory_space<vmem>>) target(%dma_start3A_25 : memref<80x256xf32, #tpu.memory_space<hbm>>) target_semaphore(%run_scoped3A : memref<!tpu.dma_semaphore, #tpu.memory_space<semaphore_mem>>)
        %dma_wait3A_26 = arith.constant 0 : i32
        %dma_wait3A_27 = tpu.memref_slice %arg6[%add3A_11, %dma_wait3A_26] : memref<320000x256xf32, #tpu.memory_space<hbm>> -> memref<80x256xf32, #tpu.memory_space<hbm>>
        %dma_wait3A_28 = arith.constant 0 : i32
        %dma_wait3A_29 = tpu.memref_slice %arg6[%add3A_11, %dma_wait3A_28] : memref<320000x256xf32, #tpu.memory_space<hbm>> -> memref<80x256xf32, #tpu.memory_space<hbm>>
        tpu.wait_dma2 semaphore(%run_scoped3A : memref<!tpu.dma_semaphore, #tpu.memory_space<semaphore_mem>>) src(%arg10 : memref<80x256xf32, #tpu.memory_space<vmem>>) dst(%dma_wait3A_29 : memref<80x256xf32, #tpu.memory_space<hbm>>)
        tpu.yield
      }) : () -> ()
      "tpu.region"() ({
        %run_scoped3A = tpu.sem_alloc : memref<!tpu.dma_semaphore, #tpu.memory_space<semaphore_mem>>
        %dma_start3A_22 = arith.constant 0 : i32
        %dma_start3A_23 = tpu.memref_slice %arg7[%add3A_11, %dma_start3A_22] : memref<320000x256xf32, #tpu.memory_space<hbm>> -> memref<80x256xf32, #tpu.memory_space<hbm>>
        %dma_start3A_24 = arith.constant 0 : i32
        %dma_start3A_25 = tpu.memref_slice %arg7[%add3A_11, %dma_start3A_24] : memref<320000x256xf32, #tpu.memory_space<hbm>> -> memref<80x256xf32, #tpu.memory_space<hbm>>
        tpu.enqueue_dma source(%arg11 : memref<80x256xf32, #tpu.memory_space<vmem>>) target(%dma_start3A_25 : memref<80x256xf32, #tpu.memory_space<hbm>>) target_semaphore(%run_scoped3A : memref<!tpu.dma_semaphore, #tpu.memory_space<semaphore_mem>>)
        %dma_wait3A_26 = arith.constant 0 : i32
        %dma_wait3A_27 = tpu.memref_slice %arg7[%add3A_11, %dma_wait3A_26] : memref<320000x256xf32, #tpu.memory_space<hbm>> -> memref<80x256xf32, #tpu.memory_space<hbm>>
        %dma_wait3A_28 = arith.constant 0 : i32
        %dma_wait3A_29 = tpu.memref_slice %arg7[%add3A_11, %dma_wait3A_28] : memref<320000x256xf32, #tpu.memory_space<hbm>> -> memref<80x256xf32, #tpu.memory_space<hbm>>
        tpu.wait_dma2 semaphore(%run_scoped3A : memref<!tpu.dma_semaphore, #tpu.memory_space<semaphore_mem>>) src(%arg11 : memref<80x256xf32, #tpu.memory_space<vmem>>) dst(%dma_wait3A_29 : memref<80x256xf32, #tpu.memory_space<hbm>>)
        tpu.yield
      }) : () -> ()
    }
    %scan3A_7 = arith.constant 125 : i32
    return
  }
}

#map = affine_map<(d0, d1) -> (0, 0)>
#map1 = affine_map<(d0, d1) -> (0)>
module attributes {stable_mosaic.version = 14 : i64} {
  func.func @k(%arg0: i32, %arg1: i32, %arg2: memref<10000x128xf32, #tpu.memory_space<hbm>>, %arg3: memref<10000x128xf32, #tpu.memory_space<hbm>>, %arg4: memref<320000xi32, #tpu.memory_space<hbm>>, %arg5: memref<320000xi32, #tpu.memory_space<hbm>>, %arg6: memref<320000x128xf32, #tpu.memory_space<hbm>>, %arg7: memref<320000x128xf32, #tpu.memory_space<hbm>>, %arg8: memref<80xi32, #tpu.memory_space<vmem>>, %arg9: memref<80xi32, #tpu.memory_space<vmem>>, %arg10: memref<80x128xf32, #tpu.memory_space<vmem>>, %arg11: memref<80x128xf32, #tpu.memory_space<vmem>>, %arg12: memref<!tpu.dma_semaphore, #tpu.memory_space<semaphore_mem>>, %arg13: memref<!tpu.dma_semaphore, #tpu.memory_space<semaphore_mem>>) attributes {dimension_semantics = [#tpu.dimension_semantics<core_parallel>, #tpu.dimension_semantics<subcore_parallel>], iteration_bounds = array<i64: 2, 16>, scalar_prefetch = 0 : i64, scratch_operands = 6 : i64, tpu.core_type = #tpu.core_type<sc_vector_subcore>, window_params = [{transform_indices = #map}, {transform_indices = #map}, {transform_indices = #map1}, {transform_indices = #map1}, {transform_indices = #map}, {transform_indices = #map}]} {
    %mul3A = arith.constant 16 : i32
    %mul3A_0 = arith.muli %arg0, %mul3A : i32
    %add3A = arith.addi %mul3A_0, %arg1 : i32
    %mul3A_1 = arith.constant 10000 : i32
    %mul3A_2 = arith.muli %add3A, %mul3A_1 : i32
    %scan3A = arith.constant 0 : i32
    %scan3A_3 = arith.constant 0 : i32
    %scan3A_4 = arith.constant 125 : i32
    %scan3A_5 = arith.addi %scan3A_3, %scan3A_4 : i32
    %scan3A_6 = arith.constant 1 : i32
    scf.for %scan3A_8 = %scan3A_3 to %scan3A_5 step %scan3A_6  : i32 {
      %mul3A_9 = arith.constant 80 : i32
      %mul3A_10 = arith.muli %scan3A_8, %mul3A_9 : i32
      %add3A_11 = arith.addi %mul3A_2, %mul3A_10 : i32
      "tpu.region"() ({
        %run_scoped3A = tpu.sem_alloc : memref<!tpu.dma_semaphore, #tpu.memory_space<semaphore_mem>>
        %dma_start3A_22 = tpu.memref_slice %arg4[%add3A_11] : memref<320000xi32, #tpu.memory_space<hbm>> -> memref<80xi32, #tpu.memory_space<hbm>>
        %dma_start3A_23 = tpu.memref_slice %arg4[%add3A_11] : memref<320000xi32, #tpu.memory_space<hbm>> -> memref<80xi32, #tpu.memory_space<hbm>>
        tpu.enqueue_dma source(%dma_start3A_23 : memref<80xi32, #tpu.memory_space<hbm>>) target(%arg8 : memref<80xi32, #tpu.memory_space<vmem>>) target_semaphore(%run_scoped3A : memref<!tpu.dma_semaphore, #tpu.memory_space<semaphore_mem>>)
        %dma_wait3A_24 = tpu.memref_slice %arg4[%add3A_11] : memref<320000xi32, #tpu.memory_space<hbm>> -> memref<80xi32, #tpu.memory_space<hbm>>
        %dma_wait3A_25 = tpu.memref_slice %arg4[%add3A_11] : memref<320000xi32, #tpu.memory_space<hbm>> -> memref<80xi32, #tpu.memory_space<hbm>>
        tpu.wait_dma2 semaphore(%run_scoped3A : memref<!tpu.dma_semaphore, #tpu.memory_space<semaphore_mem>>) src(%dma_wait3A_25 : memref<80xi32, #tpu.memory_space<hbm>>) dst(%arg8 : memref<80xi32, #tpu.memory_space<vmem>>)
        tpu.yield
      }) : () -> ()
      "tpu.region"() ({
        %run_scoped3A = tpu.sem_alloc : memref<!tpu.dma_semaphore, #tpu.memory_space<semaphore_mem>>
        %dma_start3A_22 = tpu.memref_slice %arg5[%add3A_11] : memref<320000xi32, #tpu.memory_space<hbm>> -> memref<80xi32, #tpu.memory_space<hbm>>
        %dma_start3A_23 = tpu.memref_slice %arg5[%add3A_11] : memref<320000xi32, #tpu.memory_space<hbm>> -> memref<80xi32, #tpu.memory_space<hbm>>
        tpu.enqueue_dma source(%dma_start3A_23 : memref<80xi32, #tpu.memory_space<hbm>>) target(%arg9 : memref<80xi32, #tpu.memory_space<vmem>>) target_semaphore(%run_scoped3A : memref<!tpu.dma_semaphore, #tpu.memory_space<semaphore_mem>>)
        %dma_wait3A_24 = tpu.memref_slice %arg5[%add3A_11] : memref<320000xi32, #tpu.memory_space<hbm>> -> memref<80xi32, #tpu.memory_space<hbm>>
        %dma_wait3A_25 = tpu.memref_slice %arg5[%add3A_11] : memref<320000xi32, #tpu.memory_space<hbm>> -> memref<80xi32, #tpu.memory_space<hbm>>
        tpu.wait_dma2 semaphore(%run_scoped3A : memref<!tpu.dma_semaphore, #tpu.memory_space<semaphore_mem>>) src(%dma_wait3A_25 : memref<80xi32, #tpu.memory_space<hbm>>) dst(%arg9 : memref<80xi32, #tpu.memory_space<vmem>>)
        tpu.yield
      }) : () -> ()
      %dma_start3A = arith.constant 0 : i32
      %dma_start3A_12 = arith.constant 0 : i32
      %dma_start3A_13 = tpu.memref_slice %arg2[%dma_start3A, %dma_start3A_12] : memref<10000x128xf32, #tpu.memory_space<hbm>> -> memref<10000x128xf32, #tpu.memory_space<hbm>>
      tpu.enqueue_indirect_dma source(%dma_start3A_13 : memref<10000x128xf32, #tpu.memory_space<hbm>>) target(%arg10 : memref<80x128xf32, #tpu.memory_space<vmem>>) offsets(%arg8 : memref<80xi32, #tpu.memory_space<vmem>>) semaphore(%arg12 : memref<!tpu.dma_semaphore, #tpu.memory_space<semaphore_mem>>)
      %dma_start3A_14 = arith.constant 0 : i32
      %dma_start3A_15 = arith.constant 0 : i32
      %dma_start3A_16 = tpu.memref_slice %arg3[%dma_start3A_14, %dma_start3A_15] : memref<10000x128xf32, #tpu.memory_space<hbm>> -> memref<10000x128xf32, #tpu.memory_space<hbm>>
      tpu.enqueue_indirect_dma source(%dma_start3A_16 : memref<10000x128xf32, #tpu.memory_space<hbm>>) target(%arg11 : memref<80x128xf32, #tpu.memory_space<vmem>>) offsets(%arg9 : memref<80xi32, #tpu.memory_space<vmem>>) semaphore(%arg13 : memref<!tpu.dma_semaphore, #tpu.memory_space<semaphore_mem>>)
      %dma_wait3A = arith.constant 0 : i32
      %dma_wait3A_17 = arith.constant 0 : i32
      %dma_wait3A_18 = tpu.memref_slice %arg2[%dma_wait3A, %dma_wait3A_17] : memref<10000x128xf32, #tpu.memory_space<hbm>> -> memref<10000x128xf32, #tpu.memory_space<hbm>>
      tpu.wait_indirect_dma semaphore(%arg12 : memref<!tpu.dma_semaphore, #tpu.memory_space<semaphore_mem>>) src(%dma_wait3A_18 : memref<10000x128xf32, #tpu.memory_space<hbm>>) dst(%arg10 : memref<80x128xf32, #tpu.memory_space<vmem>>)
      %dma_wait3A_19 = arith.constant 0 : i32
      %dma_wait3A_20 = arith.constant 0 : i32
      %dma_wait3A_21 = tpu.memref_slice %arg3[%dma_wait3A_19, %dma_wait3A_20] : memref<10000x128xf32, #tpu.memory_space<hbm>> -> memref<10000x128xf32, #tpu.memory_space<hbm>>
      tpu.wait_indirect_dma semaphore(%arg13 : memref<!tpu.dma_semaphore, #tpu.memory_space<semaphore_mem>>) src(%dma_wait3A_21 : memref<10000x128xf32, #tpu.memory_space<hbm>>) dst(%arg11 : memref<80x128xf32, #tpu.memory_space<vmem>>)
      "tpu.region"() ({
        %run_scoped3A = tpu.sem_alloc : memref<!tpu.dma_semaphore, #tpu.memory_space<semaphore_mem>>
        %dma_start3A_22 = arith.constant 0 : i32
        %dma_start3A_23 = tpu.memref_slice %arg6[%add3A_11, %dma_start3A_22] : memref<320000x128xf32, #tpu.memory_space<hbm>> -> memref<80x128xf32, #tpu.memory_space<hbm>>
        %dma_start3A_24 = arith.constant 0 : i32
        %dma_start3A_25 = tpu.memref_slice %arg6[%add3A_11, %dma_start3A_24] : memref<320000x128xf32, #tpu.memory_space<hbm>> -> memref<80x128xf32, #tpu.memory_space<hbm>>
        tpu.enqueue_dma source(%arg10 : memref<80x128xf32, #tpu.memory_space<vmem>>) target(%dma_start3A_25 : memref<80x128xf32, #tpu.memory_space<hbm>>) target_semaphore(%run_scoped3A : memref<!tpu.dma_semaphore, #tpu.memory_space<semaphore_mem>>)
        %dma_wait3A_26 = arith.constant 0 : i32
        %dma_wait3A_27 = tpu.memref_slice %arg6[%add3A_11, %dma_wait3A_26] : memref<320000x128xf32, #tpu.memory_space<hbm>> -> memref<80x128xf32, #tpu.memory_space<hbm>>
        %dma_wait3A_28 = arith.constant 0 : i32
        %dma_wait3A_29 = tpu.memref_slice %arg6[%add3A_11, %dma_wait3A_28] : memref<320000x128xf32, #tpu.memory_space<hbm>> -> memref<80x128xf32, #tpu.memory_space<hbm>>
        tpu.wait_dma2 semaphore(%run_scoped3A : memref<!tpu.dma_semaphore, #tpu.memory_space<semaphore_mem>>) src(%arg10 : memref<80x128xf32, #tpu.memory_space<vmem>>) dst(%dma_wait3A_29 : memref<80x128xf32, #tpu.memory_space<hbm>>)
        tpu.yield
      }) : () -> ()
      "tpu.region"() ({
        %run_scoped3A = tpu.sem_alloc : memref<!tpu.dma_semaphore, #tpu.memory_space<semaphore_mem>>
        %dma_start3A_22 = arith.constant 0 : i32
        %dma_start3A_23 = tpu.memref_slice %arg7[%add3A_11, %dma_start3A_22] : memref<320000x128xf32, #tpu.memory_space<hbm>> -> memref<80x128xf32, #tpu.memory_space<hbm>>
        %dma_start3A_24 = arith.constant 0 : i32
        %dma_start3A_25 = tpu.memref_slice %arg7[%add3A_11, %dma_start3A_24] : memref<320000x128xf32, #tpu.memory_space<hbm>> -> memref<80x128xf32, #tpu.memory_space<hbm>>
        tpu.enqueue_dma source(%arg11 : memref<80x128xf32, #tpu.memory_space<vmem>>) target(%dma_start3A_25 : memref<80x128xf32, #tpu.memory_space<hbm>>) target_semaphore(%run_scoped3A : memref<!tpu.dma_semaphore, #tpu.memory_space<semaphore_mem>>)
        %dma_wait3A_26 = arith.constant 0 : i32
        %dma_wait3A_27 = tpu.memref_slice %arg7[%add3A_11, %dma_wait3A_26] : memref<320000x128xf32, #tpu.memory_space<hbm>> -> memref<80x128xf32, #tpu.memory_space<hbm>>
        %dma_wait3A_28 = arith.constant 0 : i32
        %dma_wait3A_29 = tpu.memref_slice %arg7[%add3A_11, %dma_wait3A_28] : memref<320000x128xf32, #tpu.memory_space<hbm>> -> memref<80x128xf32, #tpu.memory_space<hbm>>
        tpu.wait_dma2 semaphore(%run_scoped3A : memref<!tpu.dma_semaphore, #tpu.memory_space<semaphore_mem>>) src(%arg11 : memref<80x128xf32, #tpu.memory_space<vmem>>) dst(%dma_wait3A_29 : memref<80x128xf32, #tpu.memory_space<hbm>>)
        tpu.yield
      }) : () -> ()
    }
    %scan3A_7 = arith.constant 125 : i32
    return
  }
}

#map = affine_map<(d0, d1) -> (0, 0, 0)>
#map1 = affine_map<(d0, d1) -> (0)>
#map2 = affine_map<(d0, d1) -> (0, 0)>
module attributes {stable_mosaic.version = 14 : i64} {
  func.func @k(%arg0: i32, %arg1: i32, %arg2: memref<2x320000x128xf32, #tpu.memory_space<hbm>>, %arg3: memref<320000xi32, #tpu.memory_space<hbm>>, %arg4: memref<200x128xf32, #tpu.memory_space<hbm>>, %arg5: memref<2x10000x128xf32, #tpu.memory_space<hbm>>, %arg6: memref<80xi32, #tpu.memory_space<vmem>>, %arg7: memref<160x128xf32, #tpu.memory_space<vmem>>, %arg8: memref<200x128xf32, #tpu.memory_space<vmem>>, %arg9: memref<10000x128xf32, #tpu.memory_space<vmem_shared>>) attributes {dimension_semantics = [#tpu.dimension_semantics<core_parallel>, #tpu.dimension_semantics<subcore_parallel>], iteration_bounds = array<i64: 2, 16>, scalar_prefetch = 0 : i64, scratch_operands = 4 : i64, tpu.core_type = #tpu.core_type<sc_vector_subcore>, window_params = [{transform_indices = #map}, {transform_indices = #map1}, {transform_indices = #map2}, {transform_indices = #map}]} {
    %mul3A = arith.constant 20000 : i32
    %mul3A_0 = arith.muli %arg1, %mul3A : i32
    "tpu.region"() ({
      %run_scoped3A = tpu.sem_alloc : memref<!tpu.dma_semaphore, #tpu.memory_space<semaphore_mem>>
      tpu.enqueue_dma source(%arg4 : memref<200x128xf32, #tpu.memory_space<hbm>>) target(%arg8 : memref<200x128xf32, #tpu.memory_space<vmem>>) target_semaphore(%run_scoped3A : memref<!tpu.dma_semaphore, #tpu.memory_space<semaphore_mem>>)
      tpu.wait_dma2 semaphore(%run_scoped3A : memref<!tpu.dma_semaphore, #tpu.memory_space<semaphore_mem>>) src(%arg4 : memref<200x128xf32, #tpu.memory_space<hbm>>) dst(%arg8 : memref<200x128xf32, #tpu.memory_space<vmem>>)
      tpu.yield
    }) : () -> ()
    %add3A = arith.constant 0 : i32
    %add3A_1 = arith.addi %arg1, %add3A : i32
    %lt3A = arith.constant 50 : i32
    %lt3A_2 = arith.cmpi slt, %add3A_1, %lt3A : i32
    %convert_element_type3A = arith.extui %lt3A_2 : i1 to i32
    %cond3A = arith.constant 0 : i32
    %cond3A_3 = arith.cmpi ne, %convert_element_type3A, %cond3A : i32
    scf.if %cond3A_3 {
      %mul3A_59 = arith.constant 200 : i32
      %mul3A_60 = arith.muli %add3A_1, %mul3A_59 : i32
      "tpu.region"() ({
        %run_scoped3A = tpu.sem_alloc : memref<!tpu.dma_semaphore, #tpu.memory_space<semaphore_mem>>
        %dma_start3A = arith.constant 0 : i32
        %dma_start3A_61 = tpu.memref_slice %arg9[%mul3A_60, %dma_start3A] : memref<10000x128xf32, #tpu.memory_space<vmem_shared>> -> memref<200x128xf32, #tpu.memory_space<vmem_shared>>
        %dma_start3A_62 = arith.constant 0 : i32
        %dma_start3A_63 = tpu.memref_slice %arg9[%mul3A_60, %dma_start3A_62] : memref<10000x128xf32, #tpu.memory_space<vmem_shared>> -> memref<200x128xf32, #tpu.memory_space<vmem_shared>>
        tpu.enqueue_dma source(%arg8 : memref<200x128xf32, #tpu.memory_space<vmem>>) target(%dma_start3A_63 : memref<200x128xf32, #tpu.memory_space<vmem_shared>>) target_semaphore(%run_scoped3A : memref<!tpu.dma_semaphore, #tpu.memory_space<semaphore_mem>>)
        %dma_wait3A = arith.constant 0 : i32
        %dma_wait3A_64 = tpu.memref_slice %arg9[%mul3A_60, %dma_wait3A] : memref<10000x128xf32, #tpu.memory_space<vmem_shared>> -> memref<200x128xf32, #tpu.memory_space<vmem_shared>>
        %dma_wait3A_65 = arith.constant 0 : i32
        %dma_wait3A_66 = tpu.memref_slice %arg9[%mul3A_60, %dma_wait3A_65] : memref<10000x128xf32, #tpu.memory_space<vmem_shared>> -> memref<200x128xf32, #tpu.memory_space<vmem_shared>>
        tpu.wait_dma2 semaphore(%run_scoped3A : memref<!tpu.dma_semaphore, #tpu.memory_space<semaphore_mem>>) src(%arg8 : memref<200x128xf32, #tpu.memory_space<vmem>>) dst(%dma_wait3A_66 : memref<200x128xf32, #tpu.memory_space<vmem_shared>>)
        tpu.yield
      }) : () -> ()
    } else {
    }
    %add3A_4 = arith.constant 16 : i32
    %add3A_5 = arith.addi %arg1, %add3A_4 : i32
    %lt3A_6 = arith.constant 50 : i32
    %lt3A_7 = arith.cmpi slt, %add3A_5, %lt3A_6 : i32
    %convert_element_type3A_8 = arith.extui %lt3A_7 : i1 to i32
    %cond3A_9 = arith.constant 0 : i32
    %cond3A_10 = arith.cmpi ne, %convert_element_type3A_8, %cond3A_9 : i32
    scf.if %cond3A_10 {
      %mul3A_59 = arith.constant 200 : i32
      %mul3A_60 = arith.muli %add3A_5, %mul3A_59 : i32
      "tpu.region"() ({
        %run_scoped3A = tpu.sem_alloc : memref<!tpu.dma_semaphore, #tpu.memory_space<semaphore_mem>>
        %dma_start3A = arith.constant 0 : i32
        %dma_start3A_61 = tpu.memref_slice %arg9[%mul3A_60, %dma_start3A] : memref<10000x128xf32, #tpu.memory_space<vmem_shared>> -> memref<200x128xf32, #tpu.memory_space<vmem_shared>>
        %dma_start3A_62 = arith.constant 0 : i32
        %dma_start3A_63 = tpu.memref_slice %arg9[%mul3A_60, %dma_start3A_62] : memref<10000x128xf32, #tpu.memory_space<vmem_shared>> -> memref<200x128xf32, #tpu.memory_space<vmem_shared>>
        tpu.enqueue_dma source(%arg8 : memref<200x128xf32, #tpu.memory_space<vmem>>) target(%dma_start3A_63 : memref<200x128xf32, #tpu.memory_space<vmem_shared>>) target_semaphore(%run_scoped3A : memref<!tpu.dma_semaphore, #tpu.memory_space<semaphore_mem>>)
        %dma_wait3A = arith.constant 0 : i32
        %dma_wait3A_64 = tpu.memref_slice %arg9[%mul3A_60, %dma_wait3A] : memref<10000x128xf32, #tpu.memory_space<vmem_shared>> -> memref<200x128xf32, #tpu.memory_space<vmem_shared>>
        %dma_wait3A_65 = arith.constant 0 : i32
        %dma_wait3A_66 = tpu.memref_slice %arg9[%mul3A_60, %dma_wait3A_65] : memref<10000x128xf32, #tpu.memory_space<vmem_shared>> -> memref<200x128xf32, #tpu.memory_space<vmem_shared>>
        tpu.wait_dma2 semaphore(%run_scoped3A : memref<!tpu.dma_semaphore, #tpu.memory_space<semaphore_mem>>) src(%arg8 : memref<200x128xf32, #tpu.memory_space<vmem>>) dst(%dma_wait3A_66 : memref<200x128xf32, #tpu.memory_space<vmem_shared>>)
        tpu.yield
      }) : () -> ()
    } else {
    }
    %add3A_11 = arith.constant 32 : i32
    %add3A_12 = arith.addi %arg1, %add3A_11 : i32
    %lt3A_13 = arith.constant 50 : i32
    %lt3A_14 = arith.cmpi slt, %add3A_12, %lt3A_13 : i32
    %convert_element_type3A_15 = arith.extui %lt3A_14 : i1 to i32
    %cond3A_16 = arith.constant 0 : i32
    %cond3A_17 = arith.cmpi ne, %convert_element_type3A_15, %cond3A_16 : i32
    scf.if %cond3A_17 {
      %mul3A_59 = arith.constant 200 : i32
      %mul3A_60 = arith.muli %add3A_12, %mul3A_59 : i32
      "tpu.region"() ({
        %run_scoped3A = tpu.sem_alloc : memref<!tpu.dma_semaphore, #tpu.memory_space<semaphore_mem>>
        %dma_start3A = arith.constant 0 : i32
        %dma_start3A_61 = tpu.memref_slice %arg9[%mul3A_60, %dma_start3A] : memref<10000x128xf32, #tpu.memory_space<vmem_shared>> -> memref<200x128xf32, #tpu.memory_space<vmem_shared>>
        %dma_start3A_62 = arith.constant 0 : i32
        %dma_start3A_63 = tpu.memref_slice %arg9[%mul3A_60, %dma_start3A_62] : memref<10000x128xf32, #tpu.memory_space<vmem_shared>> -> memref<200x128xf32, #tpu.memory_space<vmem_shared>>
        tpu.enqueue_dma source(%arg8 : memref<200x128xf32, #tpu.memory_space<vmem>>) target(%dma_start3A_63 : memref<200x128xf32, #tpu.memory_space<vmem_shared>>) target_semaphore(%run_scoped3A : memref<!tpu.dma_semaphore, #tpu.memory_space<semaphore_mem>>)
        %dma_wait3A = arith.constant 0 : i32
        %dma_wait3A_64 = tpu.memref_slice %arg9[%mul3A_60, %dma_wait3A] : memref<10000x128xf32, #tpu.memory_space<vmem_shared>> -> memref<200x128xf32, #tpu.memory_space<vmem_shared>>
        %dma_wait3A_65 = arith.constant 0 : i32
        %dma_wait3A_66 = tpu.memref_slice %arg9[%mul3A_60, %dma_wait3A_65] : memref<10000x128xf32, #tpu.memory_space<vmem_shared>> -> memref<200x128xf32, #tpu.memory_space<vmem_shared>>
        tpu.wait_dma2 semaphore(%run_scoped3A : memref<!tpu.dma_semaphore, #tpu.memory_space<semaphore_mem>>) src(%arg8 : memref<200x128xf32, #tpu.memory_space<vmem>>) dst(%dma_wait3A_66 : memref<200x128xf32, #tpu.memory_space<vmem_shared>>)
        tpu.yield
      }) : () -> ()
    } else {
    }
    %add3A_18 = arith.constant 48 : i32
    %add3A_19 = arith.addi %arg1, %add3A_18 : i32
    %lt3A_20 = arith.constant 50 : i32
    %lt3A_21 = arith.cmpi slt, %add3A_19, %lt3A_20 : i32
    %convert_element_type3A_22 = arith.extui %lt3A_21 : i1 to i32
    %cond3A_23 = arith.constant 0 : i32
    %cond3A_24 = arith.cmpi ne, %convert_element_type3A_22, %cond3A_23 : i32
    scf.if %cond3A_24 {
      %mul3A_59 = arith.constant 200 : i32
      %mul3A_60 = arith.muli %add3A_19, %mul3A_59 : i32
      "tpu.region"() ({
        %run_scoped3A = tpu.sem_alloc : memref<!tpu.dma_semaphore, #tpu.memory_space<semaphore_mem>>
        %dma_start3A = arith.constant 0 : i32
        %dma_start3A_61 = tpu.memref_slice %arg9[%mul3A_60, %dma_start3A] : memref<10000x128xf32, #tpu.memory_space<vmem_shared>> -> memref<200x128xf32, #tpu.memory_space<vmem_shared>>
        %dma_start3A_62 = arith.constant 0 : i32
        %dma_start3A_63 = tpu.memref_slice %arg9[%mul3A_60, %dma_start3A_62] : memref<10000x128xf32, #tpu.memory_space<vmem_shared>> -> memref<200x128xf32, #tpu.memory_space<vmem_shared>>
        tpu.enqueue_dma source(%arg8 : memref<200x128xf32, #tpu.memory_space<vmem>>) target(%dma_start3A_63 : memref<200x128xf32, #tpu.memory_space<vmem_shared>>) target_semaphore(%run_scoped3A : memref<!tpu.dma_semaphore, #tpu.memory_space<semaphore_mem>>)
        %dma_wait3A = arith.constant 0 : i32
        %dma_wait3A_64 = tpu.memref_slice %arg9[%mul3A_60, %dma_wait3A] : memref<10000x128xf32, #tpu.memory_space<vmem_shared>> -> memref<200x128xf32, #tpu.memory_space<vmem_shared>>
        %dma_wait3A_65 = arith.constant 0 : i32
        %dma_wait3A_66 = tpu.memref_slice %arg9[%mul3A_60, %dma_wait3A_65] : memref<10000x128xf32, #tpu.memory_space<vmem_shared>> -> memref<200x128xf32, #tpu.memory_space<vmem_shared>>
        tpu.wait_dma2 semaphore(%run_scoped3A : memref<!tpu.dma_semaphore, #tpu.memory_space<semaphore_mem>>) src(%arg8 : memref<200x128xf32, #tpu.memory_space<vmem>>) dst(%dma_wait3A_66 : memref<200x128xf32, #tpu.memory_space<vmem_shared>>)
        tpu.yield
      }) : () -> ()
    } else {
    }
    %barrier3A = arith.constant 0 : index
    tpu.barrier barrier_id(%barrier3A)
    %scan3A = arith.constant 0 : i32
    %scan3A_25 = arith.constant 0 : i32
    %scan3A_26 = arith.constant 125 : i32
    %scan3A_27 = arith.addi %scan3A_25, %scan3A_26 : i32
    %scan3A_28 = arith.constant 1 : i32
    scf.for %scan3A_59 = %scan3A_25 to %scan3A_27 step %scan3A_28  : i32 {
      %mul3A_60 = arith.constant 160 : i32
      %mul3A_61 = arith.muli %scan3A_59, %mul3A_60 : i32
      %add3A_62 = arith.addi %mul3A_0, %mul3A_61 : i32
      "tpu.region"() ({
        %run_scoped3A = tpu.sem_alloc : memref<!tpu.dma_semaphore, #tpu.memory_space<semaphore_mem>>
        %dma_start3A = arith.constant 0 : i32
        %dma_start3A_67 = tpu.memref_slice %arg2[%arg0, %add3A_62, %dma_start3A] : memref<2x320000x128xf32, #tpu.memory_space<hbm>> -> memref<1x160x128xf32, #tpu.memory_space<hbm>>
        %dma_start3A_68 = tpu.memref_squeeze %dma_start3A_67 : memref<1x160x128xf32, #tpu.memory_space<hbm>> -> memref<160x128xf32, #tpu.memory_space<hbm>>
        %dma_start3A_69 = arith.constant 0 : i32
        %dma_start3A_70 = tpu.memref_slice %arg2[%arg0, %add3A_62, %dma_start3A_69] : memref<2x320000x128xf32, #tpu.memory_space<hbm>> -> memref<1x160x128xf32, #tpu.memory_space<hbm>>
        %dma_start3A_71 = tpu.memref_squeeze %dma_start3A_70 : memref<1x160x128xf32, #tpu.memory_space<hbm>> -> memref<160x128xf32, #tpu.memory_space<hbm>>
        tpu.enqueue_dma source(%dma_start3A_71 : memref<160x128xf32, #tpu.memory_space<hbm>>) target(%arg7 : memref<160x128xf32, #tpu.memory_space<vmem>>) target_semaphore(%run_scoped3A : memref<!tpu.dma_semaphore, #tpu.memory_space<semaphore_mem>>)
        %dma_wait3A = arith.constant 0 : i32
        %dma_wait3A_72 = tpu.memref_slice %arg2[%arg0, %add3A_62, %dma_wait3A] : memref<2x320000x128xf32, #tpu.memory_space<hbm>> -> memref<1x160x128xf32, #tpu.memory_space<hbm>>
        %dma_wait3A_73 = tpu.memref_squeeze %dma_wait3A_72 : memref<1x160x128xf32, #tpu.memory_space<hbm>> -> memref<160x128xf32, #tpu.memory_space<hbm>>
        %dma_wait3A_74 = arith.constant 0 : i32
        %dma_wait3A_75 = tpu.memref_slice %arg2[%arg0, %add3A_62, %dma_wait3A_74] : memref<2x320000x128xf32, #tpu.memory_space<hbm>> -> memref<1x160x128xf32, #tpu.memory_space<hbm>>
        %dma_wait3A_76 = tpu.memref_squeeze %dma_wait3A_75 : memref<1x160x128xf32, #tpu.memory_space<hbm>> -> memref<160x128xf32, #tpu.memory_space<hbm>>
        tpu.wait_dma2 semaphore(%run_scoped3A : memref<!tpu.dma_semaphore, #tpu.memory_space<semaphore_mem>>) src(%dma_wait3A_76 : memref<160x128xf32, #tpu.memory_space<hbm>>) dst(%arg7 : memref<160x128xf32, #tpu.memory_space<vmem>>)
        tpu.yield
      }) : () -> ()
      %add3A_63 = arith.constant 0 : i32
      %add3A_64 = arith.addi %add3A_62, %add3A_63 : i32
      "tpu.region"() ({
        %run_scoped3A = tpu.sem_alloc : memref<!tpu.dma_semaphore, #tpu.memory_space<semaphore_mem>>
        %dma_start3A = tpu.memref_slice %arg3[%add3A_64] : memref<320000xi32, #tpu.memory_space<hbm>> -> memref<80xi32, #tpu.memory_space<hbm>>
        %dma_start3A_67 = tpu.memref_slice %arg3[%add3A_64] : memref<320000xi32, #tpu.memory_space<hbm>> -> memref<80xi32, #tpu.memory_space<hbm>>
        tpu.enqueue_dma source(%dma_start3A_67 : memref<80xi32, #tpu.memory_space<hbm>>) target(%arg6 : memref<80xi32, #tpu.memory_space<vmem>>) target_semaphore(%run_scoped3A : memref<!tpu.dma_semaphore, #tpu.memory_space<semaphore_mem>>)
        %dma_wait3A = tpu.memref_slice %arg3[%add3A_64] : memref<320000xi32, #tpu.memory_space<hbm>> -> memref<80xi32, #tpu.memory_space<hbm>>
        %dma_wait3A_68 = tpu.memref_slice %arg3[%add3A_64] : memref<320000xi32, #tpu.memory_space<hbm>> -> memref<80xi32, #tpu.memory_space<hbm>>
        tpu.wait_dma2 semaphore(%run_scoped3A : memref<!tpu.dma_semaphore, #tpu.memory_space<semaphore_mem>>) src(%dma_wait3A_68 : memref<80xi32, #tpu.memory_space<hbm>>) dst(%arg6 : memref<80xi32, #tpu.memory_space<vmem>>)
        tpu.yield
      }) : () -> ()
      "tpu.region"() ({
        %run_scoped3A = tpu.sem_alloc : memref<!tpu.dma_semaphore, #tpu.memory_space<semaphore_mem>>
        %dma_start3A = arith.constant 0 : i32
        %dma_start3A_67 = arith.constant 0 : i32
        %dma_start3A_68 = tpu.memref_slice %arg7[%dma_start3A, %dma_start3A_67] : memref<160x128xf32, #tpu.memory_space<vmem>> -> memref<80x128xf32, #tpu.memory_space<vmem>>
        %dma_start3A_69 = arith.constant 0 : i32
        %dma_start3A_70 = arith.constant 0 : i32
        %dma_start3A_71 = tpu.memref_slice %arg9[%dma_start3A_69, %dma_start3A_70] : memref<10000x128xf32, #tpu.memory_space<vmem_shared>> -> memref<10000x128xf32, #tpu.memory_space<vmem_shared>>
        tpu.enqueue_indirect_dma source(%dma_start3A_68 : memref<80x128xf32, #tpu.memory_space<vmem>>) target(%dma_start3A_71 : memref<10000x128xf32, #tpu.memory_space<vmem_shared>>) offsets(%arg6 : memref<80xi32, #tpu.memory_space<vmem>>) semaphore(%run_scoped3A : memref<!tpu.dma_semaphore, #tpu.memory_space<semaphore_mem>>) {add = true}
        %dma_wait3A = arith.constant 0 : i32
        %dma_wait3A_72 = arith.constant 0 : i32
        %dma_wait3A_73 = tpu.memref_slice %arg7[%dma_wait3A, %dma_wait3A_72] : memref<160x128xf32, #tpu.memory_space<vmem>> -> memref<80x128xf32, #tpu.memory_space<vmem>>
        %dma_wait3A_74 = arith.constant 0 : i32
        %dma_wait3A_75 = arith.constant 0 : i32
        %dma_wait3A_76 = tpu.memref_slice %arg9[%dma_wait3A_74, %dma_wait3A_75] : memref<10000x128xf32, #tpu.memory_space<vmem_shared>> -> memref<10000x128xf32, #tpu.memory_space<vmem_shared>>
        tpu.wait_indirect_dma semaphore(%run_scoped3A : memref<!tpu.dma_semaphore, #tpu.memory_space<semaphore_mem>>) src(%dma_wait3A_73 : memref<80x128xf32, #tpu.memory_space<vmem>>) dst(%dma_wait3A_76 : memref<10000x128xf32, #tpu.memory_space<vmem_shared>>)
        tpu.yield
      }) : () -> ()
      %add3A_65 = arith.constant 80 : i32
      %add3A_66 = arith.addi %add3A_62, %add3A_65 : i32
      "tpu.region"() ({
        %run_scoped3A = tpu.sem_alloc : memref<!tpu.dma_semaphore, #tpu.memory_space<semaphore_mem>>
        %dma_start3A = tpu.memref_slice %arg3[%add3A_66] : memref<320000xi32, #tpu.memory_space<hbm>> -> memref<80xi32, #tpu.memory_space<hbm>>
        %dma_start3A_67 = tpu.memref_slice %arg3[%add3A_66] : memref<320000xi32, #tpu.memory_space<hbm>> -> memref<80xi32, #tpu.memory_space<hbm>>
        tpu.enqueue_dma source(%dma_start3A_67 : memref<80xi32, #tpu.memory_space<hbm>>) target(%arg6 : memref<80xi32, #tpu.memory_space<vmem>>) target_semaphore(%run_scoped3A : memref<!tpu.dma_semaphore, #tpu.memory_space<semaphore_mem>>)
        %dma_wait3A = tpu.memref_slice %arg3[%add3A_66] : memref<320000xi32, #tpu.memory_space<hbm>> -> memref<80xi32, #tpu.memory_space<hbm>>
        %dma_wait3A_68 = tpu.memref_slice %arg3[%add3A_66] : memref<320000xi32, #tpu.memory_space<hbm>> -> memref<80xi32, #tpu.memory_space<hbm>>
        tpu.wait_dma2 semaphore(%run_scoped3A : memref<!tpu.dma_semaphore, #tpu.memory_space<semaphore_mem>>) src(%dma_wait3A_68 : memref<80xi32, #tpu.memory_space<hbm>>) dst(%arg6 : memref<80xi32, #tpu.memory_space<vmem>>)
        tpu.yield
      }) : () -> ()
      "tpu.region"() ({
        %run_scoped3A = tpu.sem_alloc : memref<!tpu.dma_semaphore, #tpu.memory_space<semaphore_mem>>
        %dma_start3A = arith.constant 80 : i32
        %dma_start3A_67 = arith.constant 0 : i32
        %dma_start3A_68 = tpu.memref_slice %arg7[%dma_start3A, %dma_start3A_67] : memref<160x128xf32, #tpu.memory_space<vmem>> -> memref<80x128xf32, #tpu.memory_space<vmem>>
        %dma_start3A_69 = arith.constant 0 : i32
        %dma_start3A_70 = arith.constant 0 : i32
        %dma_start3A_71 = tpu.memref_slice %arg9[%dma_start3A_69, %dma_start3A_70] : memref<10000x128xf32, #tpu.memory_space<vmem_shared>> -> memref<10000x128xf32, #tpu.memory_space<vmem_shared>>
        tpu.enqueue_indirect_dma source(%dma_start3A_68 : memref<80x128xf32, #tpu.memory_space<vmem>>) target(%dma_start3A_71 : memref<10000x128xf32, #tpu.memory_space<vmem_shared>>) offsets(%arg6 : memref<80xi32, #tpu.memory_space<vmem>>) semaphore(%run_scoped3A : memref<!tpu.dma_semaphore, #tpu.memory_space<semaphore_mem>>) {add = true}
        %dma_wait3A = arith.constant 80 : i32
        %dma_wait3A_72 = arith.constant 0 : i32
        %dma_wait3A_73 = tpu.memref_slice %arg7[%dma_wait3A, %dma_wait3A_72] : memref<160x128xf32, #tpu.memory_space<vmem>> -> memref<80x128xf32, #tpu.memory_space<vmem>>
        %dma_wait3A_74 = arith.constant 0 : i32
        %dma_wait3A_75 = arith.constant 0 : i32
        %dma_wait3A_76 = tpu.memref_slice %arg9[%dma_wait3A_74, %dma_wait3A_75] : memref<10000x128xf32, #tpu.memory_space<vmem_shared>> -> memref<10000x128xf32, #tpu.memory_space<vmem_shared>>
        tpu.wait_indirect_dma semaphore(%run_scoped3A : memref<!tpu.dma_semaphore, #tpu.memory_space<semaphore_mem>>) src(%dma_wait3A_73 : memref<80x128xf32, #tpu.memory_space<vmem>>) dst(%dma_wait3A_76 : memref<10000x128xf32, #tpu.memory_space<vmem_shared>>)
        tpu.yield
      }) : () -> ()
    }
    %scan3A_29 = arith.constant 125 : i32
    %barrier3A_30 = arith.constant 0 : index
    tpu.barrier barrier_id(%barrier3A_30)
    %add3A_31 = arith.constant 0 : i32
    %add3A_32 = arith.addi %arg1, %add3A_31 : i32
    %lt3A_33 = arith.constant 50 : i32
    %lt3A_34 = arith.cmpi slt, %add3A_32, %lt3A_33 : i32
    %convert_element_type3A_35 = arith.extui %lt3A_34 : i1 to i32
    %cond3A_36 = arith.constant 0 : i32
    %cond3A_37 = arith.cmpi ne, %convert_element_type3A_35, %cond3A_36 : i32
    scf.if %cond3A_37 {
      %mul3A_59 = arith.constant 200 : i32
      %mul3A_60 = arith.muli %add3A_32, %mul3A_59 : i32
      "tpu.region"() ({
        %run_scoped3A = tpu.sem_alloc : memref<!tpu.dma_semaphore, #tpu.memory_space<semaphore_mem>>
        %dma_start3A = arith.constant 0 : i32
        %dma_start3A_63 = tpu.memref_slice %arg9[%mul3A_60, %dma_start3A] : memref<10000x128xf32, #tpu.memory_space<vmem_shared>> -> memref<200x128xf32, #tpu.memory_space<vmem_shared>>
        %dma_start3A_64 = arith.constant 0 : i32
        %dma_start3A_65 = tpu.memref_slice %arg9[%mul3A_60, %dma_start3A_64] : memref<10000x128xf32, #tpu.memory_space<vmem_shared>> -> memref<200x128xf32, #tpu.memory_space<vmem_shared>>
        tpu.enqueue_dma source(%dma_start3A_65 : memref<200x128xf32, #tpu.memory_space<vmem_shared>>) target(%arg8 : memref<200x128xf32, #tpu.memory_space<vmem>>) target_semaphore(%run_scoped3A : memref<!tpu.dma_semaphore, #tpu.memory_space<semaphore_mem>>)
        %dma_wait3A = arith.constant 0 : i32
        %dma_wait3A_66 = tpu.memref_slice %arg9[%mul3A_60, %dma_wait3A] : memref<10000x128xf32, #tpu.memory_space<vmem_shared>> -> memref<200x128xf32, #tpu.memory_space<vmem_shared>>
        %dma_wait3A_67 = arith.constant 0 : i32
        %dma_wait3A_68 = tpu.memref_slice %arg9[%mul3A_60, %dma_wait3A_67] : memref<10000x128xf32, #tpu.memory_space<vmem_shared>> -> memref<200x128xf32, #tpu.memory_space<vmem_shared>>
        tpu.wait_dma2 semaphore(%run_scoped3A : memref<!tpu.dma_semaphore, #tpu.memory_space<semaphore_mem>>) src(%dma_wait3A_68 : memref<200x128xf32, #tpu.memory_space<vmem_shared>>) dst(%arg8 : memref<200x128xf32, #tpu.memory_space<vmem>>)
        tpu.yield
      }) : () -> ()
      %mul3A_61 = arith.constant 200 : i32
      %mul3A_62 = arith.muli %add3A_32, %mul3A_61 : i32
      "tpu.region"() ({
        %run_scoped3A = tpu.sem_alloc : memref<!tpu.dma_semaphore, #tpu.memory_space<semaphore_mem>>
        %dma_start3A = arith.constant 0 : i32
        %dma_start3A_63 = tpu.memref_slice %arg5[%arg0, %mul3A_62, %dma_start3A] : memref<2x10000x128xf32, #tpu.memory_space<hbm>> -> memref<1x200x128xf32, #tpu.memory_space<hbm>>
        %dma_start3A_64 = tpu.memref_squeeze %dma_start3A_63 : memref<1x200x128xf32, #tpu.memory_space<hbm>> -> memref<200x128xf32, #tpu.memory_space<hbm>>
        %dma_start3A_65 = arith.constant 0 : i32
        %dma_start3A_66 = tpu.memref_slice %arg5[%arg0, %mul3A_62, %dma_start3A_65] : memref<2x10000x128xf32, #tpu.memory_space<hbm>> -> memref<1x200x128xf32, #tpu.memory_space<hbm>>
        %dma_start3A_67 = tpu.memref_squeeze %dma_start3A_66 : memref<1x200x128xf32, #tpu.memory_space<hbm>> -> memref<200x128xf32, #tpu.memory_space<hbm>>
        tpu.enqueue_dma source(%arg8 : memref<200x128xf32, #tpu.memory_space<vmem>>) target(%dma_start3A_67 : memref<200x128xf32, #tpu.memory_space<hbm>>) target_semaphore(%run_scoped3A : memref<!tpu.dma_semaphore, #tpu.memory_space<semaphore_mem>>)
        %dma_wait3A = arith.constant 0 : i32
        %dma_wait3A_68 = tpu.memref_slice %arg5[%arg0, %mul3A_62, %dma_wait3A] : memref<2x10000x128xf32, #tpu.memory_space<hbm>> -> memref<1x200x128xf32, #tpu.memory_space<hbm>>
        %dma_wait3A_69 = tpu.memref_squeeze %dma_wait3A_68 : memref<1x200x128xf32, #tpu.memory_space<hbm>> -> memref<200x128xf32, #tpu.memory_space<hbm>>
        %dma_wait3A_70 = arith.constant 0 : i32
        %dma_wait3A_71 = tpu.memref_slice %arg5[%arg0, %mul3A_62, %dma_wait3A_70] : memref<2x10000x128xf32, #tpu.memory_space<hbm>> -> memref<1x200x128xf32, #tpu.memory_space<hbm>>
        %dma_wait3A_72 = tpu.memref_squeeze %dma_wait3A_71 : memref<1x200x128xf32, #tpu.memory_space<hbm>> -> memref<200x128xf32, #tpu.memory_space<hbm>>
        tpu.wait_dma2 semaphore(%run_scoped3A : memref<!tpu.dma_semaphore, #tpu.memory_space<semaphore_mem>>) src(%arg8 : memref<200x128xf32, #tpu.memory_space<vmem>>) dst(%dma_wait3A_72 : memref<200x128xf32, #tpu.memory_space<hbm>>)
        tpu.yield
      }) : () -> ()
    } else {
    }
    %add3A_38 = arith.constant 16 : i32
    %add3A_39 = arith.addi %arg1, %add3A_38 : i32
    %lt3A_40 = arith.constant 50 : i32
    %lt3A_41 = arith.cmpi slt, %add3A_39, %lt3A_40 : i32
    %convert_element_type3A_42 = arith.extui %lt3A_41 : i1 to i32
    %cond3A_43 = arith.constant 0 : i32
    %cond3A_44 = arith.cmpi ne, %convert_element_type3A_42, %cond3A_43 : i32
    scf.if %cond3A_44 {
      %mul3A_59 = arith.constant 200 : i32
      %mul3A_60 = arith.muli %add3A_39, %mul3A_59 : i32
      "tpu.region"() ({
        %run_scoped3A = tpu.sem_alloc : memref<!tpu.dma_semaphore, #tpu.memory_space<semaphore_mem>>
        %dma_start3A = arith.constant 0 : i32
        %dma_start3A_63 = tpu.memref_slice %arg9[%mul3A_60, %dma_start3A] : memref<10000x128xf32, #tpu.memory_space<vmem_shared>> -> memref<200x128xf32, #tpu.memory_space<vmem_shared>>
        %dma_start3A_64 = arith.constant 0 : i32
        %dma_start3A_65 = tpu.memref_slice %arg9[%mul3A_60, %dma_start3A_64] : memref<10000x128xf32, #tpu.memory_space<vmem_shared>> -> memref<200x128xf32, #tpu.memory_space<vmem_shared>>
        tpu.enqueue_dma source(%dma_start3A_65 : memref<200x128xf32, #tpu.memory_space<vmem_shared>>) target(%arg8 : memref<200x128xf32, #tpu.memory_space<vmem>>) target_semaphore(%run_scoped3A : memref<!tpu.dma_semaphore, #tpu.memory_space<semaphore_mem>>)
        %dma_wait3A = arith.constant 0 : i32
        %dma_wait3A_66 = tpu.memref_slice %arg9[%mul3A_60, %dma_wait3A] : memref<10000x128xf32, #tpu.memory_space<vmem_shared>> -> memref<200x128xf32, #tpu.memory_space<vmem_shared>>
        %dma_wait3A_67 = arith.constant 0 : i32
        %dma_wait3A_68 = tpu.memref_slice %arg9[%mul3A_60, %dma_wait3A_67] : memref<10000x128xf32, #tpu.memory_space<vmem_shared>> -> memref<200x128xf32, #tpu.memory_space<vmem_shared>>
        tpu.wait_dma2 semaphore(%run_scoped3A : memref<!tpu.dma_semaphore, #tpu.memory_space<semaphore_mem>>) src(%dma_wait3A_68 : memref<200x128xf32, #tpu.memory_space<vmem_shared>>) dst(%arg8 : memref<200x128xf32, #tpu.memory_space<vmem>>)
        tpu.yield
      }) : () -> ()
      %mul3A_61 = arith.constant 200 : i32
      %mul3A_62 = arith.muli %add3A_39, %mul3A_61 : i32
      "tpu.region"() ({
        %run_scoped3A = tpu.sem_alloc : memref<!tpu.dma_semaphore, #tpu.memory_space<semaphore_mem>>
        %dma_start3A = arith.constant 0 : i32
        %dma_start3A_63 = tpu.memref_slice %arg5[%arg0, %mul3A_62, %dma_start3A] : memref<2x10000x128xf32, #tpu.memory_space<hbm>> -> memref<1x200x128xf32, #tpu.memory_space<hbm>>
        %dma_start3A_64 = tpu.memref_squeeze %dma_start3A_63 : memref<1x200x128xf32, #tpu.memory_space<hbm>> -> memref<200x128xf32, #tpu.memory_space<hbm>>
        %dma_start3A_65 = arith.constant 0 : i32
        %dma_start3A_66 = tpu.memref_slice %arg5[%arg0, %mul3A_62, %dma_start3A_65] : memref<2x10000x128xf32, #tpu.memory_space<hbm>> -> memref<1x200x128xf32, #tpu.memory_space<hbm>>
        %dma_start3A_67 = tpu.memref_squeeze %dma_start3A_66 : memref<1x200x128xf32, #tpu.memory_space<hbm>> -> memref<200x128xf32, #tpu.memory_space<hbm>>
        tpu.enqueue_dma source(%arg8 : memref<200x128xf32, #tpu.memory_space<vmem>>) target(%dma_start3A_67 : memref<200x128xf32, #tpu.memory_space<hbm>>) target_semaphore(%run_scoped3A : memref<!tpu.dma_semaphore, #tpu.memory_space<semaphore_mem>>)
        %dma_wait3A = arith.constant 0 : i32
        %dma_wait3A_68 = tpu.memref_slice %arg5[%arg0, %mul3A_62, %dma_wait3A] : memref<2x10000x128xf32, #tpu.memory_space<hbm>> -> memref<1x200x128xf32, #tpu.memory_space<hbm>>
        %dma_wait3A_69 = tpu.memref_squeeze %dma_wait3A_68 : memref<1x200x128xf32, #tpu.memory_space<hbm>> -> memref<200x128xf32, #tpu.memory_space<hbm>>
        %dma_wait3A_70 = arith.constant 0 : i32
        %dma_wait3A_71 = tpu.memref_slice %arg5[%arg0, %mul3A_62, %dma_wait3A_70] : memref<2x10000x128xf32, #tpu.memory_space<hbm>> -> memref<1x200x128xf32, #tpu.memory_space<hbm>>
        %dma_wait3A_72 = tpu.memref_squeeze %dma_wait3A_71 : memref<1x200x128xf32, #tpu.memory_space<hbm>> -> memref<200x128xf32, #tpu.memory_space<hbm>>
        tpu.wait_dma2 semaphore(%run_scoped3A : memref<!tpu.dma_semaphore, #tpu.memory_space<semaphore_mem>>) src(%arg8 : memref<200x128xf32, #tpu.memory_space<vmem>>) dst(%dma_wait3A_72 : memref<200x128xf32, #tpu.memory_space<hbm>>)
        tpu.yield
      }) : () -> ()
    } else {
    }
    %add3A_45 = arith.constant 32 : i32
    %add3A_46 = arith.addi %arg1, %add3A_45 : i32
    %lt3A_47 = arith.constant 50 : i32
    %lt3A_48 = arith.cmpi slt, %add3A_46, %lt3A_47 : i32
    %convert_element_type3A_49 = arith.extui %lt3A_48 : i1 to i32
    %cond3A_50 = arith.constant 0 : i32
    %cond3A_51 = arith.cmpi ne, %convert_element_type3A_49, %cond3A_50 : i32
    scf.if %cond3A_51 {
      %mul3A_59 = arith.constant 200 : i32
      %mul3A_60 = arith.muli %add3A_46, %mul3A_59 : i32
      "tpu.region"() ({
        %run_scoped3A = tpu.sem_alloc : memref<!tpu.dma_semaphore, #tpu.memory_space<semaphore_mem>>
        %dma_start3A = arith.constant 0 : i32
        %dma_start3A_63 = tpu.memref_slice %arg9[%mul3A_60, %dma_start3A] : memref<10000x128xf32, #tpu.memory_space<vmem_shared>> -> memref<200x128xf32, #tpu.memory_space<vmem_shared>>
        %dma_start3A_64 = arith.constant 0 : i32
        %dma_start3A_65 = tpu.memref_slice %arg9[%mul3A_60, %dma_start3A_64] : memref<10000x128xf32, #tpu.memory_space<vmem_shared>> -> memref<200x128xf32, #tpu.memory_space<vmem_shared>>
        tpu.enqueue_dma source(%dma_start3A_65 : memref<200x128xf32, #tpu.memory_space<vmem_shared>>) target(%arg8 : memref<200x128xf32, #tpu.memory_space<vmem>>) target_semaphore(%run_scoped3A : memref<!tpu.dma_semaphore, #tpu.memory_space<semaphore_mem>>)
        %dma_wait3A = arith.constant 0 : i32
        %dma_wait3A_66 = tpu.memref_slice %arg9[%mul3A_60, %dma_wait3A] : memref<10000x128xf32, #tpu.memory_space<vmem_shared>> -> memref<200x128xf32, #tpu.memory_space<vmem_shared>>
        %dma_wait3A_67 = arith.constant 0 : i32
        %dma_wait3A_68 = tpu.memref_slice %arg9[%mul3A_60, %dma_wait3A_67] : memref<10000x128xf32, #tpu.memory_space<vmem_shared>> -> memref<200x128xf32, #tpu.memory_space<vmem_shared>>
        tpu.wait_dma2 semaphore(%run_scoped3A : memref<!tpu.dma_semaphore, #tpu.memory_space<semaphore_mem>>) src(%dma_wait3A_68 : memref<200x128xf32, #tpu.memory_space<vmem_shared>>) dst(%arg8 : memref<200x128xf32, #tpu.memory_space<vmem>>)
        tpu.yield
      }) : () -> ()
      %mul3A_61 = arith.constant 200 : i32
      %mul3A_62 = arith.muli %add3A_46, %mul3A_61 : i32
      "tpu.region"() ({
        %run_scoped3A = tpu.sem_alloc : memref<!tpu.dma_semaphore, #tpu.memory_space<semaphore_mem>>
        %dma_start3A = arith.constant 0 : i32
        %dma_start3A_63 = tpu.memref_slice %arg5[%arg0, %mul3A_62, %dma_start3A] : memref<2x10000x128xf32, #tpu.memory_space<hbm>> -> memref<1x200x128xf32, #tpu.memory_space<hbm>>
        %dma_start3A_64 = tpu.memref_squeeze %dma_start3A_63 : memref<1x200x128xf32, #tpu.memory_space<hbm>> -> memref<200x128xf32, #tpu.memory_space<hbm>>
        %dma_start3A_65 = arith.constant 0 : i32
        %dma_start3A_66 = tpu.memref_slice %arg5[%arg0, %mul3A_62, %dma_start3A_65] : memref<2x10000x128xf32, #tpu.memory_space<hbm>> -> memref<1x200x128xf32, #tpu.memory_space<hbm>>
        %dma_start3A_67 = tpu.memref_squeeze %dma_start3A_66 : memref<1x200x128xf32, #tpu.memory_space<hbm>> -> memref<200x128xf32, #tpu.memory_space<hbm>>
        tpu.enqueue_dma source(%arg8 : memref<200x128xf32, #tpu.memory_space<vmem>>) target(%dma_start3A_67 : memref<200x128xf32, #tpu.memory_space<hbm>>) target_semaphore(%run_scoped3A : memref<!tpu.dma_semaphore, #tpu.memory_space<semaphore_mem>>)
        %dma_wait3A = arith.constant 0 : i32
        %dma_wait3A_68 = tpu.memref_slice %arg5[%arg0, %mul3A_62, %dma_wait3A] : memref<2x10000x128xf32, #tpu.memory_space<hbm>> -> memref<1x200x128xf32, #tpu.memory_space<hbm>>
        %dma_wait3A_69 = tpu.memref_squeeze %dma_wait3A_68 : memref<1x200x128xf32, #tpu.memory_space<hbm>> -> memref<200x128xf32, #tpu.memory_space<hbm>>
        %dma_wait3A_70 = arith.constant 0 : i32
        %dma_wait3A_71 = tpu.memref_slice %arg5[%arg0, %mul3A_62, %dma_wait3A_70] : memref<2x10000x128xf32, #tpu.memory_space<hbm>> -> memref<1x200x128xf32, #tpu.memory_space<hbm>>
        %dma_wait3A_72 = tpu.memref_squeeze %dma_wait3A_71 : memref<1x200x128xf32, #tpu.memory_space<hbm>> -> memref<200x128xf32, #tpu.memory_space<hbm>>
        tpu.wait_dma2 semaphore(%run_scoped3A : memref<!tpu.dma_semaphore, #tpu.memory_space<semaphore_mem>>) src(%arg8 : memref<200x128xf32, #tpu.memory_space<vmem>>) dst(%dma_wait3A_72 : memref<200x128xf32, #tpu.memory_space<hbm>>)
        tpu.yield
      }) : () -> ()
    } else {
    }
    %add3A_52 = arith.constant 48 : i32
    %add3A_53 = arith.addi %arg1, %add3A_52 : i32
    %lt3A_54 = arith.constant 50 : i32
    %lt3A_55 = arith.cmpi slt, %add3A_53, %lt3A_54 : i32
    %convert_element_type3A_56 = arith.extui %lt3A_55 : i1 to i32
    %cond3A_57 = arith.constant 0 : i32
    %cond3A_58 = arith.cmpi ne, %convert_element_type3A_56, %cond3A_57 : i32
    scf.if %cond3A_58 {
      %mul3A_59 = arith.constant 200 : i32
      %mul3A_60 = arith.muli %add3A_53, %mul3A_59 : i32
      "tpu.region"() ({
        %run_scoped3A = tpu.sem_alloc : memref<!tpu.dma_semaphore, #tpu.memory_space<semaphore_mem>>
        %dma_start3A = arith.constant 0 : i32
        %dma_start3A_63 = tpu.memref_slice %arg9[%mul3A_60, %dma_start3A] : memref<10000x128xf32, #tpu.memory_space<vmem_shared>> -> memref<200x128xf32, #tpu.memory_space<vmem_shared>>
        %dma_start3A_64 = arith.constant 0 : i32
        %dma_start3A_65 = tpu.memref_slice %arg9[%mul3A_60, %dma_start3A_64] : memref<10000x128xf32, #tpu.memory_space<vmem_shared>> -> memref<200x128xf32, #tpu.memory_space<vmem_shared>>
        tpu.enqueue_dma source(%dma_start3A_65 : memref<200x128xf32, #tpu.memory_space<vmem_shared>>) target(%arg8 : memref<200x128xf32, #tpu.memory_space<vmem>>) target_semaphore(%run_scoped3A : memref<!tpu.dma_semaphore, #tpu.memory_space<semaphore_mem>>)
        %dma_wait3A = arith.constant 0 : i32
        %dma_wait3A_66 = tpu.memref_slice %arg9[%mul3A_60, %dma_wait3A] : memref<10000x128xf32, #tpu.memory_space<vmem_shared>> -> memref<200x128xf32, #tpu.memory_space<vmem_shared>>
        %dma_wait3A_67 = arith.constant 0 : i32
        %dma_wait3A_68 = tpu.memref_slice %arg9[%mul3A_60, %dma_wait3A_67] : memref<10000x128xf32, #tpu.memory_space<vmem_shared>> -> memref<200x128xf32, #tpu.memory_space<vmem_shared>>
        tpu.wait_dma2 semaphore(%run_scoped3A : memref<!tpu.dma_semaphore, #tpu.memory_space<semaphore_mem>>) src(%dma_wait3A_68 : memref<200x128xf32, #tpu.memory_space<vmem_shared>>) dst(%arg8 : memref<200x128xf32, #tpu.memory_space<vmem>>)
        tpu.yield
      }) : () -> ()
      %mul3A_61 = arith.constant 200 : i32
      %mul3A_62 = arith.muli %add3A_53, %mul3A_61 : i32
      "tpu.region"() ({
        %run_scoped3A = tpu.sem_alloc : memref<!tpu.dma_semaphore, #tpu.memory_space<semaphore_mem>>
        %dma_start3A = arith.constant 0 : i32
        %dma_start3A_63 = tpu.memref_slice %arg5[%arg0, %mul3A_62, %dma_start3A] : memref<2x10000x128xf32, #tpu.memory_space<hbm>> -> memref<1x200x128xf32, #tpu.memory_space<hbm>>
        %dma_start3A_64 = tpu.memref_squeeze %dma_start3A_63 : memref<1x200x128xf32, #tpu.memory_space<hbm>> -> memref<200x128xf32, #tpu.memory_space<hbm>>
        %dma_start3A_65 = arith.constant 0 : i32
        %dma_start3A_66 = tpu.memref_slice %arg5[%arg0, %mul3A_62, %dma_start3A_65] : memref<2x10000x128xf32, #tpu.memory_space<hbm>> -> memref<1x200x128xf32, #tpu.memory_space<hbm>>
        %dma_start3A_67 = tpu.memref_squeeze %dma_start3A_66 : memref<1x200x128xf32, #tpu.memory_space<hbm>> -> memref<200x128xf32, #tpu.memory_space<hbm>>
        tpu.enqueue_dma source(%arg8 : memref<200x128xf32, #tpu.memory_space<vmem>>) target(%dma_start3A_67 : memref<200x128xf32, #tpu.memory_space<hbm>>) target_semaphore(%run_scoped3A : memref<!tpu.dma_semaphore, #tpu.memory_space<semaphore_mem>>)
        %dma_wait3A = arith.constant 0 : i32
        %dma_wait3A_68 = tpu.memref_slice %arg5[%arg0, %mul3A_62, %dma_wait3A] : memref<2x10000x128xf32, #tpu.memory_space<hbm>> -> memref<1x200x128xf32, #tpu.memory_space<hbm>>
        %dma_wait3A_69 = tpu.memref_squeeze %dma_wait3A_68 : memref<1x200x128xf32, #tpu.memory_space<hbm>> -> memref<200x128xf32, #tpu.memory_space<hbm>>
        %dma_wait3A_70 = arith.constant 0 : i32
        %dma_wait3A_71 = tpu.memref_slice %arg5[%arg0, %mul3A_62, %dma_wait3A_70] : memref<2x10000x128xf32, #tpu.memory_space<hbm>> -> memref<1x200x128xf32, #tpu.memory_space<hbm>>
        %dma_wait3A_72 = tpu.memref_squeeze %dma_wait3A_71 : memref<1x200x128xf32, #tpu.memory_space<hbm>> -> memref<200x128xf32, #tpu.memory_space<hbm>>
        tpu.wait_dma2 semaphore(%run_scoped3A : memref<!tpu.dma_semaphore, #tpu.memory_space<semaphore_mem>>) src(%arg8 : memref<200x128xf32, #tpu.memory_space<vmem>>) dst(%dma_wait3A_72 : memref<200x128xf32, #tpu.memory_space<hbm>>)
        tpu.yield
      }) : () -> ()
    } else {
    }
    return
  }
}

module attributes {stable_mosaic.version = 14 : i64} {
  func.func @_tc_node_mm(%arg0: i32, %arg1: memref<1000x128xf32, #tpu.memory_space<vmem>>, %arg2: memref<128x128xf32, #tpu.memory_space<vmem>>, %arg3: memref<1x128xf32, #tpu.memory_space<vmem>>, %arg4: memref<128x128xf32, #tpu.memory_space<vmem>>, %arg5: memref<1x128xf32, #tpu.memory_space<vmem>>, %arg6: memref<1000x128xf32, #tpu.memory_space<vmem>>, %arg7: memref<1000x128xf32, #tpu.memory_space<vmem>>) attributes {dimension_semantics = [#tpu.dimension_semantics<arbitrary>], iteration_bounds = array<i64: 10>, scalar_prefetch = 0 : i64, scratch_operands = 0 : i64, tpu.core_type = #tpu.core_type<tc>, window_params = [{transform_indices = @transform_0, window_bounds = array<i64: 1000, 128>}, {pipeline_mode = #tpu.pipeline_mode<synchronous>, transform_indices = @transform_1, window_bounds = array<i64: 128, 128>}, {pipeline_mode = #tpu.pipeline_mode<synchronous>, transform_indices = @transform_2, window_bounds = array<i64: 1, 128>}, {pipeline_mode = #tpu.pipeline_mode<synchronous>, transform_indices = @transform_3, window_bounds = array<i64: 128, 128>}, {pipeline_mode = #tpu.pipeline_mode<synchronous>, transform_indices = @transform_4, window_bounds = array<i64: 1, 128>}, {transform_indices = @transform_5, window_bounds = array<i64: 1000, 128>}, {transform_indices = @transform_6, window_bounds = array<i64: 1000, 128>}]} {
    %get3A = arith.constant 0 : index
    %get3A_0 = arith.constant 0 : index
    %get3A_1 = vector.load %arg1[%get3A, %get3A_0] : memref<1000x128xf32, #tpu.memory_space<vmem>>, vector<1000x128xf32>
    %get3A_2 = arith.constant 0 : index
    %get3A_3 = arith.constant 0 : index
    %get3A_4 = vector.load %arg2[%get3A_2, %get3A_3] : memref<128x128xf32, #tpu.memory_space<vmem>>, vector<128x128xf32>
    %dot_general3A = arith.constant dense<0.000000e+00> : vector<1000x128xf32>
    %dot_general3A_5 = tpu.matmul %get3A_1, %get3A_4, %dot_general3A {dimension_numbers = #tpu.dot_dimension_numbers<[1], [0], [0], [1], [0, 0, 1, 1], [], []>, precision = #tpu.contract_precision<fp32>, transpose_lhs_hint = false} : vector<1000x128xf32>, vector<128x128xf32>, vector<1000x128xf32> -> vector<1000x128xf32>
    %get3A_6 = arith.constant 0 : index
    %get3A_7 = arith.constant 0 : index
    %get3A_8 = vector.load %arg3[%get3A_6, %get3A_7] : memref<1x128xf32, #tpu.memory_space<vmem>>, vector<1x128xf32>
    %add3A = vector.broadcast %get3A_8 : vector<1x128xf32> to vector<1000x128xf32>
    %add3A_9 = arith.addf %dot_general3A_5, %add3A : vector<1000x128xf32>
    %swap3A = arith.constant 0 : index
    %swap3A_10 = arith.constant 0 : index
    %swap3A_11 = vector.load %arg6[%swap3A, %swap3A_10] : memref<1000x128xf32, #tpu.memory_space<vmem>>, vector<1000x128xf32>
    tpu.vector_store %arg6[%swap3A, %swap3A_10], %add3A_9 {strides = array<i32>} : memref<1000x128xf32, #tpu.memory_space<vmem>>, vector<1000x128xf32>,
    %get3A_12 = arith.constant 0 : index
    %get3A_13 = arith.constant 0 : index
    %get3A_14 = vector.load %arg4[%get3A_12, %get3A_13] : memref<128x128xf32, #tpu.memory_space<vmem>>, vector<128x128xf32>
    %dot_general3A_15 = arith.constant dense<0.000000e+00> : vector<1000x128xf32>
    %dot_general3A_16 = tpu.matmul %get3A_1, %get3A_14, %dot_general3A_15 {dimension_numbers = #tpu.dot_dimension_numbers<[1], [0], [0], [1], [0, 0, 1, 1], [], []>, precision = #tpu.contract_precision<fp32>, transpose_lhs_hint = false} : vector<1000x128xf32>, vector<128x128xf32>, vector<1000x128xf32> -> vector<1000x128xf32>
    %get3A_17 = arith.constant 0 : index
    %get3A_18 = arith.constant 0 : index
    %get3A_19 = vector.load %arg5[%get3A_17, %get3A_18] : memref<1x128xf32, #tpu.memory_space<vmem>>, vector<1x128xf32>
    %add3A_20 = vector.broadcast %get3A_19 : vector<1x128xf32> to vector<1000x128xf32>
    %add3A_21 = arith.addf %dot_general3A_16, %add3A_20 : vector<1000x128xf32>
    %swap3A_22 = arith.constant 0 : index
    %swap3A_23 = arith.constant 0 : index
    %swap3A_24 = vector.load %arg7[%swap3A_22, %swap3A_23] : memref<1000x128xf32, #tpu.memory_space<vmem>>, vector<1000x128xf32>
    tpu.vector_store %arg7[%swap3A_22, %swap3A_23], %add3A_21 {strides = array<i32>} : memref<1000x128xf32, #tpu.memory_space<vmem>>, vector<1000x128xf32>,
    return
  }
  func.func @transform_0(%arg0: i32) -> (i32, i32) {
    %c0_i32 = arith.constant 0 : i32
    %c0_i32_0 = arith.constant 0 : i32
    return %arg0, %c0_i32 : i32, i32
  }
  func.func @transform_1(%arg0: i32) -> (i32, i32) {
    %c0_i32 = arith.constant 0 : i32
    %c0_i32_0 = arith.constant 0 : i32
    %c0_i32_1 = arith.constant 0 : i32
    return %c0_i32, %c0_i32_0 : i32, i32
  }
  func.func @transform_2(%arg0: i32) -> (i32, i32) {
    %c0_i32 = arith.constant 0 : i32
    %c0_i32_0 = arith.constant 0 : i32
    %c0_i32_1 = arith.constant 0 : i32
    return %c0_i32, %c0_i32_0 : i32, i32
  }
  func.func @transform_3(%arg0: i32) -> (i32, i32) {
    %c0_i32 = arith.constant 0 : i32
    %c0_i32_0 = arith.constant 0 : i32
    %c0_i32_1 = arith.constant 0 : i32
    return %c0_i32, %c0_i32_0 : i32, i32
  }
  func.func @transform_4(%arg0: i32) -> (i32, i32) {
    %c0_i32 = arith.constant 0 : i32
    %c0_i32_0 = arith.constant 0 : i32
    %c0_i32_1 = arith.constant 0 : i32
    return %c0_i32, %c0_i32_0 : i32, i32
  }
  func.func @transform_5(%arg0: i32) -> (i32, i32) {
    %c0_i32 = arith.constant 0 : i32
    %c0_i32_0 = arith.constant 0 : i32
    return %arg0, %c0_i32 : i32, i32
  }
  func.func @transform_6(%arg0: i32) -> (i32, i32) {
    %c0_i32 = arith.constant 0 : i32
    %c0_i32_0 = arith.constant 0 : i32
    return %arg0, %c0_i32 : i32, i32
  }
}

module attributes {stable_mosaic.version = 14 : i64} {
  func.func @body(%arg0: i32, %arg1: memref<1000x128xf32, #tpu.memory_space<vmem>>, %arg2: memref<1000x128xf32, #tpu.memory_space<vmem>>, %arg3: memref<1000x16xf32, #tpu.memory_space<vmem>>, %arg4: memref<16x128xf32, #tpu.memory_space<vmem>>, %arg5: memref<1x128xf32, #tpu.memory_space<vmem>>, %arg6: memref<2x1000x128xf32, #tpu.memory_space<vmem>>) attributes {dimension_semantics = [#tpu.dimension_semantics<arbitrary>], iteration_bounds = array<i64: 320>, scalar_prefetch = 0 : i64, scratch_operands = 0 : i64, tpu.core_type = #tpu.core_type<tc>, window_params = [{transform_indices = @transform_0, window_bounds = array<i64: 1000, 128>}, {transform_indices = @transform_1, window_bounds = array<i64: 1000, 128>}, {transform_indices = @transform_2, window_bounds = array<i64: 1000, 16>}, {pipeline_mode = #tpu.pipeline_mode<synchronous>, transform_indices = @transform_3, window_bounds = array<i64: 16, 128>}, {pipeline_mode = #tpu.pipeline_mode<synchronous>, transform_indices = @transform_4, window_bounds = array<i64: 1, 128>}, {transform_indices = @transform_5, window_bounds = array<i64: 2, 1000, 128>}]} {
    %get3A = arith.constant 0 : index
    %get3A_0 = arith.constant 0 : index
    %get3A_1 = vector.load %arg3[%get3A, %get3A_0] : memref<1000x16xf32, #tpu.memory_space<vmem>>, vector<1000x16xf32>
    %get3A_2 = arith.constant 0 : index
    %get3A_3 = arith.constant 0 : index
    %get3A_4 = vector.load %arg4[%get3A_2, %get3A_3] : memref<16x128xf32, #tpu.memory_space<vmem>>, vector<16x128xf32>
    %dot_general3A = arith.constant dense<0.000000e+00> : vector<1000x128xf32>
    %dot_general3A_5 = tpu.matmul %get3A_1, %get3A_4, %dot_general3A {dimension_numbers = #tpu.dot_dimension_numbers<[1], [0], [0], [1], [0, 0, 1, 1], [], []>, precision = #tpu.contract_precision<fp32>, transpose_lhs_hint = false} : vector<1000x16xf32>, vector<16x128xf32>, vector<1000x128xf32> -> vector<1000x128xf32>
    %get3A_6 = arith.constant 0 : index
    %get3A_7 = arith.constant 0 : index
    %get3A_8 = vector.load %arg1[%get3A_6, %get3A_7] : memref<1000x128xf32, #tpu.memory_space<vmem>>, vector<1000x128xf32>
    %get3A_9 = arith.constant 0 : index
    %get3A_10 = arith.constant 0 : index
    %get3A_11 = vector.load %arg2[%get3A_9, %get3A_10] : memref<1000x128xf32, #tpu.memory_space<vmem>>, vector<1000x128xf32>
    %add3A = arith.addf %get3A_8, %get3A_11 : vector<1000x128xf32>
    %add3A_12 = arith.addf %add3A, %dot_general3A_5 : vector<1000x128xf32>
    %ge3A = arith.constant 0.000000e+00 : f32
    %ge3A_13 = vector.broadcast %ge3A : f32 to vector<1000x128xf32>
    %ge3A_14 = arith.cmpf oge, %add3A_12, %ge3A_13 : vector<1000x128xf32>
    %mul3A = arith.constant 2.000000e-01 : f32
    %mul3A_15 = vector.broadcast %mul3A : f32 to vector<1000x128xf32>
    %mul3A_16 = arith.mulf %mul3A_15, %add3A_12 : vector<1000x128xf32>
    %select_n3A = arith.select %ge3A_14, %add3A_12, %mul3A_16 : vector<1000x128xi1>, vector<1000x128xf32>
    %get3A_17 = arith.constant 0 : index
    %get3A_18 = arith.constant 0 : index
    %get3A_19 = vector.load %arg5[%get3A_17, %get3A_18] : memref<1x128xf32, #tpu.memory_space<vmem>>, vector<1x128xf32>
    %mul3A_20 = vector.broadcast %get3A_19 : vector<1x128xf32> to vector<1000x128xf32>
    %mul3A_21 = arith.mulf %select_n3A, %mul3A_20 : vector<1000x128xf32>
    %slice3A = vector.extract_strided_slice %mul3A_21 {offsets = [0, 0], sizes = [1000, 64], strides = [1, 1]} : vector<1000x128xf32> to vector<1000x64xf32>
    %reduce_sum3A = arith.constant dense<0.000000e+00> : vector<1000xf32>
    %reduce_sum3A_22 = vector.multi_reduction <add>, %slice3A, %reduce_sum3A [1] : vector<1000x64xf32> to vector<1000xf32>
    %broadcast_in_dim3A = vector.shape_cast %reduce_sum3A_22 : vector<1000xf32> to vector<1000x1xf32>
    %exp3A = math.exp %broadcast_in_dim3A : vector<1000x1xf32>
    %slice3A_23 = vector.extract_strided_slice %get3A_8 {offsets = [0, 0], sizes = [1000, 64], strides = [1, 1]} : vector<1000x128xf32> to vector<1000x64xf32>
    %mul3A_24 = vector.broadcast %exp3A : vector<1000x1xf32> to vector<1000x64xf32>
    %mul3A_25 = arith.mulf %slice3A_23, %mul3A_24 : vector<1000x64xf32>
    %slice3A_26 = vector.extract_strided_slice %mul3A_21 {offsets = [0, 64], sizes = [1000, 64], strides = [1, 1]} : vector<1000x128xf32> to vector<1000x64xf32>
    %reduce_sum3A_27 = arith.constant dense<0.000000e+00> : vector<1000xf32>
    %reduce_sum3A_28 = vector.multi_reduction <add>, %slice3A_26, %reduce_sum3A_27 [1] : vector<1000x64xf32> to vector<1000xf32>
    %broadcast_in_dim3A_29 = vector.shape_cast %reduce_sum3A_28 : vector<1000xf32> to vector<1000x1xf32>
    %exp3A_30 = math.exp %broadcast_in_dim3A_29 : vector<1000x1xf32>
    %slice3A_31 = vector.extract_strided_slice %get3A_8 {offsets = [0, 64], sizes = [1000, 64], strides = [1, 1]} : vector<1000x128xf32> to vector<1000x64xf32>
    %mul3A_32 = vector.broadcast %exp3A_30 : vector<1000x1xf32> to vector<1000x64xf32>
    %mul3A_33 = arith.mulf %slice3A_31, %mul3A_32 : vector<1000x64xf32>
    %broadcast_in_dim3A_34 = arith.constant 0.000000e+00 : f32
    %broadcast_in_dim3A_35 = vector.broadcast %broadcast_in_dim3A_34 : f32 to vector<1000x126xf32>
    %concatenate3A = tpu.concatenate %mul3A_25, %mul3A_33, %exp3A, %exp3A_30, %broadcast_in_dim3A_35 in 1 : vector<1000x64xf32>, vector<1000x64xf32>, vector<1000x1xf32>, vector<1000x1xf32>, vector<1000x126xf32> -> vector<1000x256xf32>
    %slice3A_36 = vector.extract_strided_slice %concatenate3A {offsets = [0, 0], sizes = [1000, 128], strides = [1, 1]} : vector<1000x256xf32> to vector<1000x128xf32>
    %slice3A_37 = vector.extract_strided_slice %concatenate3A {offsets = [0, 128], sizes = [1000, 128], strides = [1, 1]} : vector<1000x256xf32> to vector<1000x128xf32>
    %stack3A = vector.shape_cast %slice3A_36 : vector<1000x128xf32> to vector<1x1000x128xf32>
    %stack3A_38 = vector.shape_cast %slice3A_37 : vector<1000x128xf32> to vector<1x1000x128xf32>
    %stack3A_39 = tpu.concatenate %stack3A, %stack3A_38 in 0 : vector<1x1000x128xf32>, vector<1x1000x128xf32> -> vector<2x1000x128xf32>
    %swap3A = arith.constant 0 : index
    %swap3A_40 = arith.constant 0 : index
    %swap3A_41 = arith.constant 0 : index
    %swap3A_42 = vector.load %arg6[%swap3A, %swap3A_40, %swap3A_41] : memref<2x1000x128xf32, #tpu.memory_space<vmem>>, vector<2x1000x128xf32>
    tpu.vector_store %arg6[%swap3A, %swap3A_40, %swap3A_41], %stack3A_39 {strides = array<i32>} : memref<2x1000x128xf32, #tpu.memory_space<vmem>>, vector<2x1000x128xf32>,
    return
  }
  func.func @transform_0(%arg0: i32) -> (i32, i32) {
    %c0_i32 = arith.constant 0 : i32
    %c0_i32_0 = arith.constant 0 : i32
    return %arg0, %c0_i32 : i32, i32
  }
  func.func @transform_1(%arg0: i32) -> (i32, i32) {
    %c0_i32 = arith.constant 0 : i32
    %c0_i32_0 = arith.constant 0 : i32
    return %arg0, %c0_i32 : i32, i32
  }
  func.func @transform_2(%arg0: i32) -> (i32, i32) {
    %c0_i32 = arith.constant 0 : i32
    %c0_i32_0 = arith.constant 0 : i32
    return %arg0, %c0_i32 : i32, i32
  }
  func.func @transform_3(%arg0: i32) -> (i32, i32) {
    %c0_i32 = arith.constant 0 : i32
    %c0_i32_0 = arith.constant 0 : i32
    %c0_i32_1 = arith.constant 0 : i32
    return %c0_i32, %c0_i32_0 : i32, i32
  }
  func.func @transform_4(%arg0: i32) -> (i32, i32) {
    %c0_i32 = arith.constant 0 : i32
    %c0_i32_0 = arith.constant 0 : i32
    %c0_i32_1 = arith.constant 0 : i32
    return %c0_i32, %c0_i32_0 : i32, i32
  }
  func.func @transform_5(%arg0: i32) -> (i32, i32, i32) {
    %c0_i32 = arith.constant 0 : i32
    %c0_i32_0 = arith.constant 0 : i32
    %c0_i32_1 = arith.constant 0 : i32
    return %c0_i32, %arg0, %c0_i32_0 : i32, i32, i32
  }
}

module attributes {stable_mosaic.version = 14 : i64} {
  func.func @body(%arg0: i32, %arg1: memref<2x1000x128xf32, #tpu.memory_space<vmem>>, %arg2: memref<1x128xf32, #tpu.memory_space<vmem>>, %arg3: memref<128x256xf32, #tpu.memory_space<vmem>>, %arg4: memref<1x256xf32, #tpu.memory_space<vmem>>, %arg5: memref<128x256xf32, #tpu.memory_space<vmem>>, %arg6: memref<1x256xf32, #tpu.memory_space<vmem>>, %arg7: memref<1000x256xf32, #tpu.memory_space<vmem>>, %arg8: memref<1000x256xf32, #tpu.memory_space<vmem>>) attributes {dimension_semantics = [#tpu.dimension_semantics<arbitrary>], iteration_bounds = array<i64: 10>, scalar_prefetch = 0 : i64, scratch_operands = 0 : i64, tpu.core_type = #tpu.core_type<tc>, window_params = [{transform_indices = @transform_0, window_bounds = array<i64: 2, 1000, 128>}, {pipeline_mode = #tpu.pipeline_mode<synchronous>, transform_indices = @transform_1, window_bounds = array<i64: 1, 128>}, {pipeline_mode = #tpu.pipeline_mode<synchronous>, transform_indices = @transform_2, window_bounds = array<i64: 128, 256>}, {pipeline_mode = #tpu.pipeline_mode<synchronous>, transform_indices = @transform_3, window_bounds = array<i64: 1, 256>}, {pipeline_mode = #tpu.pipeline_mode<synchronous>, transform_indices = @transform_4, window_bounds = array<i64: 128, 256>}, {pipeline_mode = #tpu.pipeline_mode<synchronous>, transform_indices = @transform_5, window_bounds = array<i64: 1, 256>}, {transform_indices = @transform_6, window_bounds = array<i64: 1000, 256>}, {transform_indices = @transform_7, window_bounds = array<i64: 1000, 256>}]} {
    %get3A = arith.constant 0 : index
    %get3A_0 = arith.constant 0 : index
    %get3A_1 = arith.constant 0 : index
    %get3A_2 = vector.load %arg1[%get3A, %get3A_0, %get3A_1] : memref<2x1000x128xf32, #tpu.memory_space<vmem>>, vector<2x1000x128xf32>
    %slice3A = vector.extract_strided_slice %get3A_2 {offsets = [0, 0, 0], sizes = [1, 1000, 128], strides = [1, 1, 1]} : vector<2x1000x128xf32> to vector<1x1000x128xf32>
    %squeeze3A = vector.shape_cast %slice3A : vector<1x1000x128xf32> to vector<1000x128xf32>
    %slice3A_3 = vector.extract_strided_slice %get3A_2 {offsets = [1, 0, 0], sizes = [1, 1000, 128], strides = [1, 1, 1]} : vector<2x1000x128xf32> to vector<1x1000x128xf32>
    %squeeze3A_4 = vector.shape_cast %slice3A_3 : vector<1x1000x128xf32> to vector<1000x128xf32>
    %concatenate3A = tpu.concatenate %squeeze3A, %squeeze3A_4 in 1 : vector<1000x128xf32>, vector<1000x128xf32> -> vector<1000x256xf32>
    %slice3A_5 = vector.extract_strided_slice %concatenate3A {offsets = [0, 0], sizes = [1000, 128], strides = [1, 1]} : vector<1000x256xf32> to vector<1000x128xf32>
    %slice3A_6 = vector.extract_strided_slice %concatenate3A {offsets = [0, 128], sizes = [1000, 2], strides = [1, 1]} : vector<1000x256xf32> to vector<1000x2xf32>
    %broadcast_in_dim3A = vector.shape_cast %slice3A_6 : vector<1000x2xf32> to vector<1000x2x1xf32>
    %broadcast_in_dim3A_7 = vector.broadcast %broadcast_in_dim3A : vector<1000x2x1xf32> to vector<1000x2x64xf32>
    %reshape3A = vector.shape_cast %broadcast_in_dim3A_7 : vector<1000x2x64xf32> to vector<1000x128xf32>
    %add3A = arith.constant 1.000000e-16 : f32
    %add3A_8 = vector.broadcast %add3A : f32 to vector<1000x128xf32>
    %add3A_9 = arith.addf %reshape3A, %add3A_8 : vector<1000x128xf32>
    %div3A = arith.divf %slice3A_5, %add3A_9 : vector<1000x128xf32>
    %get3A_10 = arith.constant 0 : index
    %get3A_11 = arith.constant 0 : index
    %get3A_12 = vector.load %arg2[%get3A_10, %get3A_11] : memref<1x128xf32, #tpu.memory_space<vmem>>, vector<1x128xf32>
    %add3A_13 = vector.broadcast %get3A_12 : vector<1x128xf32> to vector<1000x128xf32>
    %add3A_14 = arith.addf %div3A, %add3A_13 : vector<1000x128xf32>
    %ge3A = arith.constant 0.000000e+00 : f32
    %ge3A_15 = vector.broadcast %ge3A : f32 to vector<1000x128xf32>
    %ge3A_16 = arith.cmpf oge, %add3A_14, %ge3A_15 : vector<1000x128xf32>
    %mul3A = arith.constant 0.00999999977 : f32
    %mul3A_17 = vector.broadcast %mul3A : f32 to vector<1000x128xf32>
    %mul3A_18 = arith.mulf %mul3A_17, %add3A_14 : vector<1000x128xf32>
    %select_n3A = arith.select %ge3A_16, %add3A_14, %mul3A_18 : vector<1000x128xi1>, vector<1000x128xf32>
    %get3A_19 = arith.constant 0 : index
    %get3A_20 = arith.constant 0 : index
    %get3A_21 = vector.load %arg3[%get3A_19, %get3A_20] : memref<128x256xf32, #tpu.memory_space<vmem>>, vector<128x256xf32>
    %dot_general3A = arith.constant dense<0.000000e+00> : vector<1000x256xf32>
    %dot_general3A_22 = tpu.matmul %select_n3A, %get3A_21, %dot_general3A {dimension_numbers = #tpu.dot_dimension_numbers<[1], [0], [0], [1], [0, 0, 1, 1], [], []>, precision = #tpu.contract_precision<fp32>, transpose_lhs_hint = false} : vector<1000x128xf32>, vector<128x256xf32>, vector<1000x256xf32> -> vector<1000x256xf32>
    %get3A_23 = arith.constant 0 : index
    %get3A_24 = arith.constant 0 : index
    %get3A_25 = vector.load %arg4[%get3A_23, %get3A_24] : memref<1x256xf32, #tpu.memory_space<vmem>>, vector<1x256xf32>
    %add3A_26 = vector.broadcast %get3A_25 : vector<1x256xf32> to vector<1000x256xf32>
    %add3A_27 = arith.addf %dot_general3A_22, %add3A_26 : vector<1000x256xf32>
    %swap3A = arith.constant 0 : index
    %swap3A_28 = arith.constant 0 : index
    %swap3A_29 = vector.load %arg7[%swap3A, %swap3A_28] : memref<1000x256xf32, #tpu.memory_space<vmem>>, vector<1000x256xf32>
    tpu.vector_store %arg7[%swap3A, %swap3A_28], %add3A_27 {strides = array<i32>} : memref<1000x256xf32, #tpu.memory_space<vmem>>, vector<1000x256xf32>,
    %get3A_30 = arith.constant 0 : index
    %get3A_31 = arith.constant 0 : index
    %get3A_32 = vector.load %arg5[%get3A_30, %get3A_31] : memref<128x256xf32, #tpu.memory_space<vmem>>, vector<128x256xf32>
    %dot_general3A_33 = arith.constant dense<0.000000e+00> : vector<1000x256xf32>
    %dot_general3A_34 = tpu.matmul %select_n3A, %get3A_32, %dot_general3A_33 {dimension_numbers = #tpu.dot_dimension_numbers<[1], [0], [0], [1], [0, 0, 1, 1], [], []>, precision = #tpu.contract_precision<fp32>, transpose_lhs_hint = false} : vector<1000x128xf32>, vector<128x256xf32>, vector<1000x256xf32> -> vector<1000x256xf32>
    %get3A_35 = arith.constant 0 : index
    %get3A_36 = arith.constant 0 : index
    %get3A_37 = vector.load %arg6[%get3A_35, %get3A_36] : memref<1x256xf32, #tpu.memory_space<vmem>>, vector<1x256xf32>
    %add3A_38 = vector.broadcast %get3A_37 : vector<1x256xf32> to vector<1000x256xf32>
    %add3A_39 = arith.addf %dot_general3A_34, %add3A_38 : vector<1000x256xf32>
    %swap3A_40 = arith.constant 0 : index
    %swap3A_41 = arith.constant 0 : index
    %swap3A_42 = vector.load %arg8[%swap3A_40, %swap3A_41] : memref<1000x256xf32, #tpu.memory_space<vmem>>, vector<1000x256xf32>
    tpu.vector_store %arg8[%swap3A_40, %swap3A_41], %add3A_39 {strides = array<i32>} : memref<1000x256xf32, #tpu.memory_space<vmem>>, vector<1000x256xf32>,
    return
  }
  func.func @transform_0(%arg0: i32) -> (i32, i32, i32) {
    %c0_i32 = arith.constant 0 : i32
    %c0_i32_0 = arith.constant 0 : i32
    %c0_i32_1 = arith.constant 0 : i32
    return %c0_i32, %arg0, %c0_i32_0 : i32, i32, i32
  }
  func.func @transform_1(%arg0: i32) -> (i32, i32) {
    %c0_i32 = arith.constant 0 : i32
    %c0_i32_0 = arith.constant 0 : i32
    %c0_i32_1 = arith.constant 0 : i32
    return %c0_i32, %c0_i32_0 : i32, i32
  }
  func.func @transform_2(%arg0: i32) -> (i32, i32) {
    %c0_i32 = arith.constant 0 : i32
    %c0_i32_0 = arith.constant 0 : i32
    %c0_i32_1 = arith.constant 0 : i32
    return %c0_i32, %c0_i32_0 : i32, i32
  }
  func.func @transform_3(%arg0: i32) -> (i32, i32) {
    %c0_i32 = arith.constant 0 : i32
    %c0_i32_0 = arith.constant 0 : i32
    %c0_i32_1 = arith.constant 0 : i32
    return %c0_i32, %c0_i32_0 : i32, i32
  }
  func.func @transform_4(%arg0: i32) -> (i32, i32) {
    %c0_i32 = arith.constant 0 : i32
    %c0_i32_0 = arith.constant 0 : i32
    %c0_i32_1 = arith.constant 0 : i32
    return %c0_i32, %c0_i32_0 : i32, i32
  }
  func.func @transform_5(%arg0: i32) -> (i32, i32) {
    %c0_i32 = arith.constant 0 : i32
    %c0_i32_0 = arith.constant 0 : i32
    %c0_i32_1 = arith.constant 0 : i32
    return %c0_i32, %c0_i32_0 : i32, i32
  }
  func.func @transform_6(%arg0: i32) -> (i32, i32) {
    %c0_i32 = arith.constant 0 : i32
    %c0_i32_0 = arith.constant 0 : i32
    return %arg0, %c0_i32 : i32, i32
  }
  func.func @transform_7(%arg0: i32) -> (i32, i32) {
    %c0_i32 = arith.constant 0 : i32
    %c0_i32_0 = arith.constant 0 : i32
    return %arg0, %c0_i32 : i32, i32
  }
}

module attributes {stable_mosaic.version = 14 : i64} {
  func.func @body(%arg0: i32, %arg1: memref<1000x256xf32, #tpu.memory_space<vmem>>, %arg2: memref<1000x256xf32, #tpu.memory_space<vmem>>, %arg3: memref<1000x16xf32, #tpu.memory_space<vmem>>, %arg4: memref<16x192xf32, #tpu.memory_space<vmem>>, %arg5: memref<1x192xf32, #tpu.memory_space<vmem>>, %arg6: memref<2x1000x128xf32, #tpu.memory_space<vmem>>) attributes {dimension_semantics = [#tpu.dimension_semantics<arbitrary>], iteration_bounds = array<i64: 320>, scalar_prefetch = 0 : i64, scratch_operands = 0 : i64, tpu.core_type = #tpu.core_type<tc>, window_params = [{transform_indices = @transform_0, window_bounds = array<i64: 1000, 256>}, {transform_indices = @transform_1, window_bounds = array<i64: 1000, 256>}, {transform_indices = @transform_2, window_bounds = array<i64: 1000, 16>}, {pipeline_mode = #tpu.pipeline_mode<synchronous>, transform_indices = @transform_3, window_bounds = array<i64: 16, 192>}, {pipeline_mode = #tpu.pipeline_mode<synchronous>, transform_indices = @transform_4, window_bounds = array<i64: 1, 192>}, {transform_indices = @transform_5, window_bounds = array<i64: 2, 1000, 128>}]} {
    %get3A = arith.constant 0 : index
    %get3A_0 = arith.constant 0 : index
    %get3A_1 = vector.load %arg3[%get3A, %get3A_0] : memref<1000x16xf32, #tpu.memory_space<vmem>>, vector<1000x16xf32>
    %get3A_2 = arith.constant 0 : index
    %get3A_3 = arith.constant 0 : index
    %get3A_4 = vector.load %arg4[%get3A_2, %get3A_3] : memref<16x192xf32, #tpu.memory_space<vmem>>, vector<16x192xf32>
    %dot_general3A = arith.constant dense<0.000000e+00> : vector<1000x192xf32>
    %dot_general3A_5 = tpu.matmul %get3A_1, %get3A_4, %dot_general3A {dimension_numbers = #tpu.dot_dimension_numbers<[1], [0], [0], [1], [0, 0, 1, 1], [], []>, precision = #tpu.contract_precision<fp32>, transpose_lhs_hint = false} : vector<1000x16xf32>, vector<16x192xf32>, vector<1000x192xf32> -> vector<1000x192xf32>
    %get3A_6 = arith.constant 0 : index
    %get3A_7 = arith.constant 0 : index
    %get3A_8 = vector.load %arg1[%get3A_6, %get3A_7] : memref<1000x256xf32, #tpu.memory_space<vmem>>, vector<1000x256xf32>
    %slice3A = vector.extract_strided_slice %get3A_8 {offsets = [0, 0], sizes = [1000, 192], strides = [1, 1]} : vector<1000x256xf32> to vector<1000x192xf32>
    %get3A_9 = arith.constant 0 : index
    %get3A_10 = arith.constant 0 : index
    %get3A_11 = vector.load %arg2[%get3A_9, %get3A_10] : memref<1000x256xf32, #tpu.memory_space<vmem>>, vector<1000x256xf32>
    %slice3A_12 = vector.extract_strided_slice %get3A_11 {offsets = [0, 0], sizes = [1000, 192], strides = [1, 1]} : vector<1000x256xf32> to vector<1000x192xf32>
    %add3A = arith.addf %slice3A, %slice3A_12 : vector<1000x192xf32>
    %add3A_13 = arith.addf %add3A, %dot_general3A_5 : vector<1000x192xf32>
    %ge3A = arith.constant 0.000000e+00 : f32
    %ge3A_14 = vector.broadcast %ge3A : f32 to vector<1000x192xf32>
    %ge3A_15 = arith.cmpf oge, %add3A_13, %ge3A_14 : vector<1000x192xf32>
    %mul3A = arith.constant 2.000000e-01 : f32
    %mul3A_16 = vector.broadcast %mul3A : f32 to vector<1000x192xf32>
    %mul3A_17 = arith.mulf %mul3A_16, %add3A_13 : vector<1000x192xf32>
    %select_n3A = arith.select %ge3A_15, %add3A_13, %mul3A_17 : vector<1000x192xi1>, vector<1000x192xf32>
    %get3A_18 = arith.constant 0 : index
    %get3A_19 = arith.constant 0 : index
    %get3A_20 = vector.load %arg5[%get3A_18, %get3A_19] : memref<1x192xf32, #tpu.memory_space<vmem>>, vector<1x192xf32>
    %mul3A_21 = vector.broadcast %get3A_20 : vector<1x192xf32> to vector<1000x192xf32>
    %mul3A_22 = arith.mulf %select_n3A, %mul3A_21 : vector<1000x192xf32>
    %slice3A_23 = vector.extract_strided_slice %mul3A_22 {offsets = [0, 0], sizes = [1000, 64], strides = [1, 1]} : vector<1000x192xf32> to vector<1000x64xf32>
    %reduce_sum3A = arith.constant dense<0.000000e+00> : vector<1000xf32>
    %reduce_sum3A_24 = vector.multi_reduction <add>, %slice3A_23, %reduce_sum3A [1] : vector<1000x64xf32> to vector<1000xf32>
    %broadcast_in_dim3A = vector.shape_cast %reduce_sum3A_24 : vector<1000xf32> to vector<1000x1xf32>
    %exp3A = math.exp %broadcast_in_dim3A : vector<1000x1xf32>
    %slice3A_25 = vector.extract_strided_slice %slice3A {offsets = [0, 0], sizes = [1000, 64], strides = [1, 1]} : vector<1000x192xf32> to vector<1000x64xf32>
    %mul3A_26 = vector.broadcast %exp3A : vector<1000x1xf32> to vector<1000x64xf32>
    %mul3A_27 = arith.mulf %slice3A_25, %mul3A_26 : vector<1000x64xf32>
    %slice3A_28 = vector.extract_strided_slice %mul3A_22 {offsets = [0, 64], sizes = [1000, 64], strides = [1, 1]} : vector<1000x192xf32> to vector<1000x64xf32>
    %reduce_sum3A_29 = arith.constant dense<0.000000e+00> : vector<1000xf32>
    %reduce_sum3A_30 = vector.multi_reduction <add>, %slice3A_28, %reduce_sum3A_29 [1] : vector<1000x64xf32> to vector<1000xf32>
    %broadcast_in_dim3A_31 = vector.shape_cast %reduce_sum3A_30 : vector<1000xf32> to vector<1000x1xf32>
    %exp3A_32 = math.exp %broadcast_in_dim3A_31 : vector<1000x1xf32>
    %slice3A_33 = vector.extract_strided_slice %slice3A {offsets = [0, 64], sizes = [1000, 64], strides = [1, 1]} : vector<1000x192xf32> to vector<1000x64xf32>
    %mul3A_34 = vector.broadcast %exp3A_32 : vector<1000x1xf32> to vector<1000x64xf32>
    %mul3A_35 = arith.mulf %slice3A_33, %mul3A_34 : vector<1000x64xf32>
    %slice3A_36 = vector.extract_strided_slice %mul3A_22 {offsets = [0, 128], sizes = [1000, 64], strides = [1, 1]} : vector<1000x192xf32> to vector<1000x64xf32>
    %reduce_sum3A_37 = arith.constant dense<0.000000e+00> : vector<1000xf32>
    %reduce_sum3A_38 = vector.multi_reduction <add>, %slice3A_36, %reduce_sum3A_37 [1] : vector<1000x64xf32> to vector<1000xf32>
    %broadcast_in_dim3A_39 = vector.shape_cast %reduce_sum3A_38 : vector<1000xf32> to vector<1000x1xf32>
    %exp3A_40 = math.exp %broadcast_in_dim3A_39 : vector<1000x1xf32>
    %slice3A_41 = vector.extract_strided_slice %slice3A {offsets = [0, 128], sizes = [1000, 64], strides = [1, 1]} : vector<1000x192xf32> to vector<1000x64xf32>
    %mul3A_42 = vector.broadcast %exp3A_40 : vector<1000x1xf32> to vector<1000x64xf32>
    %mul3A_43 = arith.mulf %slice3A_41, %mul3A_42 : vector<1000x64xf32>
    %broadcast_in_dim3A_44 = arith.constant 0.000000e+00 : f32
    %broadcast_in_dim3A_45 = vector.broadcast %broadcast_in_dim3A_44 : f32 to vector<1000x61xf32>
    %concatenate3A = tpu.concatenate %mul3A_27, %mul3A_35, %mul3A_43, %exp3A, %exp3A_32, %exp3A_40, %broadcast_in_dim3A_45 in 1 : vector<1000x64xf32>, vector<1000x64xf32>, vector<1000x64xf32>, vector<1000x1xf32>, vector<1000x1xf32>, vector<1000x1xf32>, vector<1000x61xf32> -> vector<1000x256xf32>
    %slice3A_46 = vector.extract_strided_slice %concatenate3A {offsets = [0, 0], sizes = [1000, 128], strides = [1, 1]} : vector<1000x256xf32> to vector<1000x128xf32>
    %slice3A_47 = vector.extract_strided_slice %concatenate3A {offsets = [0, 128], sizes = [1000, 128], strides = [1, 1]} : vector<1000x256xf32> to vector<1000x128xf32>
    %stack3A = vector.shape_cast %slice3A_46 : vector<1000x128xf32> to vector<1x1000x128xf32>
    %stack3A_48 = vector.shape_cast %slice3A_47 : vector<1000x128xf32> to vector<1x1000x128xf32>
    %stack3A_49 = tpu.concatenate %stack3A, %stack3A_48 in 0 : vector<1x1000x128xf32>, vector<1x1000x128xf32> -> vector<2x1000x128xf32>
    %swap3A = arith.constant 0 : index
    %swap3A_50 = arith.constant 0 : index
    %swap3A_51 = arith.constant 0 : index
    %swap3A_52 = vector.load %arg6[%swap3A, %swap3A_50, %swap3A_51] : memref<2x1000x128xf32, #tpu.memory_space<vmem>>, vector<2x1000x128xf32>
    tpu.vector_store %arg6[%swap3A, %swap3A_50, %swap3A_51], %stack3A_49 {strides = array<i32>} : memref<2x1000x128xf32, #tpu.memory_space<vmem>>, vector<2x1000x128xf32>,
    return
  }
  func.func @transform_0(%arg0: i32) -> (i32, i32) {
    %c0_i32 = arith.constant 0 : i32
    %c0_i32_0 = arith.constant 0 : i32
    return %arg0, %c0_i32 : i32, i32
  }
  func.func @transform_1(%arg0: i32) -> (i32, i32) {
    %c0_i32 = arith.constant 0 : i32
    %c0_i32_0 = arith.constant 0 : i32
    return %arg0, %c0_i32 : i32, i32
  }
  func.func @transform_2(%arg0: i32) -> (i32, i32) {
    %c0_i32 = arith.constant 0 : i32
    %c0_i32_0 = arith.constant 0 : i32
    return %arg0, %c0_i32 : i32, i32
  }
  func.func @transform_3(%arg0: i32) -> (i32, i32) {
    %c0_i32 = arith.constant 0 : i32
    %c0_i32_0 = arith.constant 0 : i32
    %c0_i32_1 = arith.constant 0 : i32
    return %c0_i32, %c0_i32_0 : i32, i32
  }
  func.func @transform_4(%arg0: i32) -> (i32, i32) {
    %c0_i32 = arith.constant 0 : i32
    %c0_i32_0 = arith.constant 0 : i32
    %c0_i32_1 = arith.constant 0 : i32
    return %c0_i32, %c0_i32_0 : i32, i32
  }
  func.func @transform_5(%arg0: i32) -> (i32, i32, i32) {
    %c0_i32 = arith.constant 0 : i32
    %c0_i32_0 = arith.constant 0 : i32
    %c0_i32_1 = arith.constant 0 : i32
    return %c0_i32, %arg0, %c0_i32_0 : i32, i32, i32
  }
}

module attributes {stable_mosaic.version = 14 : i64} {
  func.func @body(%arg0: i32, %arg1: memref<2x1000x128xf32, #tpu.memory_space<vmem>>, %arg2: memref<1x192xf32, #tpu.memory_space<vmem>>, %arg3: memref<1x1x1000xi32, #tpu.memory_space<vmem>>, %arg4: memref<192x64xf32, #tpu.memory_space<vmem>>, %arg5: memref<1x64xf32, #tpu.memory_space<vmem>>, %arg6: memref<64x32xf32, #tpu.memory_space<vmem>>, %arg7: memref<1x32xf32, #tpu.memory_space<vmem>>, %arg8: memref<32x16xf32, #tpu.memory_space<vmem>>, %arg9: memref<1x16xf32, #tpu.memory_space<vmem>>, %arg10: memref<16x8xf32, #tpu.memory_space<vmem>>, %arg11: memref<1x8xf32, #tpu.memory_space<vmem>>, %arg12: memref<8x1xf32, #tpu.memory_space<vmem>>, %arg13: memref<1x1xf32, #tpu.memory_space<vmem>>, %arg14: memref<1x1xf32, #tpu.memory_space<vmem>>, %arg15: memref<1x1xf32, #tpu.memory_space<vmem>>, %arg16: memref<16x1xf32, #tpu.memory_space<vmem>>, %arg17: memref<16x192xf32, #tpu.memory_space<vmem>>) attributes {dimension_semantics = [#tpu.dimension_semantics<arbitrary>], iteration_bounds = array<i64: 10>, scalar_prefetch = 0 : i64, scratch_operands = 1 : i64, tpu.core_type = #tpu.core_type<tc>, window_params = [{transform_indices = @transform_0, window_bounds = array<i64: 2, 1000, 128>}, {pipeline_mode = #tpu.pipeline_mode<synchronous>, transform_indices = @transform_1, window_bounds = array<i64: 1, 192>}, {transform_indices = @transform_2, window_bounds = array<i64: 1, 1, 1000>}, {pipeline_mode = #tpu.pipeline_mode<synchronous>, transform_indices = @transform_3, window_bounds = array<i64: 192, 64>}, {pipeline_mode = #tpu.pipeline_mode<synchronous>, transform_indices = @transform_4, window_bounds = array<i64: 1, 64>}, {pipeline_mode = #tpu.pipeline_mode<synchronous>, transform_indices = @transform_5, window_bounds = array<i64: 64, 32>}, {pipeline_mode = #tpu.pipeline_mode<synchronous>, transform_indices = @transform_6, window_bounds = array<i64: 1, 32>}, {pipeline_mode = #tpu.pipeline_mode<synchronous>, transform_indices = @transform_7, window_bounds = array<i64: 32, 16>}, {pipeline_mode = #tpu.pipeline_mode<synchronous>, transform_indices = @transform_8, window_bounds = array<i64: 1, 16>}, {pipeline_mode = #tpu.pipeline_mode<synchronous>, transform_indices = @transform_9, window_bounds = array<i64: 16, 8>}, {pipeline_mode = #tpu.pipeline_mode<synchronous>, transform_indices = @transform_10, window_bounds = array<i64: 1, 8>}, {pipeline_mode = #tpu.pipeline_mode<synchronous>, transform_indices = @transform_11, window_bounds = array<i64: 8, 1>}, {pipeline_mode = #tpu.pipeline_mode<synchronous>, transform_indices = @transform_12, window_bounds = array<i64: 1, 1>}, {pipeline_mode = #tpu.pipeline_mode<synchronous>, transform_indices = @transform_13, window_bounds = array<i64: 1, 1>}, {pipeline_mode = #tpu.pipeline_mode<synchronous>, transform_indices = @transform_14, window_bounds = array<i64: 1, 1>}, {pipeline_mode = #tpu.pipeline_mode<synchronous>, transform_indices = @transform_15, window_bounds = array<i64: 16, 1>}]} {
    %eq3A = arith.constant 0 : i32
    %eq3A_0 = arith.cmpi eq, %arg0, %eq3A : i32
    %convert_element_type3A = arith.extui %eq3A_0 : i1 to i32
    %cond3A = arith.constant 0 : i32
    %cond3A_1 = arith.cmpi ne, %convert_element_type3A, %cond3A : i32
    scf.if %cond3A_1 {
      %broadcast_in_dim3A_44 = arith.constant 0.000000e+00 : f32
      %broadcast_in_dim3A_45 = vector.broadcast %broadcast_in_dim3A_44 : f32 to vector<16x192xf32>
      %swap3A_46 = arith.constant 0 : index
      %swap3A_47 = arith.constant 0 : index
      %swap3A_48 = vector.load %arg17[%swap3A_46, %swap3A_47] : memref<16x192xf32, #tpu.memory_space<vmem>>, vector<16x192xf32>
      tpu.vector_store %arg17[%swap3A_46, %swap3A_47], %broadcast_in_dim3A_45 {strides = array<i32>} : memref<16x192xf32, #tpu.memory_space<vmem>>, vector<16x192xf32>,
    } else {
    }
    %get3A = arith.constant 0 : index
    %get3A_2 = arith.constant 0 : index
    %get3A_3 = arith.constant 0 : index
    %get3A_4 = vector.load %arg1[%get3A, %get3A_2, %get3A_3] : memref<2x1000x128xf32, #tpu.memory_space<vmem>>, vector<2x1000x128xf32>
    %slice3A = vector.extract_strided_slice %get3A_4 {offsets = [0, 0, 0], sizes = [1, 1000, 128], strides = [1, 1, 1]} : vector<2x1000x128xf32> to vector<1x1000x128xf32>
    %squeeze3A = vector.shape_cast %slice3A : vector<1x1000x128xf32> to vector<1000x128xf32>
    %slice3A_5 = vector.extract_strided_slice %get3A_4 {offsets = [1, 0, 0], sizes = [1, 1000, 128], strides = [1, 1, 1]} : vector<2x1000x128xf32> to vector<1x1000x128xf32>
    %squeeze3A_6 = vector.shape_cast %slice3A_5 : vector<1x1000x128xf32> to vector<1000x128xf32>
    %concatenate3A = tpu.concatenate %squeeze3A, %squeeze3A_6 in 1 : vector<1000x128xf32>, vector<1000x128xf32> -> vector<1000x256xf32>
    %slice3A_7 = vector.extract_strided_slice %concatenate3A {offsets = [0, 0], sizes = [1000, 192], strides = [1, 1]} : vector<1000x256xf32> to vector<1000x192xf32>
    %slice3A_8 = vector.extract_strided_slice %concatenate3A {offsets = [0, 192], sizes = [1000, 3], strides = [1, 1]} : vector<1000x256xf32> to vector<1000x3xf32>
    %broadcast_in_dim3A = vector.shape_cast %slice3A_8 : vector<1000x3xf32> to vector<1000x3x1xf32>
    %broadcast_in_dim3A_9 = vector.broadcast %broadcast_in_dim3A : vector<1000x3x1xf32> to vector<1000x3x64xf32>
    %reshape3A = vector.shape_cast %broadcast_in_dim3A_9 : vector<1000x3x64xf32> to vector<1000x192xf32>
    %add3A = arith.constant 1.000000e-16 : f32
    %add3A_10 = vector.broadcast %add3A : f32 to vector<1000x192xf32>
    %add3A_11 = arith.addf %reshape3A, %add3A_10 : vector<1000x192xf32>
    %div3A = arith.divf %slice3A_7, %add3A_11 : vector<1000x192xf32>
    %get3A_12 = arith.constant 0 : index
    %get3A_13 = arith.constant 0 : index
    %get3A_14 = vector.load %arg2[%get3A_12, %get3A_13] : memref<1x192xf32, #tpu.memory_space<vmem>>, vector<1x192xf32>
    %add3A_15 = vector.broadcast %get3A_14 : vector<1x192xf32> to vector<1000x192xf32>
    %add3A_16 = arith.addf %div3A, %add3A_15 : vector<1000x192xf32>
    %ge3A = arith.constant 0.000000e+00 : f32
    %ge3A_17 = vector.broadcast %ge3A : f32 to vector<1000x192xf32>
    %ge3A_18 = arith.cmpf oge, %add3A_16, %ge3A_17 : vector<1000x192xf32>
    %mul3A = arith.constant 0.00999999977 : f32
    %mul3A_19 = vector.broadcast %mul3A : f32 to vector<1000x192xf32>
    %mul3A_20 = arith.mulf %mul3A_19, %add3A_16 : vector<1000x192xf32>
    %select_n3A = arith.select %ge3A_18, %add3A_16, %mul3A_20 : vector<1000x192xi1>, vector<1000x192xf32>
    %get3A_21 = arith.constant 0 : index
    %get3A_22 = arith.constant 0 : index
    %get3A_23 = arith.constant 0 : index
    %get3A_24 = vector.load %arg3[%get3A_21, %get3A_22, %get3A_23] : memref<1x1x1000xi32, #tpu.memory_space<vmem>>, vector<1x1x1000xi32>
    %squeeze3A_25 = vector.shape_cast %get3A_24 : vector<1x1x1000xi32> to vector<1000xi32>
    %broadcast_in_dim3A_26 = vector.shape_cast %squeeze3A_25 : vector<1000xi32> to vector<1000x1xi32>
    %iota3A = tpu.iota {dimensions = array<i32: 1>} : vector<1x16xi32>
    %eq3A_27 = vector.broadcast %broadcast_in_dim3A_26 : vector<1000x1xi32> to vector<1000x16xi32>
    %eq3A_28 = vector.broadcast %iota3A : vector<1x16xi32> to vector<1000x16xi32>
    %eq3A_29 = arith.cmpi eq, %eq3A_27, %eq3A_28 : vector<1000x16xi32>
    %convert_element_type3A_30 = arith.extui %eq3A_29 : vector<1000x16xi1> to vector<1000x16xi32>
    %convert_element_type3A_31 = arith.sitofp %convert_element_type3A_30 : vector<1000x16xi32> to vector<1000x16xf32>
    %get3A_32 = arith.constant 0 : index
    %get3A_33 = arith.constant 0 : index
    %get3A_34 = vector.load %arg17[%get3A_32, %get3A_33] : memref<16x192xf32, #tpu.memory_space<vmem>>, vector<16x192xf32>
    %dot_general3A = arith.constant dense<0.000000e+00> : vector<16x192xf32>
    %dot_general3A_35 = tpu.matmul %convert_element_type3A_31, %select_n3A, %dot_general3A {dimension_numbers = #tpu.dot_dimension_numbers<[0], [0], [1], [1], [0, 1, 1, 1], [], []>, precision = #tpu.contract_precision<fp32>, transpose_lhs_hint = false} : vector<1000x16xf32>, vector<1000x192xf32>, vector<16x192xf32> -> vector<16x192xf32>
    %add3A_36 = arith.addf %get3A_34, %dot_general3A_35 : vector<16x192xf32>
    %swap3A = arith.constant 0 : index
    %swap3A_37 = arith.constant 0 : index
    %swap3A_38 = vector.load %arg17[%swap3A, %swap3A_37] : memref<16x192xf32, #tpu.memory_space<vmem>>, vector<16x192xf32>
    tpu.vector_store %arg17[%swap3A, %swap3A_37], %add3A_36 {strides = array<i32>} : memref<16x192xf32, #tpu.memory_space<vmem>>, vector<16x192xf32>,
    %eq3A_39 = arith.constant 9 : i32
    %eq3A_40 = arith.cmpi eq, %arg0, %eq3A_39 : i32
    %convert_element_type3A_41 = arith.extui %eq3A_40 : i1 to i32
    %cond3A_42 = arith.constant 0 : i32
    %cond3A_43 = arith.cmpi ne, %convert_element_type3A_41, %cond3A_42 : i32
    scf.if %cond3A_43 {
      %get3A_44 = arith.constant 0 : index
      %get3A_45 = arith.constant 0 : index
      %get3A_46 = vector.load %arg17[%get3A_44, %get3A_45] : memref<16x192xf32, #tpu.memory_space<vmem>>, vector<16x192xf32>
      %get3A_47 = arith.constant 0 : index
      %get3A_48 = arith.constant 0 : index
      %get3A_49 = vector.load %arg4[%get3A_47, %get3A_48] : memref<192x64xf32, #tpu.memory_space<vmem>>, vector<192x64xf32>
      %dot_general3A_50 = arith.constant dense<0.000000e+00> : vector<16x64xf32>
      %dot_general3A_51 = tpu.matmul %get3A_46, %get3A_49, %dot_general3A_50 {dimension_numbers = #tpu.dot_dimension_numbers<[1], [0], [0], [1], [0, 0, 1, 1], [], []>, precision = #tpu.contract_precision<fp32>, transpose_lhs_hint = false} : vector<16x192xf32>, vector<192x64xf32>, vector<16x64xf32> -> vector<16x64xf32>
      %get3A_52 = arith.constant 0 : index
      %get3A_53 = arith.constant 0 : index
      %get3A_54 = vector.load %arg5[%get3A_52, %get3A_53] : memref<1x64xf32, #tpu.memory_space<vmem>>, vector<1x64xf32>
      %add3A_55 = vector.broadcast %get3A_54 : vector<1x64xf32> to vector<16x64xf32>
      %add3A_56 = arith.addf %dot_general3A_51, %add3A_55 : vector<16x64xf32>
      %ge3A_57 = arith.constant 0.000000e+00 : f32
      %ge3A_58 = vector.broadcast %ge3A_57 : f32 to vector<16x64xf32>
      %ge3A_59 = arith.cmpf oge, %add3A_56, %ge3A_58 : vector<16x64xf32>
      %mul3A_60 = arith.constant 0.00999999977 : f32
      %mul3A_61 = vector.broadcast %mul3A_60 : f32 to vector<16x64xf32>
      %mul3A_62 = arith.mulf %mul3A_61, %add3A_56 : vector<16x64xf32>
      %select_n3A_63 = arith.select %ge3A_59, %add3A_56, %mul3A_62 : vector<16x64xi1>, vector<16x64xf32>
      %get3A_64 = arith.constant 0 : index
      %get3A_65 = arith.constant 0 : index
      %get3A_66 = vector.load %arg6[%get3A_64, %get3A_65] : memref<64x32xf32, #tpu.memory_space<vmem>>, vector<64x32xf32>
      %dot_general3A_67 = arith.constant dense<0.000000e+00> : vector<16x32xf32>
      %dot_general3A_68 = tpu.matmul %select_n3A_63, %get3A_66, %dot_general3A_67 {dimension_numbers = #tpu.dot_dimension_numbers<[1], [0], [0], [1], [0, 0, 1, 1], [], []>, precision = #tpu.contract_precision<fp32>, transpose_lhs_hint = false} : vector<16x64xf32>, vector<64x32xf32>, vector<16x32xf32> -> vector<16x32xf32>
      %get3A_69 = arith.constant 0 : index
      %get3A_70 = arith.constant 0 : index
      %get3A_71 = vector.load %arg7[%get3A_69, %get3A_70] : memref<1x32xf32, #tpu.memory_space<vmem>>, vector<1x32xf32>
      %add3A_72 = vector.broadcast %get3A_71 : vector<1x32xf32> to vector<16x32xf32>
      %add3A_73 = arith.addf %dot_general3A_68, %add3A_72 : vector<16x32xf32>
      %ge3A_74 = arith.constant 0.000000e+00 : f32
      %ge3A_75 = vector.broadcast %ge3A_74 : f32 to vector<16x32xf32>
      %ge3A_76 = arith.cmpf oge, %add3A_73, %ge3A_75 : vector<16x32xf32>
      %mul3A_77 = arith.constant 0.00999999977 : f32
      %mul3A_78 = vector.broadcast %mul3A_77 : f32 to vector<16x32xf32>
      %mul3A_79 = arith.mulf %mul3A_78, %add3A_73 : vector<16x32xf32>
      %select_n3A_80 = arith.select %ge3A_76, %add3A_73, %mul3A_79 : vector<16x32xi1>, vector<16x32xf32>
      %get3A_81 = arith.constant 0 : index
      %get3A_82 = arith.constant 0 : index
      %get3A_83 = vector.load %arg8[%get3A_81, %get3A_82] : memref<32x16xf32, #tpu.memory_space<vmem>>, vector<32x16xf32>
      %dot_general3A_84 = arith.constant dense<0.000000e+00> : vector<16x16xf32>
      %dot_general3A_85 = tpu.matmul %select_n3A_80, %get3A_83, %dot_general3A_84 {dimension_numbers = #tpu.dot_dimension_numbers<[1], [0], [0], [1], [0, 0, 1, 1], [], []>, precision = #tpu.contract_precision<fp32>, transpose_lhs_hint = false} : vector<16x32xf32>, vector<32x16xf32>, vector<16x16xf32> -> vector<16x16xf32>
      %get3A_86 = arith.constant 0 : index
      %get3A_87 = arith.constant 0 : index
      %get3A_88 = vector.load %arg9[%get3A_86, %get3A_87] : memref<1x16xf32, #tpu.memory_space<vmem>>, vector<1x16xf32>
      %add3A_89 = vector.broadcast %get3A_88 : vector<1x16xf32> to vector<16x16xf32>
      %add3A_90 = arith.addf %dot_general3A_85, %add3A_89 : vector<16x16xf32>
      %ge3A_91 = arith.constant 0.000000e+00 : f32
      %ge3A_92 = vector.broadcast %ge3A_91 : f32 to vector<16x16xf32>
      %ge3A_93 = arith.cmpf oge, %add3A_90, %ge3A_92 : vector<16x16xf32>
      %mul3A_94 = arith.constant 0.00999999977 : f32
      %mul3A_95 = vector.broadcast %mul3A_94 : f32 to vector<16x16xf32>
      %mul3A_96 = arith.mulf %mul3A_95, %add3A_90 : vector<16x16xf32>
      %select_n3A_97 = arith.select %ge3A_93, %add3A_90, %mul3A_96 : vector<16x16xi1>, vector<16x16xf32>
      %get3A_98 = arith.constant 0 : index
      %get3A_99 = arith.constant 0 : index
      %get3A_100 = vector.load %arg10[%get3A_98, %get3A_99] : memref<16x8xf32, #tpu.memory_space<vmem>>, vector<16x8xf32>
      %dot_general3A_101 = arith.constant dense<0.000000e+00> : vector<16x8xf32>
      %dot_general3A_102 = tpu.matmul %select_n3A_97, %get3A_100, %dot_general3A_101 {dimension_numbers = #tpu.dot_dimension_numbers<[1], [0], [0], [1], [0, 0, 1, 1], [], []>, precision = #tpu.contract_precision<fp32>, transpose_lhs_hint = false} : vector<16x16xf32>, vector<16x8xf32>, vector<16x8xf32> -> vector<16x8xf32>
      %get3A_103 = arith.constant 0 : index
      %get3A_104 = arith.constant 0 : index
      %get3A_105 = vector.load %arg11[%get3A_103, %get3A_104] : memref<1x8xf32, #tpu.memory_space<vmem>>, vector<1x8xf32>
      %add3A_106 = vector.broadcast %get3A_105 : vector<1x8xf32> to vector<16x8xf32>
      %add3A_107 = arith.addf %dot_general3A_102, %add3A_106 : vector<16x8xf32>
      %ge3A_108 = arith.constant 0.000000e+00 : f32
      %ge3A_109 = vector.broadcast %ge3A_108 : f32 to vector<16x8xf32>
      %ge3A_110 = arith.cmpf oge, %add3A_107, %ge3A_109 : vector<16x8xf32>
      %mul3A_111 = arith.constant 0.00999999977 : f32
      %mul3A_112 = vector.broadcast %mul3A_111 : f32 to vector<16x8xf32>
      %mul3A_113 = arith.mulf %mul3A_112, %add3A_107 : vector<16x8xf32>
      %select_n3A_114 = arith.select %ge3A_110, %add3A_107, %mul3A_113 : vector<16x8xi1>, vector<16x8xf32>
      %get3A_115 = arith.constant 0 : index
      %get3A_116 = arith.constant 0 : index
      %get3A_117 = vector.load %arg12[%get3A_115, %get3A_116] : memref<8x1xf32, #tpu.memory_space<vmem>>, vector<8x1xf32>
      %dot_general3A_118 = arith.constant dense<0.000000e+00> : vector<16x1xf32>
      %dot_general3A_119 = tpu.matmul %select_n3A_114, %get3A_117, %dot_general3A_118 {dimension_numbers = #tpu.dot_dimension_numbers<[1], [0], [0], [1], [0, 0, 1, 1], [], []>, precision = #tpu.contract_precision<fp32>, transpose_lhs_hint = false} : vector<16x8xf32>, vector<8x1xf32>, vector<16x1xf32> -> vector<16x1xf32>
      %get3A_120 = arith.constant 0 : index
      %get3A_121 = arith.constant 0 : index
      %get3A_122 = vector.load %arg13[%get3A_120, %get3A_121] : memref<1x1xf32, #tpu.memory_space<vmem>>, vector<1x1xf32>
      %add3A_123 = vector.broadcast %get3A_122 : vector<1x1xf32> to vector<16x1xf32>
      %add3A_124 = arith.addf %dot_general3A_119, %add3A_123 : vector<16x1xf32>
      %get3A_125 = arith.constant 0 : index
      %get3A_126 = arith.constant 0 : index
      %get3A_127 = vector.load %arg14[%get3A_125, %get3A_126] : memref<1x1xf32, #tpu.memory_space<vmem>>, vector<1x1xf32>
      %dot_general3A_128 = arith.constant dense<0.000000e+00> : vector<16x1xf32>
      %dot_general3A_129 = tpu.matmul %add3A_124, %get3A_127, %dot_general3A_128 {dimension_numbers = #tpu.dot_dimension_numbers<[1], [0], [0], [1], [0, 0, 1, 1], [], []>, precision = #tpu.contract_precision<fp32>, transpose_lhs_hint = false} : vector<16x1xf32>, vector<1x1xf32>, vector<16x1xf32> -> vector<16x1xf32>
      %get3A_130 = arith.constant 0 : index
      %get3A_131 = arith.constant 0 : index
      %get3A_132 = vector.load %arg15[%get3A_130, %get3A_131] : memref<1x1xf32, #tpu.memory_space<vmem>>, vector<1x1xf32>
      %add3A_133 = vector.broadcast %get3A_132 : vector<1x1xf32> to vector<16x1xf32>
      %add3A_134 = arith.addf %dot_general3A_129, %add3A_133 : vector<16x1xf32>
      %swap3A_135 = arith.constant 0 : index
      %swap3A_136 = arith.constant 0 : index
      %swap3A_137 = vector.load %arg16[%swap3A_135, %swap3A_136] : memref<16x1xf32, #tpu.memory_space<vmem>>, vector<16x1xf32>
      tpu.vector_store %arg16[%swap3A_135, %swap3A_136], %add3A_134 {strides = array<i32>} : memref<16x1xf32, #tpu.memory_space<vmem>>, vector<16x1xf32>,
    } else {
    }
    return
  }
  func.func @transform_0(%arg0: i32) -> (i32, i32, i32) {
    %c0_i32 = arith.constant 0 : i32
    %c0_i32_0 = arith.constant 0 : i32
    %c0_i32_1 = arith.constant 0 : i32
    return %c0_i32, %arg0, %c0_i32_0 : i32, i32, i32
  }
  func.func @transform_1(%arg0: i32) -> (i32, i32) {
    %c0_i32 = arith.constant 0 : i32
    %c0_i32_0 = arith.constant 0 : i32
    %c0_i32_1 = arith.constant 0 : i32
    return %c0_i32, %c0_i32_0 : i32, i32
  }
  func.func @transform_2(%arg0: i32) -> (i32, i32, i32) {
    %c0_i32 = arith.constant 0 : i32
    %c0_i32_0 = arith.constant 0 : i32
    %c0_i32_1 = arith.constant 0 : i32
    return %arg0, %c0_i32, %c0_i32_0 : i32, i32, i32
  }
  func.func @transform_3(%arg0: i32) -> (i32, i32) {
    %c0_i32 = arith.constant 0 : i32
    %c0_i32_0 = arith.constant 0 : i32
    %c0_i32_1 = arith.constant 0 : i32
    return %c0_i32, %c0_i32_0 : i32, i32
  }
  func.func @transform_4(%arg0: i32) -> (i32, i32) {
    %c0_i32 = arith.constant 0 : i32
    %c0_i32_0 = arith.constant 0 : i32
    %c0_i32_1 = arith.constant 0 : i32
    return %c0_i32, %c0_i32_0 : i32, i32
  }
  func.func @transform_5(%arg0: i32) -> (i32, i32) {
    %c0_i32 = arith.constant 0 : i32
    %c0_i32_0 = arith.constant 0 : i32
    %c0_i32_1 = arith.constant 0 : i32
    return %c0_i32, %c0_i32_0 : i32, i32
  }
  func.func @transform_6(%arg0: i32) -> (i32, i32) {
    %c0_i32 = arith.constant 0 : i32
    %c0_i32_0 = arith.constant 0 : i32
    %c0_i32_1 = arith.constant 0 : i32
    return %c0_i32, %c0_i32_0 : i32, i32
  }
  func.func @transform_7(%arg0: i32) -> (i32, i32) {
    %c0_i32 = arith.constant 0 : i32
    %c0_i32_0 = arith.constant 0 : i32
    %c0_i32_1 = arith.constant 0 : i32
    return %c0_i32, %c0_i32_0 : i32, i32
  }
  func.func @transform_8(%arg0: i32) -> (i32, i32) {
    %c0_i32 = arith.constant 0 : i32
    %c0_i32_0 = arith.constant 0 : i32
    %c0_i32_1 = arith.constant 0 : i32
    return %c0_i32, %c0_i32_0 : i32, i32
  }
  func.func @transform_9(%arg0: i32) -> (i32, i32) {
    %c0_i32 = arith.constant 0 : i32
    %c0_i32_0 = arith.constant 0 : i32
    %c0_i32_1 = arith.constant 0 : i32
    return %c0_i32, %c0_i32_0 : i32, i32
  }
  func.func @transform_10(%arg0: i32) -> (i32, i32) {
    %c0_i32 = arith.constant 0 : i32
    %c0_i32_0 = arith.constant 0 : i32
    %c0_i32_1 = arith.constant 0 : i32
    return %c0_i32, %c0_i32_0 : i32, i32
  }
  func.func @transform_11(%arg0: i32) -> (i32, i32) {
    %c0_i32 = arith.constant 0 : i32
    %c0_i32_0 = arith.constant 0 : i32
    %c0_i32_1 = arith.constant 0 : i32
    return %c0_i32, %c0_i32_0 : i32, i32
  }
  func.func @transform_12(%arg0: i32) -> (i32, i32) {
    %c0_i32 = arith.constant 0 : i32
    %c0_i32_0 = arith.constant 0 : i32
    %c0_i32_1 = arith.constant 0 : i32
    return %c0_i32, %c0_i32_0 : i32, i32
  }
  func.func @transform_13(%arg0: i32) -> (i32, i32) {
    %c0_i32 = arith.constant 0 : i32
    %c0_i32_0 = arith.constant 0 : i32
    %c0_i32_1 = arith.constant 0 : i32
    return %c0_i32, %c0_i32_0 : i32, i32
  }
  func.func @transform_14(%arg0: i32) -> (i32, i32) {
    %c0_i32 = arith.constant 0 : i32
    %c0_i32_0 = arith.constant 0 : i32
    %c0_i32_1 = arith.constant 0 : i32
    return %c0_i32, %c0_i32_0 : i32, i32
  }
  func.func @transform_15(%arg0: i32) -> (i32, i32) {
    %c0_i32 = arith.constant 0 : i32
    %c0_i32_0 = arith.constant 0 : i32
    %c0_i32_1 = arith.constant 0 : i32
    return %c0_i32, %c0_i32_0 : i32, i32
  }
}

</mosaic_0001>

<sc_bundles>
// kernel: kernel.11.cloned.1.call-start
scs
__scs_entry_jumppad:
0x0: {  	(pc) =	sbr.rel $0x88, $3  }
0x1: {  	(tag) =	ssettag $0x0;
	lr =	simm.s32 $0x1  }
0x2: {  	[smem:$0x3F83] =	sst lr;
	_ =	strace $0xD0000000  }
0x3: {  	_ = 	snop  }
0x4: {  	_ = 	snop  }
0x5: {  	_ = 	snop  }
0x6: {  	_ = 	snop  }
0x7: {  	_ = 	snop  }
__scs_overlays_trampoline_lowered:
0x8: {  	[smem:$0x3F92] =	sst s0  }
0x9: {  	[smem:$0x3F93] =	sst s1  }
0xa: {  	[smem:$0x3F94] =	sst s2  }
0xb: {  	[smem:$0x3F95] =	sst s3  }
0xc: {  	[smem:$0x3F96] =	sst s4  }
0xd: {  	[smem:$0x3F97] =	sst s5  }
0xe: {  	[smem:$0x3F98] =	sst s6  }
0xf: {  	[smem:$0x3F99] =	sst s7  }
0x10: {  	[smem:$0x3F9A] =	sst s8  }
0x11: {  	[smem:$0x3F9B] =	sst s9;
	s0 =	simm.s32 @!p0 $0x0  }
0x12: {  	s1 =	sld [smem:$0x3F81];
	s0 =	simm.s32 @p0 $0x1  }
0x13: {  	[smem:$0x3F9C] =	sst s0;
	s0 =	simm.s32 @!p1 $0x0  }
0x14: {  	s2 =	sld [smem:$0x3F80];
	s0 =	simm.s32 @p1 $0x1  }
0x15: {  	[smem:$0x3F9D] =	sst s0;
	s0 =	simm.s32 @!p2 $0x0  }
0x16: {  	s3 =	sld [smem:$0x3FDB];
	s0 =	simm.s32 @p2 $0x1  }
0x17: {  	s4 =	simm.s32 $0x1BF5;
	[smem:$0x3F9F] =	sst s0  }
0x18: {  	s0 =	sld [smem:$0x3F82];
	_ =	swait.ge [sflag:s4], $0x0  }
0x19: {  	s7 =	sld [smem:$0x3F83]  }
0x1a: {  	s8 =	sadd.s32 $0xFFFFE003, lr  }
0x1b: {  	s9 =	sadd.s32 $0xFFFFFEF7, lr;
	s5 =	simm.s32 $0xFFFFFFFF;
	p2 =	slt.u32 s8, $0xFFFFF086  }
0x1c: {  	p1 =	slt.u32 s9, $0xF7A;
	s5 =	simm.s32 @!p2 $0x0  }
0x1d: {  	s5 =	simm.s32 @p1 $0x1;
	p0 =	seq.s32 s7, s2  }
0x1e: {  	s7 =	smul.u32 @!p0 $0xF7A, s2;
	p2 =	seq.s32 @!p0 s5, $0x0  }
0x1f: {  	s9 =	smul.u32 $0xF7A, s1;
	s8 =	simm.s32 @!p0 $0x1BF5;
	p2 =	por !p2, p0  }
0x20: {  	[sflag:s8] =	ssyncset.s32 @!p0 $0xFFFFF086;
	s6 =	sadd.s32 @!p0 s3, s7;
	s7 =	simm.s32 @!p0 $0x108  }
0x21: {  	s3 =	sadd.s32 s3, s9;
	s6 =	sadd.s32 @!p0 $0x88, s6;
	s7 =	simm.s32 @p2 $0x1082  }
0x22: {  	[simem:s7], [sflag:s8] =	dma.local @!p0 [hbm:s6], $0xF7A  }
0x23: {  	s9 =	sor.u32 $0xD0000000, s2;
	s6 =	simm.s32 $0x108;
	_ =	swait.ge @!p0 [sflag:s8], $0x0  }
0x24: {  	s3 =	sadd.s32 $0x88, s3;
	s6 =	simm.s32 @!p1 $0x1082;
	[sflag:s4] =	ssyncset.s32 $0xFFFFF086  }
0x25: {  	[simem:s6], [sflag:s4] =	dma.local [hbm:s3], $0xF7A  }
0x26: {  	[smem:$0x3F83] =	sst s1;
	(tag) =	ssettag s2;
	_ =	strace s9  }
0x27: {  	s1 =	sld [smem:$0x3F93]  }
0x28: {  	s2 =	sld [smem:$0x3F94]  }
0x29: {  	s4 =	sld [smem:$0x3F96]  }
0x2a: {  	p0 =	seq.s32 s5, $0x0;
	s5 =	sld [smem:$0x3F97]  }
0x2b: {  	s6 =	sld [smem:$0x3F98]  }
0x2c: {  	s7 =	sld [smem:$0x3F99]  }
0x2d: {  	s3 =	simm.s32 $0x108;
	s8 =	sld [smem:$0x3F9A]  }
0x2e: {  	s3 =	simm.s32 @!p0 $0x1082;
	s9 =	sld [smem:$0x3F9B]  }
0x2f: {  	lr =	sadd.s32 s0, s3;
	s0 =	sld [smem:$0x3F92]  }
0x30: {  	s3 =	sld [smem:$0x3F95]  }
0x31: {  	[smem:$0x3F9E] =	sst s10  }
0x32: {  	s10 =	sld [smem:$0x3F9C];
	_ =	sdelay $0x3  }
0x33: {  	p0 =	seq.s32 s10, $0x1;
	s10 =	sld [smem:$0x3F9E];
	_ =	sdelay $0x3  }
0x34: {  	[smem:$0x3F9E] =	sst s10  }
0x35: {  	s10 =	sld [smem:$0x3F9D];
	_ =	sdelay $0x3  }
0x36: {  	p1 =	seq.s32 s10, $0x1;
	s10 =	sld [smem:$0x3F9E];
	_ =	sdelay $0x3  }
0x37: {  	[smem:$0x3F9E] =	sst s10  }
0x38: {  	s10 =	sld [smem:$0x3F9F]  }
0x39: {  	_ = 	snop;
	(pc) =	sbr.ind lr, $3  }
0x3a: {  	_ = 	snop  }
0x3b: {  	_ = 	snop  }
0x3c: {  	p2 =	seq.s32 s10, $0x1;
	s10 =	sld [smem:$0x3F9E]  }
0x3d: {  	_ =	shalt  }
0x3e: {  	_ =	shalt  }
0x3f: {  	_ =	shalt  }
0x40: {  	_ =	shalt  }
0x41: {  	_ =	shalt  }
0x42: {  	_ =	shalt  }
0x43: {  	_ =	shalt  }
0x44: {  	_ =	shalt  }
0x45: {  	_ =	shalt  }
0x46: {  	_ =	shalt  }
0x47: {  	_ =	shalt  }
0x48: {  	_ =	shalt  }
0x49: {  	_ =	shalt  }
0x4a: {  	_ =	shalt  }
0x4b: {  	_ =	shalt  }
0x4c: {  	_ =	shalt  }
0x4d: {  	_ =	shalt  }
0x4e: {  	_ =	shalt  }
0x4f: {  	_ =	shalt  }
0x50: {  	_ =	shalt  }
0x51: {  	_ =	shalt  }
0x52: {  	_ =	shalt  }
0x53: {  	_ =	shalt  }
0x54: {  	_ =	shalt  }
0x55: {  	_ =	shalt  }
0x56: {  	_ =	shalt  }
0x57: {  	_ =	shalt  }
0x58: {  	_ =	shalt  }
0x59: {  	_ =	shalt  }
0x5a: {  	_ =	shalt  }
0x5b: {  	_ =	shalt  }
0x5c: {  	_ =	shalt  }
0x5d: {  	_ =	shalt  }
0x5e: {  	_ =	shalt  }
0x5f: {  	_ =	shalt  }
0x60: {  	_ =	shalt  }
0x61: {  	_ =	shalt  }
0x62: {  	_ =	shalt  }
0x63: {  	_ =	shalt  }
0x64: {  	_ =	shalt  }
0x65: {  	_ =	shalt  }
0x66: {  	_ =	shalt  }
0x67: {  	_ =	shalt  }
0x68: {  	_ =	shalt  }
0x69: {  	_ =	shalt  }
0x6a: {  	_ =	shalt  }
0x6b: {  	_ =	shalt  }
0x6c: {  	_ =	shalt  }
0x6d: {  	_ =	shalt  }
0x6e: {  	_ =	shalt  }
0x6f: {  	_ =	shalt  }
0x70: {  	_ =	shalt  }
0x71: {  	_ =	shalt  }
0x72: {  	_ =	shalt  }
0x73: {  	_ =	shalt  }
0x74: {  	_ =	shalt  }
0x75: {  	_ =	shalt  }
0x76: {  	_ =	shalt  }
0x77: {  	_ =	shalt  }
0x78: {  	_ =	shalt  }
0x79: {  	_ =	shalt  }
0x7a: {  	_ =	shalt  }
0x7b: {  	_ =	shalt  }
0x7c: {  	_ =	shalt  }
0x7d: {  	_ =	shalt  }
0x7e: {  	_ =	shalt  }
0x7f: {  	_ =	shalt  }
0x80: {  	_ =	shalt  }
0x81: {  	_ =	shalt  }
0x82: {  	_ =	shalt  }
0x83: {  	_ =	shalt  }
0x84: {  	_ =	shalt  }
0x85: {  	_ =	shalt  }
0x86: {  	_ =	shalt  }
0x87: {  	_ =	shalt  }
.Lfunc_end0:
.L_simem_size_0:
called_computation_lowered:
.L_overlay_start_0:
0x88: {  	s2 =	sld [smem:$0x3FD9]  }
0x89: {  	s3 =	sld [smem:$0x3FFE];
	_ =	sdelay $0x1  }
0x8a: {  	s1 =	srdreg.scid  }
0x8b: {  	s0 =	sand.u32 $0x1, s1  }
0x8c: {  	s16 =	sshll.u32 s0, $0xA;
	s2 =	sadd.s32 s3, s2  }
0x8d: {  	s2 =	sadd.s32 s2, s16  }
0x8e: {  	[smem:$0x3FAA] =	sst s2  }
0x8f: {  	_ = 	snop  }
0x90: {  	(tm) =	ssettm $0x1  }
0x91: {  	s17 =	sld [smem:$0x3FFB];
	_ =	sdelay $0x3  }
0x92: {  	_ =	strace s17  }
0x93: {  	s2 =	sld [smem:$0x3FFC];
	_ =	sdelay $0x3  }
0x94: {  	_ =	strace s2  }
0x95: {  	s2 =	sld [smem:$0x3FFD];
	_ =	sdelay $0x3  }
0x96: {  	_ =	strace s2  }
0x97: {  	_ =	strace $0x8FFFFFFF  }
0x98: {  	s18 =	sld [smem:$0x3FDB];
	_ =	sdelay $0x1  }
0x99: {  	s19 =	simm.s32 $_scs_section_size  }
0x9a: {  	s4 =	simm.s32 $_size__tile_overlayer_lowered;
	s5 =	simm.s32 $_tile_overlayer_lowered  }
0x9b: {  	s22 =	simm.s32 $0x1BFF;
	s21 =	sshll.u32 s5, $0x1;
	s2 =	sadd.s32 s19, s18  }
0x9c: {  	s6 =	simm.s32 $0x0;
	s20 =	sshll.u32 s4, $0x1;
	s4 =	sadd.s32 s21, s2  }
0x9d: {  	[timem:s6], [sflag:s22] =	dma.local [hbm:s4], s20  }
0x9e: {  	_ =	swait.ge [sflag:s22], s20  }
0x9f: {  	s3 =	ssub.s32 $0x0, s20;
	[sflag:s22] =	ssyncset.done $0x0  }
0xa0: {  	[sflag:s22] =	ssyncadd.s32 s3;
	_ =	sdelay $0x1  }
0xa1: {  	s23 =	simm.s32 $0x1B8B  }
0xa2: {  	_ =	swait.ge [sflag:s23], $0x1  }
0xa3: {  	[sflag:s23] =	ssyncset.done $0x0  }
0xa4: {  	s25 =	simm.s32 $0x1B8E;
	s24 =	sld [smem:$0x3FFE];
	[sflag:s23] =	ssyncadd.s32 $0xFFFFFFFF  }
0xa5: {  	s26 =	simm.s32 $execute0_lowered;
	[smem:$0x3FD2] =	sst s25  }
0xa6: {  	s4 =	sshll.u32 s26, $0x1;
	_ =	strace $0x80000046;
	[dreg:$0x1] =	wrdreg $0xFFFFFFFF  }
0xa7: {  	s28 =	simm.s32 $_size_execute0_lowered;
	s2 =	sadd.s32 s2, s4;
	[dreg:$0x0] =	wrdreg $0x0  }
0xa8: {  	s4 =	sshll.u32 s28, $0x1;
	[dreg:$0x2] =	wrdreg s2  }
0xa9: {  	[dreg:$0x3] =	wrdreg s4  }
0xaa: {  	[dreg:$0x4] =	wrdreg $0xC0  }
0xab: {  	_ =	task [dreg:s6], $0x5FFFF  }
0xac: {  	[dreg:$0x1] =	wrdreg $0xFFFFFFFF  }
0xad: {  	[dreg:$0x0] =	wrdreg $0x60  }
0xae: {  	[dreg:$0x2] =	wrdreg s24  }
0xaf: {  	[dreg:$0x3] =	wrdreg $0x9  }
0xb0: {  	_ =	task.clear_ibuf [dreg:s6], $0x4FFFF;
	_ =	strace $0x90000046  }
0xb1: {  	s29 =	simm.s32 $0x9;
	_ =	strace $0x80000048  }
0xb2: {  	_ =	swait.ge [sflag:s29], $0x1  }
0xb3: {  	[sflag:s29] =	ssyncadd.s32 $0xFFFFFFFF  }
0xb4: {  	_ =	strace $0x90000048  }
0xb5: {  	_ =	sfence  }
0xb6: {  	s30 =	sld [smem:$0x0];
	_ =	sdelay $0x2  }
0xb7: {  	s31 =	sshll.u32 s1, $0xD;
	s1 =	sshrl.u32 s1, $0x2  }
0xb8: {  	s3 =	sand.u32 $0x4000, s31;
	s1 =	sadd.s32 s1, s30  }
0xb9: {  	s0 =	sor.u32 s3, s0;
	s1 =	sshll.u32 s1, $0x11  }
0xba: {  	s0 =	sor.u32 s1, s0  }
0xbb: {  	s0 =	sadd.s32 $0x8F2B, s0  }
0xbc: {  	[sflag:s0] =	ssyncadd.remote.s32 $0x1  }
0xbd: {  	_ =	sfence.sel $0xFFFF  }
0xbe: {  	[dreg:$0x0] =	wrdreg $0xFFFFFFFF;
	(pc) =	sbr.abs _section_cstart, $3  }
0xbf: {  	[dreg:$0x1] =	wrdreg $0xFFFFFFFF  }
0xc0: {  	_ =	task.clear_ibuf [dreg:s6], $0x2FFFF;
	_ =	strace $0x9FFFFFFF  }
0xc1: {  	(tm) =	ssettm $0x7FFFFFFF  }
tec
execute0_lowered:
.L_overlay_start_1:
0x0: {  	(tag) =	ssettag $0x1  }
0x1: {  	s5 =	rddreg [dreg:$0x0]  }
0x2: {  	s0 =	rddreg [dreg:$0x1]  }
0x3: {  	s2 =	simm.s32 $0x0;
	s1 =	srdreg.scid;
	s12 =	simm.s32 $0x50  }
0x4: {  	s13 =	simm.s32 $0x100;
	s14 =	simm.s32 $0x2900;
	s15 =	simm.s32 $0x1  }
0x5: {  	s16 =	simm.s32 $0x2;
	[smem:$0x7FF] =	sst s2;
	s6 =	sand.u32 $0x1, s1  }
0x6: {  	s17 =	simm.s32 $0x0;
	s1 =	stileid.u32;
	s7 =	smul.u32 $0x27100, s6  }
0x7: {  	s3 =	sadd.s32 $0x1A000, s5;
	s4 =	sadd.s32 $0x41200, s5;
	s8 =	smul.u32 $0x2710, s1  }
0x8: {  	_ =	strace $0x80000047;
	s9 =	smul.u32 $0x271000, s6;
	s6 =	ssub.s32 $0x2, s6  }
0x9: {  	s10 =	smul.u32 $0x27100, s1;
	s30 =	sshrl.u32 s6, $0x1;
	s7 =	sadd.s32 s8, s7  }
0xa: {  	s9 =	sadd.s32 s9, s5;
	s6 =	ssub.s32 s6, s30;
	s7 =	sshrl.u32 s7, $0x3  }
0xb: {  	s31 =	sadd.s32 s10, s9;
	s10 =	simm.s32 $0x3;
	s11 =	sadd.s32 s7, s5  }
0xc: {  	s5 =	smax.u32 s6, $0x1;
	s6 =	sadd.s32 $0x68400, s31;
	s7 =	sadd.s32 $0x54A400, s31  }
0xd: {  	s8 =	sadd.s32 $0x10200, s11;
	s9 =	sadd.s32 $0x6400, s11;
	s11 =	simm.s32 $0x80  }
.LBB2_1:
0xe: {  	s18 =	sadd.s32 $0x0, s9  }
0xf: {  	[tilespmem:s2], [sflag:$0x3] =	stream.linear.gather [hbm4b:s18+s2], $0x50, $0x38;
	[tilespmem:$0x5100] =	vst v63  }
0x10: {  	_ =	swait.ge [sflag:s10], $0x50  }
0x11: {  	[sflag:s10] =	ssyncset.done $0x0  }
0x12: {  	s31 =	sadd.s32 $0x0, s8;
	[sflag:s10] =	ssyncadd.s32 $0xFFFFFFB0  }
0x13: {  	[tilespmem:s11], [sflag:$0x3] =	stream.linear.gather [hbm4b:s31+s2], $0x50, $0x38;
	[tilespmem:$0x5100] =	vst v63  }
0x14: {  	_ =	swait.ge [sflag:s10], $0x50  }
0x15: {  	[sflag:s10] =	ssyncset.done $0x0  }
0x16: {  	[sflag:s10] =	ssyncadd.s32 $0xFFFFFFB0  }
0x17: {  	[tilespmem:s13], [sflag:$0x1] =	stream.indirect.gather [hbm4b:s3+s12], $0x80, s2, s12, $0xb8;
	[tilespmem:$0x5100] =	vst v63  }
0x18: {  	_ = 	snop  }
0x19: {  	[tilespmem:s14], [sflag:$0x2] =	stream.indirect.gather [hbm4b:s4+s12], $0x80, s11, s12, $0xb8;
	[tilespmem:$0x5100] =	vst v63  }
0x1a: {  	_ =	swait.ge [sflag:s15], $0x2800  }
0x1b: {  	[sflag:s15] =	ssyncset.done $0x0  }
0x1c: {  	[sflag:s15] =	ssyncadd.s32 $0xFFFFD800  }
0x1d: {  	_ =	swait.ge [sflag:s16], $0x2800  }
0x1e: {  	[sflag:s16] =	ssyncset.done $0x0  }
0x1f: {  	[sflag:s16] =	ssyncadd.s32 $0xFFFFD800  }
0x20: {  	[hbm4b:s6+s2] =	stream.linear.scatter [tilespmem:s13], [sflag:$0x3], $0x2800, $0x38;
	[tilespmem:$0x5100] =	vst v63  }
0x21: {  	_ =	swait.ge [sflag:s10], $0x2800  }
0x22: {  	[sflag:s10] =	ssyncset.done $0x0  }
0x23: {  	[sflag:s10] =	ssyncadd.s32 $0xFFFFD800  }
0x24: {  	[hbm4b:s7+s2] =	stream.linear.scatter [tilespmem:s14], [sflag:$0x3], $0x2800, $0x38;
	[tilespmem:$0x5100] =	vst v63  }
0x25: {  	s20 =	simm.s32 $0xA;
	s21 =	simm.s32 $0x14;
	_ =	swait.ge [sflag:s10], $0x2800  }
0x26: {  	s19 =	sadd.s32 $0x500, s6;
	s18 =	sadd.s32 $0x500, s7;
	[sflag:s10] =	ssyncset.done $0x0  }
.LBB2_2:
0x27: {  	s22 =	sadd.s32 s20, s9  }
0x28: {  	[sflag:s10] =	ssyncadd.s32 $0xFFFFD800;
	s23 =	smov.u32 s21;
	s24 =	sadd.s32 $0xA, s21  }
0x29: {  	[tilespmem:s2], [sflag:$0x3] =	stream.linear.gather [hbm4b:s22+s2], $0x50, $0x38;
	[tilespmem:$0x5100] =	vst v63  }
0x2a: {  	p0 =	sne.s32 s21, $0x4D8;
	_ =	swait.ge [sflag:s10], $0x50  }
0x2b: {  	[sflag:s10] =	ssyncset.done $0x0  }
0x2c: {  	s21 =	sadd.s32 s20, s8;
	s20 =	smov.u32 s23;
	[sflag:s10] =	ssyncadd.s32 $0xFFFFFFB0  }
0x2d: {  	[tilespmem:s11], [sflag:$0x3] =	stream.linear.gather [hbm4b:s21+s2], $0x50, $0x38;
	[tilespmem:$0x5100] =	vst v63  }
0x2e: {  	_ =	swait.ge [sflag:s10], $0x50  }
0x2f: {  	[sflag:s10] =	ssyncset.done $0x0  }
0x30: {  	[sflag:s10] =	ssyncadd.s32 $0xFFFFFFB0  }
0x31: {  	[tilespmem:s13], [sflag:$0x1] =	stream.indirect.gather [hbm4b:s3+s12], $0x80, s2, s12, $0xb8;
	[tilespmem:$0x5100] =	vst v63  }
0x32: {  	_ = 	snop  }
0x33: {  	[tilespmem:s14], [sflag:$0x2] =	stream.indirect.gather [hbm4b:s4+s12], $0x80, s11, s12, $0xb8;
	[tilespmem:$0x5100] =	vst v63  }
0x34: {  	_ =	swait.ge [sflag:s15], $0x2800  }
0x35: {  	[sflag:s15] =	ssyncset.done $0x0  }
0x36: {  	[sflag:s15] =	ssyncadd.s32 $0xFFFFD800  }
0x37: {  	_ =	swait.ge [sflag:s16], $0x2800  }
0x38: {  	[sflag:s16] =	ssyncset.done $0x0  }
0x39: {  	[sflag:s16] =	ssyncadd.s32 $0xFFFFD800  }
0x3a: {  	[hbm4b:s19+s2] =	stream.linear.scatter [tilespmem:s13], [sflag:$0x3], $0x2800, $0x38;
	[tilespmem:$0x5100] =	vst v63  }
0x3b: {  	_ =	swait.ge [sflag:s10], $0x2800  }
.Ltmp0:
0x3c: {  	[sflag:s10] =	ssyncset.done $0x0;
	(pc) =	sbr.rel @p0 .LBB2_2-.Ltmp0, $4  }
0x3d: {  	[sflag:s10] =	ssyncadd.s32 $0xFFFFD800  }
0x3e: {  	[hbm4b:s18+s2] =	stream.linear.scatter [tilespmem:s14], [sflag:$0x3], $0x2800, $0x38;
	[tilespmem:$0x5100] =	vst v63  }
0x3f: {  	s21 =	smov.u32 s24;
	_ =	swait.ge [sflag:s10], $0x2800  }
0x40: {  	s19 =	sadd.s32 $0x500, s19;
	s18 =	sadd.s32 $0x500, s18;
	[sflag:s10] =	ssyncset.done $0x0  }
0x41: {  	s21 =	sadd.s32 s20, s9;
	[sflag:s10] =	ssyncadd.s32 $0xFFFFD800  }
0x42: {  	[tilespmem:s2], [sflag:$0x3] =	stream.linear.gather [hbm4b:s21+s2], $0x50, $0x38;
	[tilespmem:$0x5100] =	vst v63  }
0x43: {  	_ =	swait.ge [sflag:s10], $0x50  }
0x44: {  	[sflag:s10] =	ssyncset.done $0x0  }
0x45: {  	s31 =	sadd.s32 s20, s8;
	[sflag:s10] =	ssyncadd.s32 $0xFFFFFFB0  }
0x46: {  	[tilespmem:s11], [sflag:$0x3] =	stream.linear.gather [hbm4b:s31+s2], $0x50, $0x38;
	[tilespmem:$0x5100] =	vst v63  }
0x47: {  	_ =	swait.ge [sflag:s10], $0x50  }
0x48: {  	[sflag:s10] =	ssyncset.done $0x0  }
0x49: {  	[sflag:s10] =	ssyncadd.s32 $0xFFFFFFB0  }
0x4a: {  	[tilespmem:s13], [sflag:$0x1] =	stream.indirect.gather [hbm4b:s3+s12], $0x80, s2, s12, $0xb8;
	[tilespmem:$0x5100] =	vst v63  }
0x4b: {  	_ = 	snop  }
0x4c: {  	[tilespmem:s14], [sflag:$0x2] =	stream.indirect.gather [hbm4b:s4+s12], $0x80, s11, s12, $0xb8;
	[tilespmem:$0x5100] =	vst v63  }
0x4d: {  	_ =	swait.ge [sflag:s15], $0x2800  }
0x4e: {  	[sflag:s15] =	ssyncset.done $0x0  }
0x4f: {  	[sflag:s15] =	ssyncadd.s32 $0xFFFFD800  }
0x50: {  	_ =	swait.ge [sflag:s16], $0x2800  }
0x51: {  	[sflag:s16] =	ssyncset.done $0x0  }
0x52: {  	[sflag:s16] =	ssyncadd.s32 $0xFFFFD800  }
0x53: {  	[hbm4b:s19+s2] =	stream.linear.scatter [tilespmem:s13], [sflag:$0x3], $0x2800, $0x38;
	[tilespmem:$0x5100] =	vst v63  }
0x54: {  	s17 =	sadd.s32 $0x1, s17;
	_ =	swait.ge [sflag:s10], $0x2800  }
0x55: {  	p0 =	sne.s32 s17, s5;
	[sflag:s10] =	ssyncset.done $0x0  }
.Ltmp1:
0x56: {  	[sflag:s10] =	ssyncadd.s32 $0xFFFFD800;
	(pc) =	sbr.rel @p0 .LBB2_1-.Ltmp1, $4  }
0x57: {  	[hbm4b:s18+s2] =	stream.linear.scatter [tilespmem:s14], [sflag:$0x3], $0x2800, $0x38;
	[tilespmem:$0x5100] =	vst v63  }
0x58: {  	_ =	swait.ge [sflag:s10], $0x2800  }
0x59: {  	[sflag:s10] =	ssyncset.done $0x0  }
0x5a: {  	[sflag:s10] =	ssyncadd.s32 $0xFFFFD800  }
0x5b: {  	_ =	sfence.sel $0x180000  }
0x5c: {  	[bflag:$0x0] =	sbarrier.arrive $0xFFFF  }
0x5d: {  	p0 =	sne.s32 s1, $0x0;
	_ =	strace $0x90000047  }
0x5e: {  	s0 =	sadd.s32 @!p0 $0x100000, s0;
	[bflag:$0x2] =	sbarrier.arrive $0xFFFF  }
0x5f: {  	[sflag:s0] =	ssyncadd.tile.s32 @!p0 $0x1;
	_ =	shalt  }
.Lfunc_end2:
_tile_overlayer_lowered:
.L_overlay_start_2:
0x60: {  	(tag) =	ssettag $0x2  }
0x61: {  	s0 =	rddreg [dreg:$0x0];
	s2 =	stileid.u32  }
0x62: {  	s1 =	rddreg [dreg:$0x1];
	p0 =	sne.s32 s2, $0x0  }
0x63: {  	s3 =	rddreg [dreg:$0x2];
	[bflag:$0x3] =	sbarrier.arrive $0xFFFF;
	s2 =	simm.s32 @!p0 $0x1C03  }
0x64: {  	[timem:s3], [sflag:s2] =	dma.local @!p0 [hbm:s0], s1  }
0x65: {  	s0 =	simm.s32 @!p0 $0x3  }
0x66: {  	_ =	swait.ge @!p0 [sflag:s0], s1  }
0x67: {  	s1 =	ssub.s32 @!p0 $0x0, s1;
	[sflag:s0] =	ssyncset.done @!p0 $0x0  }
0x68: {  	[sflag:s0] =	ssyncadd.s32 @!p0 s1  }
0x69: {  	[bflag:$0x3] =	sbarrier.arrive $0xFFFF  }
0x6a: {  	_ =	shalt  }

// kernel: kernel.14.cloned.1.call-start
scs
__scs_entry_jumppad:
0x0: {  	(pc) =	sbr.rel $0x88, $3  }
0x1: {  	(tag) =	ssettag $0x0;
	lr =	simm.s32 $0x1  }
0x2: {  	[smem:$0x3F83] =	sst lr;
	_ =	strace $0xD0000000  }
0x3: {  	_ = 	snop  }
0x4: {  	_ = 	snop  }
0x5: {  	_ = 	snop  }
0x6: {  	_ = 	snop  }
0x7: {  	_ = 	snop  }
__scs_overlays_trampoline_lowered:
0x8: {  	[smem:$0x3F92] =	sst s0  }
0x9: {  	[smem:$0x3F93] =	sst s1  }
0xa: {  	[smem:$0x3F94] =	sst s2  }
0xb: {  	[smem:$0x3F95] =	sst s3  }
0xc: {  	[smem:$0x3F96] =	sst s4  }
0xd: {  	[smem:$0x3F97] =	sst s5  }
0xe: {  	[smem:$0x3F98] =	sst s6  }
0xf: {  	[smem:$0x3F99] =	sst s7  }
0x10: {  	[smem:$0x3F9A] =	sst s8  }
0x11: {  	[smem:$0x3F9B] =	sst s9;
	s0 =	simm.s32 @!p0 $0x0  }
0x12: {  	s1 =	sld [smem:$0x3F81];
	s0 =	simm.s32 @p0 $0x1  }
0x13: {  	[smem:$0x3F9C] =	sst s0;
	s0 =	simm.s32 @!p1 $0x0  }
0x14: {  	s2 =	sld [smem:$0x3F80];
	s0 =	simm.s32 @p1 $0x1  }
0x15: {  	[smem:$0x3F9D] =	sst s0;
	s0 =	simm.s32 @!p2 $0x0  }
0x16: {  	s3 =	sld [smem:$0x3FDB];
	s0 =	simm.s32 @p2 $0x1  }
0x17: {  	s4 =	simm.s32 $0x1BF5;
	[smem:$0x3F9F] =	sst s0  }
0x18: {  	s0 =	sld [smem:$0x3F82];
	_ =	swait.ge [sflag:s4], $0x0  }
0x19: {  	s7 =	sld [smem:$0x3F83]  }
0x1a: {  	s8 =	sadd.s32 $0xFFFFE003, lr  }
0x1b: {  	s9 =	sadd.s32 $0xFFFFFEF7, lr;
	s5 =	simm.s32 $0xFFFFFFFF;
	p2 =	slt.u32 s8, $0xFFFFF086  }
0x1c: {  	p1 =	slt.u32 s9, $0xF7A;
	s5 =	simm.s32 @!p2 $0x0  }
0x1d: {  	s5 =	simm.s32 @p1 $0x1;
	p0 =	seq.s32 s7, s2  }
0x1e: {  	s7 =	smul.u32 @!p0 $0xF7A, s2;
	p2 =	seq.s32 @!p0 s5, $0x0  }
0x1f: {  	s9 =	smul.u32 $0xF7A, s1;
	s8 =	simm.s32 @!p0 $0x1BF5;
	p2 =	por !p2, p0  }
0x20: {  	[sflag:s8] =	ssyncset.s32 @!p0 $0xFFFFF086;
	s6 =	sadd.s32 @!p0 s3, s7;
	s7 =	simm.s32 @!p0 $0x108  }
0x21: {  	s3 =	sadd.s32 s3, s9;
	s6 =	sadd.s32 @!p0 $0x88, s6;
	s7 =	simm.s32 @p2 $0x1082  }
0x22: {  	[simem:s7], [sflag:s8] =	dma.local @!p0 [hbm:s6], $0xF7A  }
0x23: {  	s9 =	sor.u32 $0xD0000000, s2;
	s6 =	simm.s32 $0x108;
	_ =	swait.ge @!p0 [sflag:s8], $0x0  }
0x24: {  	s3 =	sadd.s32 $0x88, s3;
	s6 =	simm.s32 @!p1 $0x1082;
	[sflag:s4] =	ssyncset.s32 $0xFFFFF086  }
0x25: {  	[simem:s6], [sflag:s4] =	dma.local [hbm:s3], $0xF7A  }
0x26: {  	[smem:$0x3F83] =	sst s1;
	(tag) =	ssettag s2;
	_ =	strace s9  }
0x27: {  	s1 =	sld [smem:$0x3F93]  }
0x28: {  	s2 =	sld [smem:$0x3F94]  }
0x29: {  	s4 =	sld [smem:$0x3F96]  }
0x2a: {  	p0 =	seq.s32 s5, $0x0;
	s5 =	sld [smem:$0x3F97]  }
0x2b: {  	s6 =	sld [smem:$0x3F98]  }
0x2c: {  	s7 =	sld [smem:$0x3F99]  }
0x2d: {  	s3 =	simm.s32 $0x108;
	s8 =	sld [smem:$0x3F9A]  }
0x2e: {  	s3 =	simm.s32 @!p0 $0x1082;
	s9 =	sld [smem:$0x3F9B]  }
0x2f: {  	lr =	sadd.s32 s0, s3;
	s0 =	sld [smem:$0x3F92]  }
0x30: {  	s3 =	sld [smem:$0x3F95]  }
0x31: {  	[smem:$0x3F9E] =	sst s10  }
0x32: {  	s10 =	sld [smem:$0x3F9C];
	_ =	sdelay $0x3  }
0x33: {  	p0 =	seq.s32 s10, $0x1;
	s10 =	sld [smem:$0x3F9E];
	_ =	sdelay $0x3  }
0x34: {  	[smem:$0x3F9E] =	sst s10  }
0x35: {  	s10 =	sld [smem:$0x3F9D];
	_ =	sdelay $0x3  }
0x36: {  	p1 =	seq.s32 s10, $0x1;
	s10 =	sld [smem:$0x3F9E];
	_ =	sdelay $0x3  }
0x37: {  	[smem:$0x3F9E] =	sst s10  }
0x38: {  	s10 =	sld [smem:$0x3F9F]  }
0x39: {  	_ = 	snop;
	(pc) =	sbr.ind lr, $3  }
0x3a: {  	_ = 	snop  }
0x3b: {  	_ = 	snop  }
0x3c: {  	p2 =	seq.s32 s10, $0x1;
	s10 =	sld [smem:$0x3F9E]  }
0x3d: {  	_ =	shalt  }
0x3e: {  	_ =	shalt  }
0x3f: {  	_ =	shalt  }
0x40: {  	_ =	shalt  }
0x41: {  	_ =	shalt  }
0x42: {  	_ =	shalt  }
0x43: {  	_ =	shalt  }
0x44: {  	_ =	shalt  }
0x45: {  	_ =	shalt  }
0x46: {  	_ =	shalt  }
0x47: {  	_ =	shalt  }
0x48: {  	_ =	shalt  }
0x49: {  	_ =	shalt  }
0x4a: {  	_ =	shalt  }
0x4b: {  	_ =	shalt  }
0x4c: {  	_ =	shalt  }
0x4d: {  	_ =	shalt  }
0x4e: {  	_ =	shalt  }
0x4f: {  	_ =	shalt  }
0x50: {  	_ =	shalt  }
0x51: {  	_ =	shalt  }
0x52: {  	_ =	shalt  }
0x53: {  	_ =	shalt  }
0x54: {  	_ =	shalt  }
0x55: {  	_ =	shalt  }
0x56: {  	_ =	shalt  }
0x57: {  	_ =	shalt  }
0x58: {  	_ =	shalt  }
0x59: {  	_ =	shalt  }
0x5a: {  	_ =	shalt  }
0x5b: {  	_ =	shalt  }
0x5c: {  	_ =	shalt  }
0x5d: {  	_ =	shalt  }
0x5e: {  	_ =	shalt  }
0x5f: {  	_ =	shalt  }
0x60: {  	_ =	shalt  }
0x61: {  	_ =	shalt  }
0x62: {  	_ =	shalt  }
0x63: {  	_ =	shalt  }
0x64: {  	_ =	shalt  }
0x65: {  	_ =	shalt  }
0x66: {  	_ =	shalt  }
0x67: {  	_ =	shalt  }
0x68: {  	_ =	shalt  }
0x69: {  	_ =	shalt  }
0x6a: {  	_ =	shalt  }
0x6b: {  	_ =	shalt  }
0x6c: {  	_ =	shalt  }
0x6d: {  	_ =	shalt  }
0x6e: {  	_ =	shalt  }
0x6f: {  	_ =	shalt  }
0x70: {  	_ =	shalt  }
0x71: {  	_ =	shalt  }
0x72: {  	_ =	shalt  }
0x73: {  	_ =	shalt  }
0x74: {  	_ =	shalt  }
0x75: {  	_ =	shalt  }
0x76: {  	_ =	shalt  }
0x77: {  	_ =	shalt  }
0x78: {  	_ =	shalt  }
0x79: {  	_ =	shalt  }
0x7a: {  	_ =	shalt  }
0x7b: {  	_ =	shalt  }
0x7c: {  	_ =	shalt  }
0x7d: {  	_ =	shalt  }
0x7e: {  	_ =	shalt  }
0x7f: {  	_ =	shalt  }
0x80: {  	_ =	shalt  }
0x81: {  	_ =	shalt  }
0x82: {  	_ =	shalt  }
0x83: {  	_ =	shalt  }
0x84: {  	_ =	shalt  }
0x85: {  	_ =	shalt  }
0x86: {  	_ =	shalt  }
0x87: {  	_ =	shalt  }
.Lfunc_end0:
.L_simem_size_0:
called_computation.1_lowered:
.L_overlay_start_0:
0x88: {  	s2 =	sld [smem:$0x3FD9]  }
0x89: {  	s3 =	sld [smem:$0x3FFE];
	_ =	sdelay $0x1  }
0x8a: {  	s1 =	srdreg.scid  }
0x8b: {  	s0 =	sand.u32 $0x1, s1  }
0x8c: {  	s16 =	sshll.u32 s0, $0xA;
	s2 =	sadd.s32 s3, s2  }
0x8d: {  	s2 =	sadd.s32 s2, s16  }
0x8e: {  	[smem:$0x3FAA] =	sst s2  }
0x8f: {  	_ = 	snop  }
0x90: {  	(tm) =	ssettm $0x1  }
0x91: {  	s17 =	sld [smem:$0x3FFB];
	_ =	sdelay $0x3  }
0x92: {  	_ =	strace s17  }
0x93: {  	s2 =	sld [smem:$0x3FFC];
	_ =	sdelay $0x3  }
0x94: {  	_ =	strace s2  }
0x95: {  	s2 =	sld [smem:$0x3FFD];
	_ =	sdelay $0x3  }
0x96: {  	_ =	strace s2  }
0x97: {  	_ =	strace $0x8FFFFFFF  }
0x98: {  	s18 =	sld [smem:$0x3FDB];
	_ =	sdelay $0x1  }
0x99: {  	s19 =	simm.s32 $_scs_section_size  }
0x9a: {  	s4 =	simm.s32 $_size__tile_overlayer_lowered;
	s5 =	simm.s32 $_tile_overlayer_lowered  }
0x9b: {  	s22 =	simm.s32 $0x1BFF;
	s21 =	sshll.u32 s5, $0x1;
	s2 =	sadd.s32 s19, s18  }
0x9c: {  	s6 =	simm.s32 $0x0;
	s20 =	sshll.u32 s4, $0x1;
	s4 =	sadd.s32 s21, s2  }
0x9d: {  	[timem:s6], [sflag:s22] =	dma.local [hbm:s4], s20  }
0x9e: {  	_ =	swait.ge [sflag:s22], s20  }
0x9f: {  	s3 =	ssub.s32 $0x0, s20;
	[sflag:s22] =	ssyncset.done $0x0  }
0xa0: {  	[sflag:s22] =	ssyncadd.s32 s3;
	_ =	sdelay $0x1  }
0xa1: {  	s23 =	simm.s32 $0x1B8B  }
0xa2: {  	_ =	swait.ge [sflag:s23], $0x1  }
0xa3: {  	[sflag:s23] =	ssyncset.done $0x0  }
0xa4: {  	s25 =	simm.s32 $0x1B8E;
	s24 =	sld [smem:$0x3FFE];
	[sflag:s23] =	ssyncadd.s32 $0xFFFFFFFF  }
0xa5: {  	s26 =	simm.s32 $execute0_lowered;
	[smem:$0x3FD2] =	sst s25  }
0xa6: {  	s4 =	sshll.u32 s26, $0x1;
	_ =	strace $0x80000049;
	[dreg:$0x1] =	wrdreg $0xFFFFFFFF  }
0xa7: {  	s28 =	simm.s32 $_size_execute0_lowered;
	s2 =	sadd.s32 s2, s4;
	[dreg:$0x0] =	wrdreg $0x0  }
0xa8: {  	s4 =	sshll.u32 s28, $0x1;
	[dreg:$0x2] =	wrdreg s2  }
0xa9: {  	[dreg:$0x3] =	wrdreg s4  }
0xaa: {  	[dreg:$0x4] =	wrdreg $0xC0  }
0xab: {  	_ =	task [dreg:s6], $0x5FFFF  }
0xac: {  	[dreg:$0x1] =	wrdreg $0xFFFFFFFF  }
0xad: {  	[dreg:$0x0] =	wrdreg $0x60  }
0xae: {  	[dreg:$0x2] =	wrdreg s24  }
0xaf: {  	[dreg:$0x3] =	wrdreg $0xB4800  }
0xb0: {  	[dreg:$0x4] =	wrdreg $0x9  }
0xb1: {  	_ =	task.clear_ibuf [dreg:s6], $0x5FFFF;
	_ =	strace $0x90000049  }
0xb2: {  	s29 =	simm.s32 $0x9;
	_ =	strace $0x8000004B  }
0xb3: {  	_ =	swait.ge [sflag:s29], $0x1  }
0xb4: {  	[sflag:s29] =	ssyncadd.s32 $0xFFFFFFFF  }
0xb5: {  	_ =	strace $0x9000004B  }
0xb6: {  	_ =	sfence  }
0xb7: {  	s30 =	sld [smem:$0x0];
	_ =	sdelay $0x2  }
0xb8: {  	s31 =	sshll.u32 s1, $0xD;
	s1 =	sshrl.u32 s1, $0x2  }
0xb9: {  	s3 =	sand.u32 $0x4000, s31;
	s1 =	sadd.s32 s1, s30  }
0xba: {  	s0 =	sor.u32 s3, s0;
	s1 =	sshll.u32 s1, $0x11  }
0xbb: {  	s0 =	sor.u32 s1, s0  }
0xbc: {  	s0 =	sadd.s32 $0x8F2B, s0  }
0xbd: {  	[sflag:s0] =	ssyncadd.remote.s32 $0x1  }
0xbe: {  	_ =	sfence.sel $0xFFFF  }
0xbf: {  	[dreg:$0x0] =	wrdreg $0xFFFFFFFF;
	(pc) =	sbr.abs _section_cstart, $3  }
0xc0: {  	[dreg:$0x1] =	wrdreg $0xFFFFFFFF  }
0xc1: {  	_ =	task.clear_ibuf [dreg:s6], $0x2FFFF;
	_ =	strace $0x9FFFFFFF  }
0xc2: {  	(tm) =	ssettm $0x7FFFFFFF  }
0xc3: {  	_ =	shalt  }
tec
execute0_lowered:
.L_overlay_start_1:
0x0: {  	(tag) =	ssettag $0x1  }
0x1: {  	s0 =	srdreg.scid  }
0x2: {  	s5 =	sand.u32 $0x1, s0  }
0x3: {  	s0 =	stileid.u32;
	s4 =	smul.u32 $0x2710000, s5  }
0x4: {  	s7 =	smul.u32 $0x271000, s0  }
0x5: {  	s30 =	smul.u32 $0x9C4, s0  }
0x6: {  	s31 =	smul.u32 $0x19000, s0  }
0x7: {  	s6 =	rddreg [dreg:$0x0];
	s21 =	smul.u32 $0x138800, s5  }
0x8: {  	s2 =	rddreg [dreg:$0x1];
	s8 =	sor.u32 $0x10, s0;
	s23 =	smul.u32 $0x6400, s0  }
0x9: {  	s1 =	rddreg [dreg:$0x2];
	s10 =	sor.u32 $0x20, s0;
	s9 =	smul.u32 $0x19000, s8  }
0xa: {  	s3 =	simm.s32 $0x0;
	s13 =	sor.u32 $0x30, s0;
	s12 =	smul.u32 $0x19000, s10  }
0xb: {  	[smem:$0x7FF] =	sst s3;
	s16 =	sadd.s32 $0x1AE00, s6;
	s17 =	smul.u32 $0x19000, s13  }
0xc: {  	_ =	strace $0x8000004A;
	s11 =	ssub.s32 $0x2, s5;
	s25 =	smul.u32 $0x6400, s8  }
0xd: {  	p0 =	sgt.u32 s0, $0x1;
	s19 =	sshrl.u32 s11, $0x1;
	s10 =	smul.u32 $0x6400, s10  }
0xe: {  	s13 =	smul.u32 $0x6400, s13;
	s4 =	sadd.s32 s7, s4;
	s15 =	sadd.s32 s30, s6  }
0xf: {  	s18 =	ssub.s32 s11, s19;
	s20 =	sshrl.u32 s31, $0x2;
	s26 =	sadd.s32 s23, s21  }
0x10: {  	s19 =	simm.s32 $0x50;
	s4 =	sshrl.u32 s4, $0x3;
	s5 =	sadd.s32 s20, s2  }
0x11: {  	s22 =	sshrl.u32 s9, $0x2;
	s24 =	sshrl.u32 s12, $0x2;
	s28 =	sshrl.u32 s17, $0x2  }
0x12: {  	s29 =	sshrl.u32 s26, $0x3;
	s12 =	sadd.s32 s21, s25;
	s30 =	sadd.s32 s21, s10  }
0x13: {  	s11 =	sadd.s32 s21, s13;
	s15 =	sadd.s32 $0x10200, s15;
	s17 =	simm.s32 $0x1  }
0x14: {  	s20 =	simm.s32 $0x2880;
	s21 =	simm.s32 $0x0;
	s14 =	sadd.s32 s4, s6  }
0x15: {  	s4 =	sadd.s32 $0x1A000, s6;
	s6 =	sadd.s32 s22, s2;
	s7 =	sadd.s32 s24, s2  }
0x16: {  	s8 =	sadd.s32 s28, s2;
	s9 =	sadd.s32 s16, s29;
	s12 =	sshrl.u32 s12, $0x3  }
0x17: {  	s31 =	sshrl.u32 s30, $0x3;
	s13 =	sshrl.u32 s11, $0x3;
	s10 =	sadd.s32 s16, s12  }
0x18: {  	s11 =	sadd.s32 s16, s31;
	s12 =	sadd.s32 s16, s13;
	s13 =	smax.u32 s18, $0x1  }
0x19: {  	s14 =	sadd.s32 $0xF0E400, s14;
	s16 =	simm.s32 $0x5080;
	s18 =	simm.s32 $0x80  }
.LBB2_1:
0x1a: {  	[tilespmem:s16], [sflag:$0x1] =	stream.linear.gather [hbm4b:s4+s3], $0x6400, $0x38;
	[tilespmem:$0x1ED00] =	vst v63  }
0x1b: {  	_ =	swait.ge [sflag:s17], $0x6400  }
0x1c: {  	[sflag:s17] =	ssyncset.done $0x0  }
0x1d: {  	[sflag:s17] =	ssyncadd.s32 $0xFFFF9C00  }
0x1e: {  	[spmem:s5] =	stream.linear.scatter [tilespmem:s16], [sflag:$0x1], $0x6400, $0x38;
	[tilespmem:$0x1ED00] =	vst v63  }
0x1f: {  	_ =	swait.ge [sflag:s17], $0x6400  }
0x20: {  	[sflag:s17] =	ssyncset.done $0x0  }
0x21: {  	[sflag:s17] =	ssyncadd.s32 $0xFFFF9C00  }
0x22: {  	[spmem:s6] =	stream.linear.scatter [tilespmem:s16], [sflag:$0x1], $0x6400, $0x38;
	[tilespmem:$0x1ED00] =	vst v63  }
0x23: {  	_ =	swait.ge [sflag:s17], $0x6400  }
0x24: {  	[sflag:s17] =	ssyncset.done $0x0  }
0x25: {  	[sflag:s17] =	ssyncadd.s32 $0xFFFF9C00  }
0x26: {  	[spmem:s7] =	stream.linear.scatter [tilespmem:s16], [sflag:$0x1], $0x6400, $0x38;
	[tilespmem:$0x1ED00] =	vst v63  }
0x27: {  	_ =	swait.ge [sflag:s17], $0x6400  }
0x28: {  	[sflag:s17] =	ssyncset.done $0x0  }
0x29: {  	s22 =	simm.s32 @!p0 $0x5080;
	[sflag:s17] =	ssyncadd.s32 $0xFFFF9C00  }
0x2a: {  	[spmem:s8] =	stream.linear.scatter @!p0 [tilespmem:s22], [sflag:$0x1], $0x6400, $0x38;
	[tilespmem:$0x1ED00] =	vst v63  }
0x2b: {  	s22 =	simm.s32 @!p0 $0x1  }
0x2c: {  	_ =	swait.ge @!p0 [sflag:s22], $0x6400  }
0x2d: {  	[sflag:s22] =	ssyncset.done @!p0 $0x0  }
0x2e: {  	[sflag:s22] =	ssyncadd.s32 @!p0 $0xFFFF9C00  }
0x2f: {  	s30 =	sadd.s32 $0x0, s14;
	[bflag:$0x0] =	sbarrier.arrive $0xFFFF  }
0x30: {  	[tilespmem:s18], [sflag:$0x1] =	stream.linear.gather [hbm4b:s30+s3], $0x5000, $0x38;
	[tilespmem:$0x1ED00] =	vst v63  }
0x31: {  	_ =	swait.ge [sflag:s17], $0x5000  }
0x32: {  	[sflag:s17] =	ssyncset.done $0x0  }
0x33: {  	[sflag:s17] =	ssyncadd.s32 $0xFFFFB000  }
0x34: {  	[tilespmem:s3], [sflag:$0x1] =	stream.linear.gather [hbm4b:s15+s3], $0x50, $0x38;
	[tilespmem:$0x1ED00] =	vst v63  }
0x35: {  	_ =	swait.ge [sflag:s17], $0x50  }
0x36: {  	[sflag:s17] =	ssyncset.done $0x0  }
0x37: {  	[sflag:s17] =	ssyncadd.s32 $0xFFFFFFB0  }
0x38: {  	[spmem:s2] =	stream.indirect.scatter.add.f32 [tilespmem:s18], [sflag:$0x1], $0x80, s3, s19, $0xb8;
	[tilespmem:$0x1ED00] =	vst v63  }
0x39: {  	_ =	swait.ge [sflag:s17], $0x2800  }
0x3a: {  	[sflag:s17] =	ssyncset.done $0x0  }
0x3b: {  	s31 =	sadd.s32 $0xA, s15;
	[sflag:s17] =	ssyncadd.s32 $0xFFFFD800  }
0x3c: {  	[tilespmem:s3], [sflag:$0x1] =	stream.linear.gather [hbm4b:s31+s3], $0x50, $0x38;
	[tilespmem:$0x1ED00] =	vst v63  }
0x3d: {  	_ =	swait.ge [sflag:s17], $0x50  }
0x3e: {  	[sflag:s17] =	ssyncset.done $0x0  }
0x3f: {  	[sflag:s17] =	ssyncadd.s32 $0xFFFFFFB0  }
0x40: {  	[spmem:s2] =	stream.indirect.scatter.add.f32 [tilespmem:s20], [sflag:$0x1], $0x80, s3, s19, $0xb8;
	[tilespmem:$0x1ED00] =	vst v63  }
0x41: {  	s23 =	simm.s32 $0xA00;
	_ =	swait.ge [sflag:s17], $0x2800  }
0x42: {  	s24 =	simm.s32 $0x1400;
	s22 =	sadd.s32 $0x14, s15;
	[sflag:s17] =	ssyncset.done $0x0  }
.LBB2_2:
0x43: {  	s25 =	sadd.s32 s23, s14  }
0x44: {  	[sflag:s17] =	ssyncadd.s32 $0xFFFFD800;
	s23 =	smov.u32 s24;
	s26 =	sadd.s32 $0xA00, s24  }
0x45: {  	[tilespmem:s18], [sflag:$0x1] =	stream.linear.gather [hbm4b:s25+s3], $0x5000, $0x38;
	[tilespmem:$0x1ED00] =	vst v63  }
0x46: {  	p1 =	sne.s32 s24, $0x4D800;
	_ =	swait.ge [sflag:s17], $0x5000  }
0x47: {  	[sflag:s17] =	ssyncset.done $0x0  }
0x48: {  	[sflag:s17] =	ssyncadd.s32 $0xFFFFB000  }
0x49: {  	[tilespmem:s3], [sflag:$0x1] =	stream.linear.gather [hbm4b:s22+s3], $0x50, $0x38;
	[tilespmem:$0x1ED00] =	vst v63  }
0x4a: {  	_ =	swait.ge [sflag:s17], $0x50  }
0x4b: {  	[sflag:s17] =	ssyncset.done $0x0  }
0x4c: {  	[sflag:s17] =	ssyncadd.s32 $0xFFFFFFB0  }
0x4d: {  	[spmem:s2] =	stream.indirect.scatter.add.f32 [tilespmem:s18], [sflag:$0x1], $0x80, s3, s19, $0xb8;
	[tilespmem:$0x1ED00] =	vst v63  }
0x4e: {  	_ =	swait.ge [sflag:s17], $0x2800  }
0x4f: {  	[sflag:s17] =	ssyncset.done $0x0  }
0x50: {  	s24 =	sadd.s32 $0xA, s22;
	[sflag:s17] =	ssyncadd.s32 $0xFFFFD800  }
0x51: {  	[tilespmem:s3], [sflag:$0x1] =	stream.linear.gather [hbm4b:s24+s3], $0x50, $0x38;
	[tilespmem:$0x1ED00] =	vst v63  }
0x52: {  	_ =	swait.ge [sflag:s17], $0x50  }
.Ltmp0:
0x53: {  	[sflag:s17] =	ssyncset.done $0x0;
	(pc) =	sbr.rel @p1 .LBB2_2-.Ltmp0, $4  }
0x54: {  	[sflag:s17] =	ssyncadd.s32 $0xFFFFFFB0  }
0x55: {  	[spmem:s2] =	stream.indirect.scatter.add.f32 [tilespmem:s20], [sflag:$0x1], $0x80, s3, s19, $0xb8;
	[tilespmem:$0x1ED00] =	vst v63  }
0x56: {  	_ =	swait.ge [sflag:s17], $0x2800  }
0x57: {  	s22 =	sadd.s32 $0x14, s22;
	s24 =	smov.u32 s26;
	[sflag:s17] =	ssyncset.done $0x0  }
0x58: {  	s23 =	sadd.s32 s23, s14;
	[sflag:s17] =	ssyncadd.s32 $0xFFFFD800  }
0x59: {  	[tilespmem:s18], [sflag:$0x1] =	stream.linear.gather [hbm4b:s23+s3], $0x5000, $0x38;
	[tilespmem:$0x1ED00] =	vst v63  }
0x5a: {  	_ =	swait.ge [sflag:s17], $0x5000  }
0x5b: {  	[sflag:s17] =	ssyncset.done $0x0  }
0x5c: {  	[sflag:s17] =	ssyncadd.s32 $0xFFFFB000  }
0x5d: {  	[tilespmem:s3], [sflag:$0x1] =	stream.linear.gather [hbm4b:s22+s3], $0x50, $0x38;
	[tilespmem:$0x1ED00] =	vst v63  }
0x5e: {  	_ =	swait.ge [sflag:s17], $0x50  }
0x5f: {  	[sflag:s17] =	ssyncset.done $0x0  }
0x60: {  	[sflag:s17] =	ssyncadd.s32 $0xFFFFFFB0  }
0x61: {  	[spmem:s2] =	stream.indirect.scatter.add.f32 [tilespmem:s18], [sflag:$0x1], $0x80, s3, s19, $0xb8;
	[tilespmem:$0x1ED00] =	vst v63  }
0x62: {  	_ =	swait.ge [sflag:s17], $0x2800  }
0x63: {  	[sflag:s17] =	ssyncset.done $0x0  }
0x64: {  	s31 =	sadd.s32 $0xA, s22;
	[sflag:s17] =	ssyncadd.s32 $0xFFFFD800  }
0x65: {  	[tilespmem:s3], [sflag:$0x1] =	stream.linear.gather [hbm4b:s31+s3], $0x50, $0x38;
	[tilespmem:$0x1ED00] =	vst v63  }
0x66: {  	_ =	swait.ge [sflag:s17], $0x50  }
0x67: {  	[sflag:s17] =	ssyncset.done $0x0  }
0x68: {  	[sflag:s17] =	ssyncadd.s32 $0xFFFFFFB0  }
0x69: {  	[spmem:s2] =	stream.indirect.scatter.add.f32 [tilespmem:s20], [sflag:$0x1], $0x80, s3, s19, $0xb8;
	[tilespmem:$0x1ED00] =	vst v63  }
0x6a: {  	_ =	swait.ge [sflag:s17], $0x2800  }
0x6b: {  	[sflag:s17] =	ssyncset.done $0x0  }
0x6c: {  	[sflag:s17] =	ssyncadd.s32 $0xFFFFD800  }
0x6d: {  	[bflag:$0x0] =	sbarrier.arrive $0xFFFF  }
0x6e: {  	[tilespmem:s16], [sflag:$0x1] =	stream.linear.gather [spmem:s5], $0x6400, $0x38;
	[tilespmem:$0x1ED00] =	vst v63  }
0x6f: {  	_ =	swait.ge [sflag:s17], $0x6400  }
0x70: {  	[sflag:s17] =	ssyncset.done $0x0  }
0x71: {  	[sflag:s17] =	ssyncadd.s32 $0xFFFF9C00  }
0x72: {  	[hbm4b:s9+s3] =	stream.linear.scatter [tilespmem:s16], [sflag:$0x1], $0x6400, $0x38;
	[tilespmem:$0x1ED00] =	vst v63  }
0x73: {  	_ =	swait.ge [sflag:s17], $0x6400  }
0x74: {  	[sflag:s17] =	ssyncset.done $0x0  }
0x75: {  	[sflag:s17] =	ssyncadd.s32 $0xFFFF9C00  }
0x76: {  	[tilespmem:s16], [sflag:$0x1] =	stream.linear.gather [spmem:s6], $0x6400, $0x38;
	[tilespmem:$0x1ED00] =	vst v63  }
0x77: {  	_ =	swait.ge [sflag:s17], $0x6400  }
0x78: {  	[sflag:s17] =	ssyncset.done $0x0  }
0x79: {  	[sflag:s17] =	ssyncadd.s32 $0xFFFF9C00  }
0x7a: {  	[hbm4b:s10+s3] =	stream.linear.scatter [tilespmem:s16], [sflag:$0x1], $0x6400, $0x38;
	[tilespmem:$0x1ED00] =	vst v63  }
0x7b: {  	_ =	swait.ge [sflag:s17], $0x6400  }
0x7c: {  	[sflag:s17] =	ssyncset.done $0x0  }
0x7d: {  	[sflag:s17] =	ssyncadd.s32 $0xFFFF9C00  }
0x7e: {  	[tilespmem:s16], [sflag:$0x1] =	stream.linear.gather [spmem:s7], $0x6400, $0x38;
	[tilespmem:$0x1ED00] =	vst v63  }
0x7f: {  	_ =	swait.ge [sflag:s17], $0x6400  }
0x80: {  	[sflag:s17] =	ssyncset.done $0x0  }
0x81: {  	[sflag:s17] =	ssyncadd.s32 $0xFFFF9C00  }
0x82: {  	[hbm4b:s11+s3] =	stream.linear.scatter [tilespmem:s16], [sflag:$0x1], $0x6400, $0x38;
	[tilespmem:$0x1ED00] =	vst v63  }
0x83: {  	_ =	swait.ge [sflag:s17], $0x6400  }
0x84: {  	[sflag:s17] =	ssyncset.done $0x0  }
0x85: {  	s23 =	simm.s32 @!p0 $0x1;
	s22 =	simm.s32 @!p0 $0x5080;
	[sflag:s17] =	ssyncadd.s32 $0xFFFF9C00  }
0x86: {  	[tilespmem:s22], [sflag:$0x1] =	stream.linear.gather @!p0 [spmem:s8], $0x6400, $0x38;
	[tilespmem:$0x1ED00] =	vst v63  }
0x87: {  	s21 =	sadd.s32 $0x1, s21;
	_ =	swait.ge @!p0 [sflag:s23], $0x6400  }
0x88: {  	p1 =	sne.s32 s21, s13;
	[sflag:s23] =	ssyncset.done @!p0 $0x0  }
.Ltmp1:
0x89: {  	s24 =	simm.s32 @!p0 $0x0;
	[sflag:s23] =	ssyncadd.s32 @!p0 $0xFFFF9C00;
	(pc) =	sbr.rel @p1 .LBB2_1-.Ltmp1, $4  }
0x8a: {  	[hbm4b:s12+s24] =	stream.linear.scatter @!p0 [tilespmem:s22], [sflag:$0x1], $0x6400, $0x38;
	[tilespmem:$0x1ED00] =	vst v63  }
0x8b: {  	_ =	swait.ge @!p0 [sflag:s23], $0x6400  }
0x8c: {  	[sflag:s23] =	ssyncset.done @!p0 $0x0  }
0x8d: {  	[sflag:s23] =	ssyncadd.s32 @!p0 $0xFFFF9C00  }
0x8e: {  	_ =	sfence.sel $0x180000  }
0x8f: {  	[bflag:$0x0] =	sbarrier.arrive $0xFFFF  }
0x90: {  	p0 =	sne.s32 s0, $0x0;
	_ =	strace $0x9000004A  }
0x91: {  	s0 =	sadd.s32 @!p0 $0x100000, s1;
	[bflag:$0x2] =	sbarrier.arrive $0xFFFF  }
0x92: {  	[sflag:s0] =	ssyncadd.tile.s32 @!p0 $0x1;
	_ =	shalt  }
.Lfunc_end2:
_tile_overlayer_lowered:
.L_overlay_start_2:
0x93: {  	(tag) =	ssettag $0x2  }
0x94: {  	s0 =	rddreg [dreg:$0x0];
	s2 =	stileid.u32  }
0x95: {  	s1 =	rddreg [dreg:$0x1];
	p0 =	sne.s32 s2, $0x0  }
0x96: {  	s3 =	rddreg [dreg:$0x2];
	[bflag:$0x3] =	sbarrier.arrive $0xFFFF;
	s2 =	simm.s32 @!p0 $0x1C01  }
0x97: {  	[timem:s3], [sflag:s2] =	dma.local @!p0 [hbm:s0], s1  }
0x98: {  	s0 =	simm.s32 @!p0 $0x1  }
0x99: {  	_ =	swait.ge @!p0 [sflag:s0], s1  }
0x9a: {  	s1 =	ssub.s32 @!p0 $0x0, s1;
	[sflag:s0] =	ssyncset.done @!p0 $0x0  }
0x9b: {  	[sflag:s0] =	ssyncadd.s32 @!p0 s1  }
0x9c: {  	[bflag:$0x3] =	sbarrier.arrive $0xFFFF  }
0x9d: {  	_ =	shalt  }

// kernel: kernel.17.cloned.1.call-start
scs
__scs_entry_jumppad:
0x0: {  	(pc) =	sbr.rel $0x88, $3  }
0x1: {  	(tag) =	ssettag $0x0;
	lr =	simm.s32 $0x1  }
0x2: {  	[smem:$0x3F83] =	sst lr;
	_ =	strace $0xD0000000  }
0x3: {  	_ = 	snop  }
0x4: {  	_ = 	snop  }
0x5: {  	_ = 	snop  }
0x6: {  	_ = 	snop  }
0x7: {  	_ = 	snop  }
__scs_overlays_trampoline_lowered:
0x8: {  	[smem:$0x3F92] =	sst s0  }
0x9: {  	[smem:$0x3F93] =	sst s1  }
0xa: {  	[smem:$0x3F94] =	sst s2  }
0xb: {  	[smem:$0x3F95] =	sst s3  }
0xc: {  	[smem:$0x3F96] =	sst s4  }
0xd: {  	[smem:$0x3F97] =	sst s5  }
0xe: {  	[smem:$0x3F98] =	sst s6  }
0xf: {  	[smem:$0x3F99] =	sst s7  }
0x10: {  	[smem:$0x3F9A] =	sst s8  }
0x11: {  	[smem:$0x3F9B] =	sst s9;
	s0 =	simm.s32 @!p0 $0x0  }
0x12: {  	s1 =	sld [smem:$0x3F81];
	s0 =	simm.s32 @p0 $0x1  }
0x13: {  	[smem:$0x3F9C] =	sst s0;
	s0 =	simm.s32 @!p1 $0x0  }
0x14: {  	s2 =	sld [smem:$0x3F80];
	s0 =	simm.s32 @p1 $0x1  }
0x15: {  	[smem:$0x3F9D] =	sst s0;
	s0 =	simm.s32 @!p2 $0x0  }
0x16: {  	s3 =	sld [smem:$0x3FDB];
	s0 =	simm.s32 @p2 $0x1  }
0x17: {  	s4 =	simm.s32 $0x1BF5;
	[smem:$0x3F9F] =	sst s0  }
0x18: {  	s0 =	sld [smem:$0x3F82];
	_ =	swait.ge [sflag:s4], $0x0  }
0x19: {  	s7 =	sld [smem:$0x3F83]  }
0x1a: {  	s8 =	sadd.s32 $0xFFFFE003, lr  }
0x1b: {  	s9 =	sadd.s32 $0xFFFFFEF7, lr;
	s5 =	simm.s32 $0xFFFFFFFF;
	p2 =	slt.u32 s8, $0xFFFFF086  }
0x1c: {  	p1 =	slt.u32 s9, $0xF7A;
	s5 =	simm.s32 @!p2 $0x0  }
0x1d: {  	s5 =	simm.s32 @p1 $0x1;
	p0 =	seq.s32 s7, s2  }
0x1e: {  	s7 =	smul.u32 @!p0 $0xF7A, s2;
	p2 =	seq.s32 @!p0 s5, $0x0  }
0x1f: {  	s9 =	smul.u32 $0xF7A, s1;
	s8 =	simm.s32 @!p0 $0x1BF5;
	p2 =	por !p2, p0  }
0x20: {  	[sflag:s8] =	ssyncset.s32 @!p0 $0xFFFFF086;
	s6 =	sadd.s32 @!p0 s3, s7;
	s7 =	simm.s32 @!p0 $0x108  }
0x21: {  	s3 =	sadd.s32 s3, s9;
	s6 =	sadd.s32 @!p0 $0x88, s6;
	s7 =	simm.s32 @p2 $0x1082  }
0x22: {  	[simem:s7], [sflag:s8] =	dma.local @!p0 [hbm:s6], $0xF7A  }
0x23: {  	s9 =	sor.u32 $0xD0000000, s2;
	s6 =	simm.s32 $0x108;
	_ =	swait.ge @!p0 [sflag:s8], $0x0  }
0x24: {  	s3 =	sadd.s32 $0x88, s3;
	s6 =	simm.s32 @!p1 $0x1082;
	[sflag:s4] =	ssyncset.s32 $0xFFFFF086  }
0x25: {  	[simem:s6], [sflag:s4] =	dma.local [hbm:s3], $0xF7A  }
0x26: {  	[smem:$0x3F83] =	sst s1;
	(tag) =	ssettag s2;
	_ =	strace s9  }
0x27: {  	s1 =	sld [smem:$0x3F93]  }
0x28: {  	s2 =	sld [smem:$0x3F94]  }
0x29: {  	s4 =	sld [smem:$0x3F96]  }
0x2a: {  	p0 =	seq.s32 s5, $0x0;
	s5 =	sld [smem:$0x3F97]  }
0x2b: {  	s6 =	sld [smem:$0x3F98]  }
0x2c: {  	s7 =	sld [smem:$0x3F99]  }
0x2d: {  	s3 =	simm.s32 $0x108;
	s8 =	sld [smem:$0x3F9A]  }
0x2e: {  	s3 =	simm.s32 @!p0 $0x1082;
	s9 =	sld [smem:$0x3F9B]  }
0x2f: {  	lr =	sadd.s32 s0, s3;
	s0 =	sld [smem:$0x3F92]  }
0x30: {  	s3 =	sld [smem:$0x3F95]  }
0x31: {  	[smem:$0x3F9E] =	sst s10  }
0x32: {  	s10 =	sld [smem:$0x3F9C];
	_ =	sdelay $0x3  }
0x33: {  	p0 =	seq.s32 s10, $0x1;
	s10 =	sld [smem:$0x3F9E];
	_ =	sdelay $0x3  }
0x34: {  	[smem:$0x3F9E] =	sst s10  }
0x35: {  	s10 =	sld [smem:$0x3F9D];
	_ =	sdelay $0x3  }
0x36: {  	p1 =	seq.s32 s10, $0x1;
	s10 =	sld [smem:$0x3F9E];
	_ =	sdelay $0x3  }
0x37: {  	[smem:$0x3F9E] =	sst s10  }
0x38: {  	s10 =	sld [smem:$0x3F9F]  }
0x39: {  	_ = 	snop;
	(pc) =	sbr.ind lr, $3  }
0x3a: {  	_ = 	snop  }
0x3b: {  	_ = 	snop  }
0x3c: {  	p2 =	seq.s32 s10, $0x1;
	s10 =	sld [smem:$0x3F9E]  }
0x3d: {  	_ =	shalt  }
0x3e: {  	_ =	shalt  }
0x3f: {  	_ =	shalt  }
0x40: {  	_ =	shalt  }
0x41: {  	_ =	shalt  }
0x42: {  	_ =	shalt  }
0x43: {  	_ =	shalt  }
0x44: {  	_ =	shalt  }
0x45: {  	_ =	shalt  }
0x46: {  	_ =	shalt  }
0x47: {  	_ =	shalt  }
0x48: {  	_ =	shalt  }
0x49: {  	_ =	shalt  }
0x4a: {  	_ =	shalt  }
0x4b: {  	_ =	shalt  }
0x4c: {  	_ =	shalt  }
0x4d: {  	_ =	shalt  }
0x4e: {  	_ =	shalt  }
0x4f: {  	_ =	shalt  }
0x50: {  	_ =	shalt  }
0x51: {  	_ =	shalt  }
0x52: {  	_ =	shalt  }
0x53: {  	_ =	shalt  }
0x54: {  	_ =	shalt  }
0x55: {  	_ =	shalt  }
0x56: {  	_ =	shalt  }
0x57: {  	_ =	shalt  }
0x58: {  	_ =	shalt  }
0x59: {  	_ =	shalt  }
0x5a: {  	_ =	shalt  }
0x5b: {  	_ =	shalt  }
0x5c: {  	_ =	shalt  }
0x5d: {  	_ =	shalt  }
0x5e: {  	_ =	shalt  }
0x5f: {  	_ =	shalt  }
0x60: {  	_ =	shalt  }
0x61: {  	_ =	shalt  }
0x62: {  	_ =	shalt  }
0x63: {  	_ =	shalt  }
0x64: {  	_ =	shalt  }
0x65: {  	_ =	shalt  }
0x66: {  	_ =	shalt  }
0x67: {  	_ =	shalt  }
0x68: {  	_ =	shalt  }
0x69: {  	_ =	shalt  }
0x6a: {  	_ =	shalt  }
0x6b: {  	_ =	shalt  }
0x6c: {  	_ =	shalt  }
0x6d: {  	_ =	shalt  }
0x6e: {  	_ =	shalt  }
0x6f: {  	_ =	shalt  }
0x70: {  	_ =	shalt  }
0x71: {  	_ =	shalt  }
0x72: {  	_ =	shalt  }
0x73: {  	_ =	shalt  }
0x74: {  	_ =	shalt  }
0x75: {  	_ =	shalt  }
0x76: {  	_ =	shalt  }
0x77: {  	_ =	shalt  }
0x78: {  	_ =	shalt  }
0x79: {  	_ =	shalt  }
0x7a: {  	_ =	shalt  }
0x7b: {  	_ =	shalt  }
0x7c: {  	_ =	shalt  }
0x7d: {  	_ =	shalt  }
0x7e: {  	_ =	shalt  }
0x7f: {  	_ =	shalt  }
0x80: {  	_ =	shalt  }
0x81: {  	_ =	shalt  }
0x82: {  	_ =	shalt  }
0x83: {  	_ =	shalt  }
0x84: {  	_ =	shalt  }
0x85: {  	_ =	shalt  }
0x86: {  	_ =	shalt  }
0x87: {  	_ =	shalt  }
.Lfunc_end0:
.L_simem_size_0:
called_computation.2_lowered:
.L_overlay_start_0:
0x88: {  	s2 =	sld [smem:$0x3FD9]  }
0x89: {  	s3 =	sld [smem:$0x3FFE];
	_ =	sdelay $0x1  }
0x8a: {  	s1 =	srdreg.scid  }
0x8b: {  	s0 =	sand.u32 $0x1, s1  }
0x8c: {  	s16 =	sshll.u32 s0, $0xA;
	s2 =	sadd.s32 s3, s2  }
0x8d: {  	s2 =	sadd.s32 s2, s16  }
0x8e: {  	[smem:$0x3FAA] =	sst s2  }
0x8f: {  	_ = 	snop  }
0x90: {  	(tm) =	ssettm $0x1  }
0x91: {  	s17 =	sld [smem:$0x3FFB];
	_ =	sdelay $0x3  }
0x92: {  	_ =	strace s17  }
0x93: {  	s2 =	sld [smem:$0x3FFC];
	_ =	sdelay $0x3  }
0x94: {  	_ =	strace s2  }
0x95: {  	s2 =	sld [smem:$0x3FFD];
	_ =	sdelay $0x3  }
0x96: {  	_ =	strace s2  }
0x97: {  	_ =	strace $0x8FFFFFFF  }
0x98: {  	s18 =	sld [smem:$0x3FDB];
	_ =	sdelay $0x1  }
0x99: {  	s19 =	simm.s32 $_scs_section_size  }
0x9a: {  	s4 =	simm.s32 $_size__tile_overlayer_lowered;
	s5 =	simm.s32 $_tile_overlayer_lowered  }
0x9b: {  	s22 =	simm.s32 $0x1BFF;
	s21 =	sshll.u32 s5, $0x1;
	s2 =	sadd.s32 s19, s18  }
0x9c: {  	s6 =	simm.s32 $0x0;
	s20 =	sshll.u32 s4, $0x1;
	s4 =	sadd.s32 s21, s2  }
0x9d: {  	[timem:s6], [sflag:s22] =	dma.local [hbm:s4], s20  }
0x9e: {  	_ =	swait.ge [sflag:s22], s20  }
0x9f: {  	s3 =	ssub.s32 $0x0, s20;
	[sflag:s22] =	ssyncset.done $0x0  }
0xa0: {  	[sflag:s22] =	ssyncadd.s32 s3;
	_ =	sdelay $0x1  }
0xa1: {  	s23 =	simm.s32 $0x1B8B  }
0xa2: {  	_ =	swait.ge [sflag:s23], $0x1  }
0xa3: {  	[sflag:s23] =	ssyncset.done $0x0  }
0xa4: {  	s25 =	simm.s32 $0x1B8E;
	s24 =	sld [smem:$0x3FFE];
	[sflag:s23] =	ssyncadd.s32 $0xFFFFFFFF  }
0xa5: {  	s26 =	simm.s32 $execute0_lowered;
	[smem:$0x3FD2] =	sst s25  }
0xa6: {  	s4 =	sshll.u32 s26, $0x1;
	_ =	strace $0x8000004C;
	[dreg:$0x1] =	wrdreg $0xFFFFFFFF  }
0xa7: {  	s28 =	simm.s32 $_size_execute0_lowered;
	s2 =	sadd.s32 s2, s4;
	[dreg:$0x0] =	wrdreg $0x0  }
0xa8: {  	s4 =	sshll.u32 s28, $0x1;
	[dreg:$0x2] =	wrdreg s2  }
0xa9: {  	[dreg:$0x3] =	wrdreg s4  }
0xaa: {  	[dreg:$0x4] =	wrdreg $0xC0  }
0xab: {  	_ =	task [dreg:s6], $0x5FFFF  }
0xac: {  	[dreg:$0x1] =	wrdreg $0xFFFFFFFF  }
0xad: {  	[dreg:$0x0] =	wrdreg $0x60  }
0xae: {  	[dreg:$0x2] =	wrdreg s24  }
0xaf: {  	[dreg:$0x3] =	wrdreg $0x9  }
0xb0: {  	_ =	task.clear_ibuf [dreg:s6], $0x4FFFF;
	_ =	strace $0x9000004C  }
0xb1: {  	s29 =	simm.s32 $0x9;
	_ =	strace $0x8000004E  }
0xb2: {  	_ =	swait.ge [sflag:s29], $0x1  }
0xb3: {  	[sflag:s29] =	ssyncadd.s32 $0xFFFFFFFF  }
0xb4: {  	_ =	strace $0x9000004E  }
0xb5: {  	_ =	sfence  }
0xb6: {  	s30 =	sld [smem:$0x0];
	_ =	sdelay $0x2  }
0xb7: {  	s31 =	sshll.u32 s1, $0xD;
	s1 =	sshrl.u32 s1, $0x2  }
0xb8: {  	s3 =	sand.u32 $0x4000, s31;
	s1 =	sadd.s32 s1, s30  }
0xb9: {  	s0 =	sor.u32 s3, s0;
	s1 =	sshll.u32 s1, $0x11  }
0xba: {  	s0 =	sor.u32 s1, s0  }
0xbb: {  	s0 =	sadd.s32 $0x8F2B, s0  }
0xbc: {  	[sflag:s0] =	ssyncadd.remote.s32 $0x1  }
0xbd: {  	_ =	sfence.sel $0xFFFF  }
0xbe: {  	[dreg:$0x0] =	wrdreg $0xFFFFFFFF;
	(pc) =	sbr.abs _section_cstart, $3  }
0xbf: {  	[dreg:$0x1] =	wrdreg $0xFFFFFFFF  }
0xc0: {  	_ =	task.clear_ibuf [dreg:s6], $0x2FFFF;
	_ =	strace $0x9FFFFFFF  }
0xc1: {  	(tm) =	ssettm $0x7FFFFFFF  }
tec
execute0_lowered:
.L_overlay_start_1:
0x0: {  	(tag) =	ssettag $0x1  }
0x1: {  	s0 =	rddreg [dreg:$0x0]  }
0x2: {  	s1 =	srdreg.scid;
	s2 =	simm.s32 $0x0;
	s21 =	stileid.u32  }
0x3: {  	s25 =	simm.s32 $0x80;
	s26 =	simm.s32 $0x900;
	s30 =	simm.s32 $0x1100  }
0x4: {  	s31 =	simm.s32 $0x1900;
	s9 =	simm.s32 $0x100;
	s10 =	simm.s32 $0x2100  }
0x5: {  	s11 =	simm.s32 $0x2900;
	s12 =	simm.s32 $0x3100;
	s13 =	simm.s32 $0x3900  }
0x6: {  	s14 =	simm.s32 $0x4100;
	s15 =	simm.s32 $0x4900;
	s16 =	simm.s32 $0x5100  }
0x7: {  	s17 =	simm.s32 $0x5900;
	s18 =	simm.s32 $0x6100;
	s19 =	simm.s32 $0x6900  }
0x8: {  	s20 =	simm.s32 $0x7100;
	s28 =	simm.s32 $0x2;
	s29 =	simm.s32 $0x0  }
0x9: {  	s5 =	sand.u32 $0x1, s1;
	[smem:$0x7FF] =	sst s2;
	s6 =	smul.u32 $0x2710, s21  }
0xa: {  	s23 =	smul.u32 $0x4E200, s21;
	_ =	strace $0x8000004D;
	[dreg:$0x4] =	wrdreg s25  }
0xb: {  	s3 =	sadd.s32 $0x1AE00, s0;
	s4 =	smul.u32 $0x27100, s5;
	[dreg:$0x5] =	wrdreg s26  }
0xc: {  	s21 =	simm.s32 $0x7900;
	s7 =	smul.u32 $0x4E2000, s5;
	[dreg:$0x6] =	wrdreg s30  }
0xd: {  	s5 =	ssub.s32 $0x2, s5;
	[dreg:$0x7] =	wrdreg s31;
	s25 =	simm.s32 $0x9900  }
0xe: {  	s26 =	simm.s32 $0x1;
	s22 =	sshrl.u32 s5, $0x1;
	s6 =	sadd.s32 s6, s4  }
0xf: {  	s4 =	sadd.s32 $0x69000, s0;
	s5 =	ssub.s32 s5, s22;
	s6 =	sshrl.u32 s6, $0x3  }
0x10: {  	s22 =	simm.s32 $0x8100;
	s24 =	smax.u32 s5, $0x1;
	s6 =	sadd.s32 s6, s0  }
0x11: {  	s0 =	sadd.s32 s7, s0;
	[dreg:$0x8] =	wrdreg s24;
	s8 =	sadd.s32 $0x10200, s6  }
0x12: {  	v2 =	vlaneseq.u32;
	s24 =	simm.s32 $0x9100;
	s6 =	sadd.s32 $0x6400, s6;
	[dreg:$0x2] =	wrdreg s8  }
0x13: {  	vm0 =	vmmov $0xffff;
	v1 =	vshrl.u32 v2, $0x3;
	s0 =	sadd.s32 s23, s0;
	s23 =	simm.s32 $0x8900;
	[dreg:$0x3] =	wrdreg s6  }
0x14: {  	v0 =	vand.u32 $0x7, v2;
	v2 =	vor.u32 $0x8, v2;
	v1 =	vmul.u32 $0x8, v1;
	s6 =	sadd.s32 $0xF0E400, s0;
	s7 =	sadd.s32 $0x18D2400, s0;
	s8 =	simm.s32 $0x3  }
.LBB2_1:
0x15: {  	s30 =	smov.u32 s7;
	s31 =	smov.u32 s6;
	s0 =	simm.s32 $0x0  }
.LBB2_2:
0x16: {  	s1 =	rddreg [dreg:$0x3]  }
0x17: {  	s1 =	sadd.s32 s0, s1  }
0x18: {  	[tilespmem:s2], [sflag:$0x3] =	stream.linear.gather [hbm4b:s1+s2], $0x50, $0x38;
	[tilespmem:$0xA100] =	vst v63  }
0x19: {  	_ =	swait.ge [sflag:s8], $0x50  }
0x1a: {  	s1 =	rddreg [dreg:$0x2];
	[sflag:s8] =	ssyncset.done $0x0  }
0x1b: {  	s5 =	rddreg [dreg:$0x4];
	[sflag:s8] =	ssyncadd.s32 $0xFFFFFFB0;
	s1 =	sadd.s32 s0, s1  }
0x1c: {  	[tilespmem:s5], [sflag:$0x3] =	stream.linear.gather [hbm4b:s1+s2], $0x50, $0x38;
	[tilespmem:$0xA100] =	vst v63  }
0x1d: {  	_ =	swait.ge [sflag:s8], $0x50  }
0x1e: {  	[sflag:s8] =	ssyncset.done $0x0  }
0x1f: {  	[sflag:s8] =	ssyncadd.s32 $0xFFFFFFB0  }
0x20: {  	v3 =	vld [tilespmem:$0x0];
	_ =	sdelay $0x4  }
0x21: {  	v4 =	vshll.u32 v3, $0x1  }
0x22: {  	v3 =	vand.u32 $0x7, v3;
	v4 =	vand.u32 $0xFFFFFFF0, v4  }
0x23: {  	v3 =	vor.u32 v3, v4  }
0x24: {  	v4 =	vperm.xlane v3, v0;
	_ =	sdelay $0x1  }
0x25: {  	v3 =	vperm.xlane v3, v2;
	v4 =	vadd.s32 v1, v4;
	_ =	sdelay $0x1  }
0x26: {  	v3 =	vadd.s32 v1, v3;
	_ =	sdelay $0x2  }
0x27: {  	[tilespmem:s9], [sflag:$0x1] =	stream.indirect_vreg.gather [hbm4b:s3+s2], $0x80, v4, vm0, $0xb8;
	[tilespmem:$0xA100] =	vst v63  }
0x28: {  	s5 =	rddreg [dreg:$0x5]  }
0x29: {  	[tilespmem:s5], [sflag:$0x1] =	stream.indirect_vreg.gather [hbm4b:s3+s2], $0x80, v3, vm0, $0xb8;
	[tilespmem:$0xA100] =	vst v63  }
0x2a: {  	v3 =	vld [tilespmem:$0x10];
	_ =	sdelay $0x4  }
0x2b: {  	v55 =	vshll.u32 v3, $0x1  }
0x2c: {  	v3 =	vand.u32 $0x7, v3;
	v4 =	vand.u32 $0xFFFFFFF0, v55  }
0x2d: {  	v3 =	vor.u32 v3, v4  }
0x2e: {  	v4 =	vperm.xlane v3, v0;
	_ =	sdelay $0x1  }
0x2f: {  	v3 =	vperm.xlane v3, v2;
	v4 =	vadd.s32 v1, v4;
	_ =	sdelay $0x1  }
0x30: {  	v3 =	vadd.s32 v1, v3;
	_ =	sdelay $0x1  }
0x31: {  	s1 =	rddreg [dreg:$0x6]  }
0x32: {  	[tilespmem:s1], [sflag:$0x1] =	stream.indirect_vreg.gather [hbm4b:s3+s2], $0x80, v4, vm0, $0xb8;
	[tilespmem:$0xA100] =	vst v63  }
0x33: {  	s5 =	rddreg [dreg:$0x7]  }
0x34: {  	[tilespmem:s5], [sflag:$0x1] =	stream.indirect_vreg.gather [hbm4b:s3+s2], $0x80, v3, vm0, $0xb8;
	[tilespmem:$0xA100] =	vst v63  }
0x35: {  	v3 =	vld [tilespmem:$0x20];
	_ =	sdelay $0x4  }
0x36: {  	v56 =	vshll.u32 v3, $0x1  }
0x37: {  	v3 =	vand.u32 $0x7, v3;
	v4 =	vand.u32 $0xFFFFFFF0, v56  }
0x38: {  	v3 =	vor.u32 v3, v4  }
0x39: {  	v4 =	vperm.xlane v3, v0;
	_ =	sdelay $0x1  }
0x3a: {  	v3 =	vperm.xlane v3, v2;
	v4 =	vadd.s32 v1, v4;
	_ =	sdelay $0x1  }
0x3b: {  	v3 =	vadd.s32 v1, v3;
	_ =	sdelay $0x2  }
0x3c: {  	[tilespmem:s10], [sflag:$0x1] =	stream.indirect_vreg.gather [hbm4b:s3+s2], $0x80, v4, vm0, $0xb8;
	[tilespmem:$0xA100] =	vst v63  }
0x3d: {  	_ = 	snop  }
0x3e: {  	[tilespmem:s11], [sflag:$0x1] =	stream.indirect_vreg.gather [hbm4b:s3+s2], $0x80, v3, vm0, $0xb8;
	[tilespmem:$0xA100] =	vst v63  }
0x3f: {  	v3 =	vld [tilespmem:$0x30];
	_ =	sdelay $0x4  }
0x40: {  	v57 =	vshll.u32 v3, $0x1  }
0x41: {  	v3 =	vand.u32 $0x7, v3;
	v4 =	vand.u32 $0xFFFFFFF0, v57  }
0x42: {  	v3 =	vor.u32 v3, v4  }
0x43: {  	v4 =	vperm.xlane v3, v0;
	_ =	sdelay $0x1  }
0x44: {  	v3 =	vperm.xlane v3, v2;
	v4 =	vadd.s32 v1, v4;
	_ =	sdelay $0x1  }
0x45: {  	v3 =	vadd.s32 v1, v3;
	_ =	sdelay $0x2  }
0x46: {  	[tilespmem:s12], [sflag:$0x1] =	stream.indirect_vreg.gather [hbm4b:s3+s2], $0x80, v4, vm0, $0xb8;
	[tilespmem:$0xA100] =	vst v63  }
0x47: {  	_ = 	snop  }
0x48: {  	[tilespmem:s13], [sflag:$0x1] =	stream.indirect_vreg.gather [hbm4b:s3+s2], $0x80, v3, vm0, $0xb8;
	[tilespmem:$0xA100] =	vst v63  }
0x49: {  	v3 =	vld [tilespmem:$0x40];
	_ =	sdelay $0x4  }
0x4a: {  	v58 =	vshll.u32 v3, $0x1  }
0x4b: {  	v3 =	vand.u32 $0x7, v3;
	v4 =	vand.u32 $0xFFFFFFF0, v58  }
0x4c: {  	v3 =	vor.u32 v3, v4  }
0x4d: {  	v4 =	vperm.xlane v3, v0;
	_ =	sdelay $0x1  }
0x4e: {  	v3 =	vperm.xlane v3, v2;
	v4 =	vadd.s32 v1, v4;
	_ =	sdelay $0x1  }
0x4f: {  	v3 =	vadd.s32 v1, v3;
	_ =	sdelay $0x2  }
0x50: {  	[tilespmem:s14], [sflag:$0x1] =	stream.indirect_vreg.gather [hbm4b:s3+s2], $0x80, v4, vm0, $0xb8;
	[tilespmem:$0xA100] =	vst v63  }
0x51: {  	_ = 	snop  }
0x52: {  	[tilespmem:s15], [sflag:$0x1] =	stream.indirect_vreg.gather [hbm4b:s3+s2], $0x80, v3, vm0, $0xb8;
	[tilespmem:$0xA100] =	vst v63  }
0x53: {  	v3 =	vld [tilespmem:$0x80];
	_ =	sdelay $0x4  }
0x54: {  	v59 =	vshll.u32 v3, $0x1  }
0x55: {  	v3 =	vand.u32 $0x7, v3;
	v4 =	vand.u32 $0xFFFFFFF0, v59  }
0x56: {  	v3 =	vor.u32 v3, v4  }
0x57: {  	v4 =	vperm.xlane v3, v0;
	_ =	sdelay $0x1  }
0x58: {  	v3 =	vperm.xlane v3, v2;
	v4 =	vadd.s32 v1, v4;
	_ =	sdelay $0x1  }
0x59: {  	v3 =	vadd.s32 v1, v3;
	_ =	sdelay $0x2  }
0x5a: {  	[tilespmem:s16], [sflag:$0x2] =	stream.indirect_vreg.gather [hbm4b:s4+s2], $0x80, v4, vm0, $0xb8;
	[tilespmem:$0xA100] =	vst v63  }
0x5b: {  	_ = 	snop  }
0x5c: {  	[tilespmem:s17], [sflag:$0x2] =	stream.indirect_vreg.gather [hbm4b:s4+s2], $0x80, v3, vm0, $0xb8;
	[tilespmem:$0xA100] =	vst v63  }
0x5d: {  	v3 =	vld [tilespmem:$0x90];
	_ =	sdelay $0x4  }
0x5e: {  	v60 =	vshll.u32 v3, $0x1  }
0x5f: {  	v3 =	vand.u32 $0x7, v3;
	v4 =	vand.u32 $0xFFFFFFF0, v60  }
0x60: {  	v3 =	vor.u32 v3, v4  }
0x61: {  	v4 =	vperm.xlane v3, v0;
	_ =	sdelay $0x1  }
0x62: {  	v3 =	vperm.xlane v3, v2;
	v4 =	vadd.s32 v1, v4;
	_ =	sdelay $0x1  }
0x63: {  	v3 =	vadd.s32 v1, v3;
	_ =	sdelay $0x2  }
0x64: {  	[tilespmem:s18], [sflag:$0x2] =	stream.indirect_vreg.gather [hbm4b:s4+s2], $0x80, v4, vm0, $0xb8;
	[tilespmem:$0xA100] =	vst v63  }
0x65: {  	_ = 	snop  }
0x66: {  	[tilespmem:s19], [sflag:$0x2] =	stream.indirect_vreg.gather [hbm4b:s4+s2], $0x80, v3, vm0, $0xb8;
	[tilespmem:$0xA100] =	vst v63  }
0x67: {  	v3 =	vld [tilespmem:$0xA0];
	_ =	sdelay $0x4  }
0x68: {  	v61 =	vshll.u32 v3, $0x1  }
0x69: {  	v3 =	vand.u32 $0x7, v3;
	v4 =	vand.u32 $0xFFFFFFF0, v61  }
0x6a: {  	v3 =	vor.u32 v3, v4  }
0x6b: {  	v4 =	vperm.xlane v3, v0;
	_ =	sdelay $0x1  }
0x6c: {  	v3 =	vperm.xlane v3, v2;
	v4 =	vadd.s32 v1, v4;
	_ =	sdelay $0x1  }
0x6d: {  	v3 =	vadd.s32 v1, v3;
	_ =	sdelay $0x2  }
0x6e: {  	[tilespmem:s20], [sflag:$0x2] =	stream.indirect_vreg.gather [hbm4b:s4+s2], $0x80, v4, vm0, $0xb8;
	[tilespmem:$0xA100] =	vst v63  }
0x6f: {  	_ = 	snop  }
0x70: {  	[tilespmem:s21], [sflag:$0x2] =	stream.indirect_vreg.gather [hbm4b:s4+s2], $0x80, v3, vm0, $0xb8;
	[tilespmem:$0xA100] =	vst v63  }
0x71: {  	v3 =	vld [tilespmem:$0xB0];
	_ =	sdelay $0x4  }
0x72: {  	v62 =	vshll.u32 v3, $0x1  }
0x73: {  	v3 =	vand.u32 $0x7, v3;
	v4 =	vand.u32 $0xFFFFFFF0, v62  }
0x74: {  	v3 =	vor.u32 v3, v4  }
0x75: {  	v4 =	vperm.xlane v3, v0;
	_ =	sdelay $0x1  }
0x76: {  	v3 =	vperm.xlane v3, v2;
	v4 =	vadd.s32 v1, v4;
	_ =	sdelay $0x1  }
0x77: {  	v3 =	vadd.s32 v1, v3;
	_ =	sdelay $0x2  }
0x78: {  	[tilespmem:s22], [sflag:$0x2] =	stream.indirect_vreg.gather [hbm4b:s4+s2], $0x80, v4, vm0, $0xb8;
	[tilespmem:$0xA100] =	vst v63  }
0x79: {  	_ = 	snop  }
0x7a: {  	[tilespmem:s23], [sflag:$0x2] =	stream.indirect_vreg.gather [hbm4b:s4+s2], $0x80, v3, vm0, $0xb8;
	[tilespmem:$0xA100] =	vst v63  }
0x7b: {  	v3 =	vld [tilespmem:$0xC0];
	_ =	sdelay $0x4  }
0x7c: {  	v63 =	vshll.u32 v3, $0x1  }
0x7d: {  	v3 =	vand.u32 $0x7, v3;
	v4 =	vand.u32 $0xFFFFFFF0, v63  }
0x7e: {  	v3 =	vor.u32 v3, v4  }
0x7f: {  	v4 =	vperm.xlane v3, v0;
	_ =	sdelay $0x1  }
0x80: {  	v3 =	vperm.xlane v3, v2;
	v4 =	vadd.s32 v1, v4;
	_ =	sdelay $0x1  }
0x81: {  	v3 =	vadd.s32 v1, v3;
	_ =	sdelay $0x2  }
0x82: {  	[tilespmem:s24], [sflag:$0x2] =	stream.indirect_vreg.gather [hbm4b:s4+s2], $0x80, v4, vm0, $0xb8;
	[tilespmem:$0xA100] =	vst v63  }
0x83: {  	_ = 	snop  }
0x84: {  	[tilespmem:s25], [sflag:$0x2] =	stream.indirect_vreg.gather [hbm4b:s4+s2], $0x80, v3, vm0, $0xb8;
	[tilespmem:$0xA100] =	vst v63  }
0x85: {  	_ =	swait.ge [sflag:s26], $0x5000  }
0x86: {  	[sflag:s26] =	ssyncset.done $0x0  }
0x87: {  	[sflag:s26] =	ssyncadd.s32 $0xFFFFB000  }
0x88: {  	_ =	swait.ge [sflag:s28], $0x5000  }
0x89: {  	[sflag:s28] =	ssyncset.done $0x0  }
0x8a: {  	[sflag:s28] =	ssyncadd.s32 $0xFFFFB000  }
0x8b: {  	[hbm4b:s31+s2] =	stream.linear.scatter [tilespmem:s9], [sflag:$0x3], $0x5000, $0x38;
	[tilespmem:$0xA100] =	vst v63  }
0x8c: {  	_ =	swait.ge [sflag:s8], $0x5000  }
0x8d: {  	p0 =	sne.s32 s0, $0x4D8;
	[sflag:s8] =	ssyncset.done $0x0  }
.Ltmp0:
0x8e: {  	[sflag:s8] =	ssyncadd.s32 $0xFFFFB000;
	(pc) =	sbr.rel @p0 .LBB2_2-.Ltmp0, $4  }
0x8f: {  	[hbm4b:s30+s2] =	stream.linear.scatter [tilespmem:s16], [sflag:$0x3], $0x5000, $0x38;
	[tilespmem:$0xA100] =	vst v63  }
0x90: {  	_ =	swait.ge [sflag:s8], $0x5000  }
0x91: {  	s0 =	sadd.s32 $0xA, s0;
	[sflag:s8] =	ssyncset.done $0x0  }
0x92: {  	s31 =	sadd.s32 $0xA00, s31;
	s30 =	sadd.s32 $0xA00, s30;
	[sflag:s8] =	ssyncadd.s32 $0xFFFFB000  }
0x93: {  	s29 =	sadd.s32 $0x1, s29;
	s0 =	rddreg [dreg:$0x8]  }
0x94: {  	p0 =	sne.s32 s29, s0  }
.Ltmp1:
0x95: {  	_ = 	snop;
	(pc) =	sbr.rel @p0 .LBB2_1-.Ltmp1, $1  }
0x96: {  	_ =	sdelay $0x3  }
0x97: {  	_ =	sfence.sel $0x180000  }
0x98: {  	[bflag:$0x0] =	sbarrier.arrive $0xFFFF  }
0x99: {  	_ =	strace $0x9000004D  }
0x9a: {  	s0 =	stileid.u32;
	[bflag:$0x2] =	sbarrier.arrive $0xFFFF  }
0x9b: {  	p0 =	sne.s32 s0, $0x0;
	s0 =	rddreg [dreg:$0x1]  }
0x9c: {  	s0 =	sadd.s32 @!p0 $0x100000, s0  }
0x9d: {  	[sflag:s0] =	ssyncadd.tile.s32 @!p0 $0x1;
	_ =	shalt  }
.Lfunc_end2:
_tile_overlayer_lowered:
.L_overlay_start_2:
0x9e: {  	(tag) =	ssettag $0x2  }
0x9f: {  	s0 =	rddreg [dreg:$0x0];
	s2 =	stileid.u32  }
0xa0: {  	s1 =	rddreg [dreg:$0x1];
	p0 =	sne.s32 s2, $0x0  }
0xa1: {  	s3 =	rddreg [dreg:$0x2];
	[bflag:$0x3] =	sbarrier.arrive $0xFFFF;
	s2 =	simm.s32 @!p0 $0x1C03  }
0xa2: {  	[timem:s3], [sflag:s2] =	dma.local @!p0 [hbm:s0], s1  }
0xa3: {  	s0 =	simm.s32 @!p0 $0x3  }
0xa4: {  	_ =	swait.ge @!p0 [sflag:s0], s1  }
0xa5: {  	s1 =	ssub.s32 @!p0 $0x0, s1;
	[sflag:s0] =	ssyncset.done @!p0 $0x0  }
0xa6: {  	[sflag:s0] =	ssyncadd.s32 @!p0 s1  }
0xa7: {  	[bflag:$0x3] =	sbarrier.arrive $0xFFFF  }
0xa8: {  	_ =	shalt  }

// kernel: kernel.20.cloned.1.call-start
scs
__scs_entry_jumppad:
0x0: {  	(pc) =	sbr.rel $0x88, $3  }
0x1: {  	(tag) =	ssettag $0x0;
	lr =	simm.s32 $0x1  }
0x2: {  	[smem:$0x3F83] =	sst lr;
	_ =	strace $0xD0000000  }
0x3: {  	_ = 	snop  }
0x4: {  	_ = 	snop  }
0x5: {  	_ = 	snop  }
0x6: {  	_ = 	snop  }
0x7: {  	_ = 	snop  }
__scs_overlays_trampoline_lowered:
0x8: {  	[smem:$0x3F92] =	sst s0  }
0x9: {  	[smem:$0x3F93] =	sst s1  }
0xa: {  	[smem:$0x3F94] =	sst s2  }
0xb: {  	[smem:$0x3F95] =	sst s3  }
0xc: {  	[smem:$0x3F96] =	sst s4  }
0xd: {  	[smem:$0x3F97] =	sst s5  }
0xe: {  	[smem:$0x3F98] =	sst s6  }
0xf: {  	[smem:$0x3F99] =	sst s7  }
0x10: {  	[smem:$0x3F9A] =	sst s8  }
0x11: {  	[smem:$0x3F9B] =	sst s9;
	s0 =	simm.s32 @!p0 $0x0  }
0x12: {  	s1 =	sld [smem:$0x3F81];
	s0 =	simm.s32 @p0 $0x1  }
0x13: {  	[smem:$0x3F9C] =	sst s0;
	s0 =	simm.s32 @!p1 $0x0  }
0x14: {  	s2 =	sld [smem:$0x3F80];
	s0 =	simm.s32 @p1 $0x1  }
0x15: {  	[smem:$0x3F9D] =	sst s0;
	s0 =	simm.s32 @!p2 $0x0  }
0x16: {  	s3 =	sld [smem:$0x3FDB];
	s0 =	simm.s32 @p2 $0x1  }
0x17: {  	s4 =	simm.s32 $0x1BF5;
	[smem:$0x3F9F] =	sst s0  }
0x18: {  	s0 =	sld [smem:$0x3F82];
	_ =	swait.ge [sflag:s4], $0x0  }
0x19: {  	s7 =	sld [smem:$0x3F83]  }
0x1a: {  	s8 =	sadd.s32 $0xFFFFE003, lr  }
0x1b: {  	s9 =	sadd.s32 $0xFFFFFEF7, lr;
	s5 =	simm.s32 $0xFFFFFFFF;
	p2 =	slt.u32 s8, $0xFFFFF086  }
0x1c: {  	p1 =	slt.u32 s9, $0xF7A;
	s5 =	simm.s32 @!p2 $0x0  }
0x1d: {  	s5 =	simm.s32 @p1 $0x1;
	p0 =	seq.s32 s7, s2  }
0x1e: {  	s7 =	smul.u32 @!p0 $0xF7A, s2;
	p2 =	seq.s32 @!p0 s5, $0x0  }
0x1f: {  	s9 =	smul.u32 $0xF7A, s1;
	s8 =	simm.s32 @!p0 $0x1BF5;
	p2 =	por !p2, p0  }
0x20: {  	[sflag:s8] =	ssyncset.s32 @!p0 $0xFFFFF086;
	s6 =	sadd.s32 @!p0 s3, s7;
	s7 =	simm.s32 @!p0 $0x108  }
0x21: {  	s3 =	sadd.s32 s3, s9;
	s6 =	sadd.s32 @!p0 $0x88, s6;
	s7 =	simm.s32 @p2 $0x1082  }
0x22: {  	[simem:s7], [sflag:s8] =	dma.local @!p0 [hbm:s6], $0xF7A  }
0x23: {  	s9 =	sor.u32 $0xD0000000, s2;
	s6 =	simm.s32 $0x108;
	_ =	swait.ge @!p0 [sflag:s8], $0x0  }
0x24: {  	s3 =	sadd.s32 $0x88, s3;
	s6 =	simm.s32 @!p1 $0x1082;
	[sflag:s4] =	ssyncset.s32 $0xFFFFF086  }
0x25: {  	[simem:s6], [sflag:s4] =	dma.local [hbm:s3], $0xF7A  }
0x26: {  	[smem:$0x3F83] =	sst s1;
	(tag) =	ssettag s2;
	_ =	strace s9  }
0x27: {  	s1 =	sld [smem:$0x3F93]  }
0x28: {  	s2 =	sld [smem:$0x3F94]  }
0x29: {  	s4 =	sld [smem:$0x3F96]  }
0x2a: {  	p0 =	seq.s32 s5, $0x0;
	s5 =	sld [smem:$0x3F97]  }
0x2b: {  	s6 =	sld [smem:$0x3F98]  }
0x2c: {  	s7 =	sld [smem:$0x3F99]  }
0x2d: {  	s3 =	simm.s32 $0x108;
	s8 =	sld [smem:$0x3F9A]  }
0x2e: {  	s3 =	simm.s32 @!p0 $0x1082;
	s9 =	sld [smem:$0x3F9B]  }
0x2f: {  	lr =	sadd.s32 s0, s3;
	s0 =	sld [smem:$0x3F92]  }
0x30: {  	s3 =	sld [smem:$0x3F95]  }
0x31: {  	[smem:$0x3F9E] =	sst s10  }
0x32: {  	s10 =	sld [smem:$0x3F9C];
	_ =	sdelay $0x3  }
0x33: {  	p0 =	seq.s32 s10, $0x1;
	s10 =	sld [smem:$0x3F9E];
	_ =	sdelay $0x3  }
0x34: {  	[smem:$0x3F9E] =	sst s10  }
0x35: {  	s10 =	sld [smem:$0x3F9D];
	_ =	sdelay $0x3  }
0x36: {  	p1 =	seq.s32 s10, $0x1;
	s10 =	sld [smem:$0x3F9E];
	_ =	sdelay $0x3  }
0x37: {  	[smem:$0x3F9E] =	sst s10  }
0x38: {  	s10 =	sld [smem:$0x3F9F]  }
0x39: {  	_ = 	snop;
	(pc) =	sbr.ind lr, $3  }
0x3a: {  	_ = 	snop  }
0x3b: {  	_ = 	snop  }
0x3c: {  	p2 =	seq.s32 s10, $0x1;
	s10 =	sld [smem:$0x3F9E]  }
0x3d: {  	_ =	shalt  }
0x3e: {  	_ =	shalt  }
0x3f: {  	_ =	shalt  }
0x40: {  	_ =	shalt  }
0x41: {  	_ =	shalt  }
0x42: {  	_ =	shalt  }
0x43: {  	_ =	shalt  }
0x44: {  	_ =	shalt  }
0x45: {  	_ =	shalt  }
0x46: {  	_ =	shalt  }
0x47: {  	_ =	shalt  }
0x48: {  	_ =	shalt  }
0x49: {  	_ =	shalt  }
0x4a: {  	_ =	shalt  }
0x4b: {  	_ =	shalt  }
0x4c: {  	_ =	shalt  }
0x4d: {  	_ =	shalt  }
0x4e: {  	_ =	shalt  }
0x4f: {  	_ =	shalt  }
0x50: {  	_ =	shalt  }
0x51: {  	_ =	shalt  }
0x52: {  	_ =	shalt  }
0x53: {  	_ =	shalt  }
0x54: {  	_ =	shalt  }
0x55: {  	_ =	shalt  }
0x56: {  	_ =	shalt  }
0x57: {  	_ =	shalt  }
0x58: {  	_ =	shalt  }
0x59: {  	_ =	shalt  }
0x5a: {  	_ =	shalt  }
0x5b: {  	_ =	shalt  }
0x5c: {  	_ =	shalt  }
0x5d: {  	_ =	shalt  }
0x5e: {  	_ =	shalt  }
0x5f: {  	_ =	shalt  }
0x60: {  	_ =	shalt  }
0x61: {  	_ =	shalt  }
0x62: {  	_ =	shalt  }
0x63: {  	_ =	shalt  }
0x64: {  	_ =	shalt  }
0x65: {  	_ =	shalt  }
0x66: {  	_ =	shalt  }
0x67: {  	_ =	shalt  }
0x68: {  	_ =	shalt  }
0x69: {  	_ =	shalt  }
0x6a: {  	_ =	shalt  }
0x6b: {  	_ =	shalt  }
0x6c: {  	_ =	shalt  }
0x6d: {  	_ =	shalt  }
0x6e: {  	_ =	shalt  }
0x6f: {  	_ =	shalt  }
0x70: {  	_ =	shalt  }
0x71: {  	_ =	shalt  }
0x72: {  	_ =	shalt  }
0x73: {  	_ =	shalt  }
0x74: {  	_ =	shalt  }
0x75: {  	_ =	shalt  }
0x76: {  	_ =	shalt  }
0x77: {  	_ =	shalt  }
0x78: {  	_ =	shalt  }
0x79: {  	_ =	shalt  }
0x7a: {  	_ =	shalt  }
0x7b: {  	_ =	shalt  }
0x7c: {  	_ =	shalt  }
0x7d: {  	_ =	shalt  }
0x7e: {  	_ =	shalt  }
0x7f: {  	_ =	shalt  }
0x80: {  	_ =	shalt  }
0x81: {  	_ =	shalt  }
0x82: {  	_ =	shalt  }
0x83: {  	_ =	shalt  }
0x84: {  	_ =	shalt  }
0x85: {  	_ =	shalt  }
0x86: {  	_ =	shalt  }
0x87: {  	_ =	shalt  }
.Lfunc_end0:
.L_simem_size_0:
called_computation.3_lowered:
.L_overlay_start_0:
0x88: {  	s2 =	sld [smem:$0x3FD9]  }
0x89: {  	s3 =	sld [smem:$0x3FFE];
	_ =	sdelay $0x1  }
0x8a: {  	s1 =	srdreg.scid  }
0x8b: {  	s0 =	sand.u32 $0x1, s1  }
0x8c: {  	s16 =	sshll.u32 s0, $0xA;
	s2 =	sadd.s32 s3, s2  }
0x8d: {  	s2 =	sadd.s32 s2, s16  }
0x8e: {  	[smem:$0x3FAA] =	sst s2  }
0x8f: {  	_ = 	snop  }
0x90: {  	(tm) =	ssettm $0x1  }
0x91: {  	s17 =	sld [smem:$0x3FFB];
	_ =	sdelay $0x3  }
0x92: {  	_ =	strace s17  }
0x93: {  	s2 =	sld [smem:$0x3FFC];
	_ =	sdelay $0x3  }
0x94: {  	_ =	strace s2  }
0x95: {  	s2 =	sld [smem:$0x3FFD];
	_ =	sdelay $0x3  }
0x96: {  	_ =	strace s2  }
0x97: {  	_ =	strace $0x8FFFFFFF  }
0x98: {  	s18 =	sld [smem:$0x3FDB];
	_ =	sdelay $0x1  }
0x99: {  	s19 =	simm.s32 $_scs_section_size  }
0x9a: {  	s4 =	simm.s32 $_size__tile_overlayer_lowered;
	s5 =	simm.s32 $_tile_overlayer_lowered  }
0x9b: {  	s22 =	simm.s32 $0x1BFF;
	s21 =	sshll.u32 s5, $0x1;
	s2 =	sadd.s32 s19, s18  }
0x9c: {  	s6 =	simm.s32 $0x0;
	s20 =	sshll.u32 s4, $0x1;
	s4 =	sadd.s32 s21, s2  }
0x9d: {  	[timem:s6], [sflag:s22] =	dma.local [hbm:s4], s20  }
0x9e: {  	_ =	swait.ge [sflag:s22], s20  }
0x9f: {  	s3 =	ssub.s32 $0x0, s20;
	[sflag:s22] =	ssyncset.done $0x0  }
0xa0: {  	[sflag:s22] =	ssyncadd.s32 s3;
	_ =	sdelay $0x1  }
0xa1: {  	s23 =	simm.s32 $0x1B8B  }
0xa2: {  	_ =	swait.ge [sflag:s23], $0x1  }
0xa3: {  	[sflag:s23] =	ssyncset.done $0x0  }
0xa4: {  	s25 =	simm.s32 $0x1B8E;
	s24 =	sld [smem:$0x3FFE];
	[sflag:s23] =	ssyncadd.s32 $0xFFFFFFFF  }
0xa5: {  	s26 =	simm.s32 $execute0_lowered;
	[smem:$0x3FD2] =	sst s25  }
0xa6: {  	s4 =	sshll.u32 s26, $0x1;
	_ =	strace $0x8000004F;
	[dreg:$0x1] =	wrdreg $0xFFFFFFFF  }
0xa7: {  	s28 =	simm.s32 $_size_execute0_lowered;
	s2 =	sadd.s32 s2, s4;
	[dreg:$0x0] =	wrdreg $0x0  }
0xa8: {  	s4 =	sshll.u32 s28, $0x1;
	[dreg:$0x2] =	wrdreg s2  }
0xa9: {  	[dreg:$0x3] =	wrdreg s4  }
0xaa: {  	[dreg:$0x4] =	wrdreg $0xC0  }
0xab: {  	_ =	task [dreg:s6], $0x5FFFF  }
0xac: {  	[dreg:$0x1] =	wrdreg $0xFFFFFFFF  }
0xad: {  	[dreg:$0x0] =	wrdreg $0x60  }
0xae: {  	[dreg:$0x2] =	wrdreg s24  }
0xaf: {  	[dreg:$0x3] =	wrdreg $0xB4800  }
0xb0: {  	[dreg:$0x4] =	wrdreg $0x9  }
0xb1: {  	_ =	task.clear_ibuf [dreg:s6], $0x5FFFF;
	_ =	strace $0x9000004F  }
0xb2: {  	s29 =	simm.s32 $0x9;
	_ =	strace $0x80000051  }
0xb3: {  	_ =	swait.ge [sflag:s29], $0x1  }
0xb4: {  	[sflag:s29] =	ssyncadd.s32 $0xFFFFFFFF  }
0xb5: {  	_ =	strace $0x90000051  }
0xb6: {  	_ =	sfence  }
0xb7: {  	s30 =	sld [smem:$0x0];
	_ =	sdelay $0x2  }
0xb8: {  	s31 =	sshll.u32 s1, $0xD;
	s1 =	sshrl.u32 s1, $0x2  }
0xb9: {  	s3 =	sand.u32 $0x4000, s31;
	s1 =	sadd.s32 s1, s30  }
0xba: {  	s0 =	sor.u32 s3, s0;
	s1 =	sshll.u32 s1, $0x11  }
0xbb: {  	s0 =	sor.u32 s1, s0  }
0xbc: {  	s0 =	sadd.s32 $0x8F2B, s0  }
0xbd: {  	[sflag:s0] =	ssyncadd.remote.s32 $0x1  }
0xbe: {  	_ =	sfence.sel $0xFFFF  }
0xbf: {  	[dreg:$0x0] =	wrdreg $0xFFFFFFFF;
	(pc) =	sbr.abs _section_cstart, $3  }
0xc0: {  	[dreg:$0x1] =	wrdreg $0xFFFFFFFF  }
0xc1: {  	_ =	task.clear_ibuf [dreg:s6], $0x2FFFF;
	_ =	strace $0x9FFFFFFF  }
0xc2: {  	(tm) =	ssettm $0x7FFFFFFF  }
0xc3: {  	_ =	shalt  }
tec
execute0_lowered:
.L_overlay_start_1:
0x0: {  	(tag) =	ssettag $0x1  }
0x1: {  	s0 =	srdreg.scid  }
0x2: {  	s5 =	sand.u32 $0x1, s0  }
0x3: {  	s0 =	stileid.u32;
	s4 =	smul.u32 $0x2710000, s5  }
0x4: {  	s7 =	smul.u32 $0x271000, s0  }
0x5: {  	s30 =	smul.u32 $0x9C4, s0  }
0x6: {  	s31 =	smul.u32 $0x19000, s0  }
0x7: {  	s6 =	rddreg [dreg:$0x0];
	s21 =	smul.u32 $0x138800, s5  }
0x8: {  	s2 =	rddreg [dreg:$0x1];
	s8 =	sor.u32 $0x10, s0;
	s23 =	smul.u32 $0x6400, s0  }
0x9: {  	s1 =	rddreg [dreg:$0x2];
	s10 =	sor.u32 $0x20, s0;
	s9 =	smul.u32 $0x19000, s8  }
0xa: {  	s3 =	simm.s32 $0x0;
	s13 =	sor.u32 $0x30, s0;
	s12 =	smul.u32 $0x19000, s10  }
0xb: {  	[smem:$0x7FF] =	sst s3;
	s16 =	sadd.s32 $0x9DEE00, s6;
	s17 =	smul.u32 $0x19000, s13  }
0xc: {  	_ =	strace $0x80000050;
	s11 =	ssub.s32 $0x2, s5;
	s25 =	smul.u32 $0x6400, s8  }
0xd: {  	p0 =	sgt.u32 s0, $0x1;
	s19 =	sshrl.u32 s11, $0x1;
	s10 =	smul.u32 $0x6400, s10  }
0xe: {  	s13 =	smul.u32 $0x6400, s13;
	s4 =	sadd.s32 s7, s4;
	s15 =	sadd.s32 s30, s6  }
0xf: {  	s18 =	ssub.s32 s11, s19;
	s20 =	sshrl.u32 s31, $0x2;
	s26 =	sadd.s32 s23, s21  }
0x10: {  	s19 =	simm.s32 $0x50;
	s4 =	sshrl.u32 s4, $0x3;
	s5 =	sadd.s32 s20, s2  }
0x11: {  	s22 =	sshrl.u32 s9, $0x2;
	s24 =	sshrl.u32 s12, $0x2;
	s28 =	sshrl.u32 s17, $0x2  }
0x12: {  	s29 =	sshrl.u32 s26, $0x3;
	s12 =	sadd.s32 s21, s25;
	s30 =	sadd.s32 s21, s10  }
0x13: {  	s11 =	sadd.s32 s21, s13;
	s15 =	sadd.s32 $0x10200, s15;
	s17 =	simm.s32 $0x1  }
0x14: {  	s20 =	simm.s32 $0x2880;
	s21 =	simm.s32 $0x0;
	s14 =	sadd.s32 s4, s6  }
0x15: {  	s4 =	sadd.s32 $0x1A000, s6;
	s6 =	sadd.s32 s22, s2;
	s7 =	sadd.s32 s24, s2  }
0x16: {  	s8 =	sadd.s32 s28, s2;
	s9 =	sadd.s32 s16, s29;
	s12 =	sshrl.u32 s12, $0x3  }
0x17: {  	s31 =	sshrl.u32 s30, $0x3;
	s13 =	sshrl.u32 s11, $0x3;
	s10 =	sadd.s32 s16, s12  }
0x18: {  	s11 =	sadd.s32 s16, s31;
	s12 =	sadd.s32 s16, s13;
	s13 =	smax.u32 s18, $0x1  }
0x19: {  	s14 =	sadd.s32 $0x1AE00, s14;
	s16 =	simm.s32 $0x5080;
	s18 =	simm.s32 $0x80  }
.LBB2_1:
0x1a: {  	[tilespmem:s16], [sflag:$0x1] =	stream.linear.gather [hbm4b:s4+s3], $0x6400, $0x38;
	[tilespmem:$0x1ED00] =	vst v63  }
0x1b: {  	_ =	swait.ge [sflag:s17], $0x6400  }
0x1c: {  	[sflag:s17] =	ssyncset.done $0x0  }
0x1d: {  	[sflag:s17] =	ssyncadd.s32 $0xFFFF9C00  }
0x1e: {  	[spmem:s5] =	stream.linear.scatter [tilespmem:s16], [sflag:$0x1], $0x6400, $0x38;
	[tilespmem:$0x1ED00] =	vst v63  }
0x1f: {  	_ =	swait.ge [sflag:s17], $0x6400  }
0x20: {  	[sflag:s17] =	ssyncset.done $0x0  }
0x21: {  	[sflag:s17] =	ssyncadd.s32 $0xFFFF9C00  }
0x22: {  	[spmem:s6] =	stream.linear.scatter [tilespmem:s16], [sflag:$0x1], $0x6400, $0x38;
	[tilespmem:$0x1ED00] =	vst v63  }
0x23: {  	_ =	swait.ge [sflag:s17], $0x6400  }
0x24: {  	[sflag:s17] =	ssyncset.done $0x0  }
0x25: {  	[sflag:s17] =	ssyncadd.s32 $0xFFFF9C00  }
0x26: {  	[spmem:s7] =	stream.linear.scatter [tilespmem:s16], [sflag:$0x1], $0x6400, $0x38;
	[tilespmem:$0x1ED00] =	vst v63  }
0x27: {  	_ =	swait.ge [sflag:s17], $0x6400  }
0x28: {  	[sflag:s17] =	ssyncset.done $0x0  }
0x29: {  	s22 =	simm.s32 @!p0 $0x5080;
	[sflag:s17] =	ssyncadd.s32 $0xFFFF9C00  }
0x2a: {  	[spmem:s8] =	stream.linear.scatter @!p0 [tilespmem:s22], [sflag:$0x1], $0x6400, $0x38;
	[tilespmem:$0x1ED00] =	vst v63  }
0x2b: {  	s22 =	simm.s32 @!p0 $0x1  }
0x2c: {  	_ =	swait.ge @!p0 [sflag:s22], $0x6400  }
0x2d: {  	[sflag:s22] =	ssyncset.done @!p0 $0x0  }
0x2e: {  	[sflag:s22] =	ssyncadd.s32 @!p0 $0xFFFF9C00  }
0x2f: {  	s30 =	sadd.s32 $0x0, s14;
	[bflag:$0x0] =	sbarrier.arrive $0xFFFF  }
0x30: {  	[tilespmem:s18], [sflag:$0x1] =	stream.linear.gather [hbm4b:s30+s3], $0x5000, $0x38;
	[tilespmem:$0x1ED00] =	vst v63  }
0x31: {  	_ =	swait.ge [sflag:s17], $0x5000  }
0x32: {  	[sflag:s17] =	ssyncset.done $0x0  }
0x33: {  	[sflag:s17] =	ssyncadd.s32 $0xFFFFB000  }
0x34: {  	[tilespmem:s3], [sflag:$0x1] =	stream.linear.gather [hbm4b:s15+s3], $0x50, $0x38;
	[tilespmem:$0x1ED00] =	vst v63  }
0x35: {  	_ =	swait.ge [sflag:s17], $0x50  }
0x36: {  	[sflag:s17] =	ssyncset.done $0x0  }
0x37: {  	[sflag:s17] =	ssyncadd.s32 $0xFFFFFFB0  }
0x38: {  	[spmem:s2] =	stream.indirect.scatter.add.f32 [tilespmem:s18], [sflag:$0x1], $0x80, s3, s19, $0xb8;
	[tilespmem:$0x1ED00] =	vst v63  }
0x39: {  	_ =	swait.ge [sflag:s17], $0x2800  }
0x3a: {  	[sflag:s17] =	ssyncset.done $0x0  }
0x3b: {  	s31 =	sadd.s32 $0xA, s15;
	[sflag:s17] =	ssyncadd.s32 $0xFFFFD800  }
0x3c: {  	[tilespmem:s3], [sflag:$0x1] =	stream.linear.gather [hbm4b:s31+s3], $0x50, $0x38;
	[tilespmem:$0x1ED00] =	vst v63  }
0x3d: {  	_ =	swait.ge [sflag:s17], $0x50  }
0x3e: {  	[sflag:s17] =	ssyncset.done $0x0  }
0x3f: {  	[sflag:s17] =	ssyncadd.s32 $0xFFFFFFB0  }
0x40: {  	[spmem:s2] =	stream.indirect.scatter.add.f32 [tilespmem:s20], [sflag:$0x1], $0x80, s3, s19, $0xb8;
	[tilespmem:$0x1ED00] =	vst v63  }
0x41: {  	s23 =	simm.s32 $0xA00;
	_ =	swait.ge [sflag:s17], $0x2800  }
0x42: {  	s24 =	simm.s32 $0x1400;
	s22 =	sadd.s32 $0x14, s15;
	[sflag:s17] =	ssyncset.done $0x0  }
.LBB2_2:
0x43: {  	s25 =	sadd.s32 s23, s14  }
0x44: {  	[sflag:s17] =	ssyncadd.s32 $0xFFFFD800;
	s23 =	smov.u32 s24;
	s26 =	sadd.s32 $0xA00, s24  }
0x45: {  	[tilespmem:s18], [sflag:$0x1] =	stream.linear.gather [hbm4b:s25+s3], $0x5000, $0x38;
	[tilespmem:$0x1ED00] =	vst v63  }
0x46: {  	p1 =	sne.s32 s24, $0x4D800;
	_ =	swait.ge [sflag:s17], $0x5000  }
0x47: {  	[sflag:s17] =	ssyncset.done $0x0  }
0x48: {  	[sflag:s17] =	ssyncadd.s32 $0xFFFFB000  }
0x49: {  	[tilespmem:s3], [sflag:$0x1] =	stream.linear.gather [hbm4b:s22+s3], $0x50, $0x38;
	[tilespmem:$0x1ED00] =	vst v63  }
0x4a: {  	_ =	swait.ge [sflag:s17], $0x50  }
0x4b: {  	[sflag:s17] =	ssyncset.done $0x0  }
0x4c: {  	[sflag:s17] =	ssyncadd.s32 $0xFFFFFFB0  }
0x4d: {  	[spmem:s2] =	stream.indirect.scatter.add.f32 [tilespmem:s18], [sflag:$0x1], $0x80, s3, s19, $0xb8;
	[tilespmem:$0x1ED00] =	vst v63  }
0x4e: {  	_ =	swait.ge [sflag:s17], $0x2800  }
0x4f: {  	[sflag:s17] =	ssyncset.done $0x0  }
0x50: {  	s24 =	sadd.s32 $0xA, s22;
	[sflag:s17] =	ssyncadd.s32 $0xFFFFD800  }
0x51: {  	[tilespmem:s3], [sflag:$0x1] =	stream.linear.gather [hbm4b:s24+s3], $0x50, $0x38;
	[tilespmem:$0x1ED00] =	vst v63  }
0x52: {  	_ =	swait.ge [sflag:s17], $0x50  }
.Ltmp0:
0x53: {  	[sflag:s17] =	ssyncset.done $0x0;
	(pc) =	sbr.rel @p1 .LBB2_2-.Ltmp0, $4  }
0x54: {  	[sflag:s17] =	ssyncadd.s32 $0xFFFFFFB0  }
0x55: {  	[spmem:s2] =	stream.indirect.scatter.add.f32 [tilespmem:s20], [sflag:$0x1], $0x80, s3, s19, $0xb8;
	[tilespmem:$0x1ED00] =	vst v63  }
0x56: {  	_ =	swait.ge [sflag:s17], $0x2800  }
0x57: {  	s22 =	sadd.s32 $0x14, s22;
	s24 =	smov.u32 s26;
	[sflag:s17] =	ssyncset.done $0x0  }
0x58: {  	s23 =	sadd.s32 s23, s14;
	[sflag:s17] =	ssyncadd.s32 $0xFFFFD800  }
0x59: {  	[tilespmem:s18], [sflag:$0x1] =	stream.linear.gather [hbm4b:s23+s3], $0x5000, $0x38;
	[tilespmem:$0x1ED00] =	vst v63  }
0x5a: {  	_ =	swait.ge [sflag:s17], $0x5000  }
0x5b: {  	[sflag:s17] =	ssyncset.done $0x0  }
0x5c: {  	[sflag:s17] =	ssyncadd.s32 $0xFFFFB000  }
0x5d: {  	[tilespmem:s3], [sflag:$0x1] =	stream.linear.gather [hbm4b:s22+s3], $0x50, $0x38;
	[tilespmem:$0x1ED00] =	vst v63  }
0x5e: {  	_ =	swait.ge [sflag:s17], $0x50  }
0x5f: {  	[sflag:s17] =	ssyncset.done $0x0  }
0x60: {  	[sflag:s17] =	ssyncadd.s32 $0xFFFFFFB0  }
0x61: {  	[spmem:s2] =	stream.indirect.scatter.add.f32 [tilespmem:s18], [sflag:$0x1], $0x80, s3, s19, $0xb8;
	[tilespmem:$0x1ED00] =	vst v63  }
0x62: {  	_ =	swait.ge [sflag:s17], $0x2800  }
0x63: {  	[sflag:s17] =	ssyncset.done $0x0  }
0x64: {  	s31 =	sadd.s32 $0xA, s22;
	[sflag:s17] =	ssyncadd.s32 $0xFFFFD800  }
0x65: {  	[tilespmem:s3], [sflag:$0x1] =	stream.linear.gather [hbm4b:s31+s3], $0x50, $0x38;
	[tilespmem:$0x1ED00] =	vst v63  }
0x66: {  	_ =	swait.ge [sflag:s17], $0x50  }
0x67: {  	[sflag:s17] =	ssyncset.done $0x0  }
0x68: {  	[sflag:s17] =	ssyncadd.s32 $0xFFFFFFB0  }
0x69: {  	[spmem:s2] =	stream.indirect.scatter.add.f32 [tilespmem:s20], [sflag:$0x1], $0x80, s3, s19, $0xb8;
	[tilespmem:$0x1ED00] =	vst v63  }
0x6a: {  	_ =	swait.ge [sflag:s17], $0x2800  }
0x6b: {  	[sflag:s17] =	ssyncset.done $0x0  }
0x6c: {  	[sflag:s17] =	ssyncadd.s32 $0xFFFFD800  }
0x6d: {  	[bflag:$0x0] =	sbarrier.arrive $0xFFFF  }
0x6e: {  	[tilespmem:s16], [sflag:$0x1] =	stream.linear.gather [spmem:s5], $0x6400, $0x38;
	[tilespmem:$0x1ED00] =	vst v63  }
0x6f: {  	_ =	swait.ge [sflag:s17], $0x6400  }
0x70: {  	[sflag:s17] =	ssyncset.done $0x0  }
0x71: {  	[sflag:s17] =	ssyncadd.s32 $0xFFFF9C00  }
0x72: {  	[hbm4b:s9+s3] =	stream.linear.scatter [tilespmem:s16], [sflag:$0x1], $0x6400, $0x38;
	[tilespmem:$0x1ED00] =	vst v63  }
0x73: {  	_ =	swait.ge [sflag:s17], $0x6400  }
0x74: {  	[sflag:s17] =	ssyncset.done $0x0  }
0x75: {  	[sflag:s17] =	ssyncadd.s32 $0xFFFF9C00  }
0x76: {  	[tilespmem:s16], [sflag:$0x1] =	stream.linear.gather [spmem:s6], $0x6400, $0x38;
	[tilespmem:$0x1ED00] =	vst v63  }
0x77: {  	_ =	swait.ge [sflag:s17], $0x6400  }
0x78: {  	[sflag:s17] =	ssyncset.done $0x0  }
0x79: {  	[sflag:s17] =	ssyncadd.s32 $0xFFFF9C00  }
0x7a: {  	[hbm4b:s10+s3] =	stream.linear.scatter [tilespmem:s16], [sflag:$0x1], $0x6400, $0x38;
	[tilespmem:$0x1ED00] =	vst v63  }
0x7b: {  	_ =	swait.ge [sflag:s17], $0x6400  }
0x7c: {  	[sflag:s17] =	ssyncset.done $0x0  }
0x7d: {  	[sflag:s17] =	ssyncadd.s32 $0xFFFF9C00  }
0x7e: {  	[tilespmem:s16], [sflag:$0x1] =	stream.linear.gather [spmem:s7], $0x6400, $0x38;
	[tilespmem:$0x1ED00] =	vst v63  }
0x7f: {  	_ =	swait.ge [sflag:s17], $0x6400  }
0x80: {  	[sflag:s17] =	ssyncset.done $0x0  }
0x81: {  	[sflag:s17] =	ssyncadd.s32 $0xFFFF9C00  }
0x82: {  	[hbm4b:s11+s3] =	stream.linear.scatter [tilespmem:s16], [sflag:$0x1], $0x6400, $0x38;
	[tilespmem:$0x1ED00] =	vst v63  }
0x83: {  	_ =	swait.ge [sflag:s17], $0x6400  }
0x84: {  	[sflag:s17] =	ssyncset.done $0x0  }
0x85: {  	s23 =	simm.s32 @!p0 $0x1;
	s22 =	simm.s32 @!p0 $0x5080;
	[sflag:s17] =	ssyncadd.s32 $0xFFFF9C00  }
0x86: {  	[tilespmem:s22], [sflag:$0x1] =	stream.linear.gather @!p0 [spmem:s8], $0x6400, $0x38;
	[tilespmem:$0x1ED00] =	vst v63  }
0x87: {  	s21 =	sadd.s32 $0x1, s21;
	_ =	swait.ge @!p0 [sflag:s23], $0x6400  }
0x88: {  	p1 =	sne.s32 s21, s13;
	[sflag:s23] =	ssyncset.done @!p0 $0x0  }
.Ltmp1:
0x89: {  	s24 =	simm.s32 @!p0 $0x0;
	[sflag:s23] =	ssyncadd.s32 @!p0 $0xFFFF9C00;
	(pc) =	sbr.rel @p1 .LBB2_1-.Ltmp1, $4  }
0x8a: {  	[hbm4b:s12+s24] =	stream.linear.scatter @!p0 [tilespmem:s22], [sflag:$0x1], $0x6400, $0x38;
	[tilespmem:$0x1ED00] =	vst v63  }
0x8b: {  	_ =	swait.ge @!p0 [sflag:s23], $0x6400  }
0x8c: {  	[sflag:s23] =	ssyncset.done @!p0 $0x0  }
0x8d: {  	[sflag:s23] =	ssyncadd.s32 @!p0 $0xFFFF9C00  }
0x8e: {  	_ =	sfence.sel $0x180000  }
0x8f: {  	[bflag:$0x0] =	sbarrier.arrive $0xFFFF  }
0x90: {  	p0 =	sne.s32 s0, $0x0;
	_ =	strace $0x90000050  }
0x91: {  	s0 =	sadd.s32 @!p0 $0x100000, s1;
	[bflag:$0x2] =	sbarrier.arrive $0xFFFF  }
0x92: {  	[sflag:s0] =	ssyncadd.tile.s32 @!p0 $0x1;
	_ =	shalt  }
.Lfunc_end2:
_tile_overlayer_lowered:
.L_overlay_start_2:
0x93: {  	(tag) =	ssettag $0x2  }
0x94: {  	s0 =	rddreg [dreg:$0x0];
	s2 =	stileid.u32  }
0x95: {  	s1 =	rddreg [dreg:$0x1];
	p0 =	sne.s32 s2, $0x0  }
0x96: {  	s3 =	rddreg [dreg:$0x2];
	[bflag:$0x3] =	sbarrier.arrive $0xFFFF;
	s2 =	simm.s32 @!p0 $0x1C01  }
0x97: {  	[timem:s3], [sflag:s2] =	dma.local @!p0 [hbm:s0], s1  }
0x98: {  	s0 =	simm.s32 @!p0 $0x1  }
0x99: {  	_ =	swait.ge @!p0 [sflag:s0], s1  }
0x9a: {  	s1 =	ssub.s32 @!p0 $0x0, s1;
	[sflag:s0] =	ssyncset.done @!p0 $0x0  }
0x9b: {  	[sflag:s0] =	ssyncadd.s32 @!p0 s1  }
0x9c: {  	[bflag:$0x3] =	sbarrier.arrive $0xFFFF  }
0x9d: {  	_ =	shalt  }

</sc_bundles>
